<compile_context>
chip_gen: v7x
topology: tpu7x:2x2x1
jax: 0.10.2.dev20260603
libtpu: 0.0.44.dev20260713+nightly
codegen_flags: <defaults>
</compile_context>

<pallas_src>
import functools

import numpy as np

import jax
import jax.numpy as jnp
from jax import lax
from jax.experimental import pallas as pl
from jax.experimental.pallas import tpu as pltpu
from jax.experimental.pallas import tpu_sc as plsc

B, S, FI, K, OF = 8, 1024, 64, 32, 128
EPS = 1e-5
_NW = 32


_RT = 128


def _exchange(k, v, j, kk, iota):
    n = k.shape[0]
    is_a = (iota & j) == 0
    pk = jnp.where(is_a, pltpu.roll(k, n - j, 0), pltpu.roll(k, j, 0))
    pv = jnp.where(is_a, pltpu.roll(v, n - j, 0), pltpu.roll(v, j, 0))
    lt = k < pk
    wantmin = is_a == ((iota & kk) == 0)
    keep = lt == wantmin
    return jnp.where(keep, k, pk), jnp.where(keep, v, pv)


def _merge_pairs(k, v):
    r = k.shape[1]
    g = k.shape[0] // 64
    pk = pltpu.roll(k, k.shape[0] - 32, 0)
    pv = pltpu.roll(v, v.shape[0] - 32, 0)
    lt = (k < pk) | ((k == pk) & (v < pv))
    mk = jnp.where(lt, k, pk).reshape(g, 2, 32, r)
    mv = jnp.where(lt, v, pv).reshape(g, 2, 32, r)
    return mk[:, 0].reshape(-1, r), mv[:, 0].reshape(-1, r)


def _knn_body(xa_ref, xt_ref, out_ref):
    b = pl.program_id(0)
    xa = xa_ref[0]
    xt = xt_ref[0]
    sqa = jnp.sum(xa * xa, axis=1, keepdims=True)
    sqt = lax.dot_general(jnp.ones((1, FI), jnp.float32), xt * xt,
                          (((1,), (1,)), ((), ())),
                          preferred_element_type=jnp.float32,
                          precision=lax.Precision.HIGHEST)
    dot = lax.dot_general(xa, xt, (((1,), (1,)), ((), ())),
                          preferred_element_type=jnp.float32)
    key = sqa + sqt - 2.0 * dot
    val = lax.broadcasted_iota(jnp.int32, (S, _RT), 0)

    iota = lax.broadcasted_iota(jnp.int32, (S, 1), 0)
    for kk in (2, 4, 8, 16, 32):
        j = kk // 2
        while j >= 1:
            key, val = _exchange(key, val, j, kk, iota)
            j //= 2
    while key.shape[0] > K:
        key, val = _merge_pairs(key, val)
        iota = lax.broadcasted_iota(jnp.int32, (key.shape[0], 1), 0)
        for j in (16, 8, 4, 2, 1):
            key, val = _exchange(key, val, j, 32, iota)
    out_ref[0] = val + b * S


def _knn(x):
    return pl.pallas_call(
        _knn_body,
        grid=(B, S // _RT),
        in_specs=[
            pl.BlockSpec((1, S, FI), lambda b, i: (b, 0, 0)),
            pl.BlockSpec((1, _RT, FI), lambda b, i: (b, i, 0)),
        ],
        out_specs=pl.BlockSpec((1, K, _RT), lambda b, i: (b, 0, i)),
        out_shape=jax.ShapeDtypeStruct((B, K, S), jnp.int32),
    )(x, x)



_CHUNK = 128
_N = B * S * K


def _gather_body(xf_hbm, gidx_hbm, out_hbm, idx_v, rows_v, sem):
    wid = lax.axis_index("s") * 2 + lax.axis_index("c")
    n_w = _N // _NW
    base = wid * n_w

    def body(i, carry):
        off = base + i * _CHUNK
        pltpu.sync_copy(gidx_hbm.at[pl.ds(off, _CHUNK)], idx_v)
        pltpu.async_copy(xf_hbm.at[idx_v], rows_v, sem).wait()
        pltpu.sync_copy(rows_v, out_hbm.at[pl.ds(off, _CHUNK)])
        return carry

    lax.fori_loop(0, n_w // _CHUNK, body, 0)


@functools.cache
def _make_gather():
    return pl.kernel(
        _gather_body,
        out_type=jax.ShapeDtypeStruct((_N, FI), jnp.float32),
        mesh=plsc.VectorSubcoreMesh(core_axis_name="c", subcore_axis_name="s"),
        scratch_types=[
            pltpu.VMEM((_CHUNK,), jnp.int32),
            pltpu.VMEM((_CHUNK, FI), jnp.float32),
            pltpu.SemaphoreType.DMA,
        ],
        compiler_params=pltpu.CompilerParams(use_tc_tiling_on_sc=False),
    )



_SB = 8


def _mlp_body(gx_ref, xc_ref, w1a_ref, w1b_ref, w2_ref, b1_ref, b2_ref,
              gam_ref, bet_ref, out_ref, h1_ref):
    st = xc_ref[0]
    a1 = lax.dot_general(st, w1a_ref[...], (((1,), (1,)), ((), ())),
                         preferred_element_type=jnp.float32)
    nkd = (st[None] - gx_ref[...]).reshape(B * _SB * K, FI)
    a2 = lax.dot_general(nkd, w1b_ref[...], (((1,), (1,)), ((), ())),
                         preferred_element_type=jnp.float32)
    a2 = a2.reshape(B, _SB * K, OF)
    h1_ref[...] = (a1 + b1_ref[...])[None] + a2

    gam = gam_ref[...]
    bet = bet_ref[...]
    nelem = jnp.float32(B * K * OF)

    def _stats(slab):
        ssum = jnp.sum(jnp.sum(jnp.sum(slab, axis=2, keepdims=True), axis=1,
                               keepdims=True), axis=0, keepdims=True)
        ssq = jnp.sum(jnp.sum(jnp.sum(slab * slab, axis=2, keepdims=True),
                              axis=1, keepdims=True), axis=0, keepdims=True)
        m = ssum / nelem
        return m, ssq / nelem - m * m

    for sl in range(_SB):
        slab = h1_ref[:, sl * K:(sl + 1) * K, :]
        m, v = _stats(slab)
        gam_s = lax.slice(gam, (0, 0, sl), (1, 1, sl + 1))
        bet_s = lax.slice(bet, (0, 0, sl), (1, 1, sl + 1))
        a = gam_s * lax.rsqrt(v + EPS)
        h1_ref[:, sl * K:(sl + 1) * K, :] = jnp.maximum(
            (slab - m) * a + bet_s, 0.0)

    h2 = lax.dot_general(h1_ref[...].reshape(B * _SB * K, OF), w2_ref[...],
                         (((1,), (1,)), ((), ())),
                         preferred_element_type=jnp.float32) + b2_ref[...]
    h1_ref[...] = h2.reshape(B, _SB * K, OF)

    for sl in range(_SB):
        slab = h1_ref[:, sl * K:(sl + 1) * K, :]
        m, v = _stats(slab)
        gam_s = lax.slice(gam, (0, 0, sl), (1, 1, sl + 1))
        bet_s = lax.slice(bet, (0, 0, sl), (1, 1, sl + 1))
        a = gam_s * lax.rsqrt(v + EPS)
        hb2 = jnp.maximum((slab - m) * a + bet_s, 0.0)
        out_ref[:, sl, :] = jnp.max(hb2, axis=1)


def _mlp(gx, xc, w1a, w1b, w2, b1, b2, gam, bet):
    nblk = S // _SB
    return pl.pallas_call(
        _mlp_body,
        grid=(nblk,),
        in_specs=[
            pl.BlockSpec((B, _SB * K, FI), lambda i: (0, i, 0)),
            pl.BlockSpec((1, _SB * K, FI), lambda i: (i % (B * S // (_SB * K)), 0, 0)),
            pl.BlockSpec((OF, FI), lambda i: (0, 0)),
            pl.BlockSpec((OF, FI), lambda i: (0, 0)),
            pl.BlockSpec((OF, OF), lambda i: (0, 0)),
            pl.BlockSpec((1, OF), lambda i: (0, 0)),
            pl.BlockSpec((1, OF), lambda i: (0, 0)),
            pl.BlockSpec((1, 1, _SB), lambda i: (i, 0, 0)),
            pl.BlockSpec((1, 1, _SB), lambda i: (i, 0, 0)),
        ],
        out_specs=pl.BlockSpec((B, _SB, OF), lambda i: (0, i, 0)),
        out_shape=jax.ShapeDtypeStruct((B, S, OF), jnp.float32),
        scratch_shapes=[pltpu.VMEM((B, _SB * K, OF), jnp.float32)],
    )(gx, xc, w1a, w1b, w2, b1, b2, gam, bet)




def kernel(x, W1, b1, W2, b2, gamma, beta):
    xf = x.reshape(B * S, FI)
    gidx = _knn(x).transpose(0, 2, 1)
    gx = _make_gather()(xf, gidx.reshape(-1))

    w1a, w1b = W1[:, :FI], W1[:, FI:]
    out = _mlp(
        gx.reshape(B, S * K, FI),
        xf.reshape(B * S // (_SB * K), _SB * K, FI),
        w1a, w1b, W2,
        b1.reshape(1, OF), b2.reshape(1, OF),
        gamma.reshape(S // _SB, 1, _SB), beta.reshape(S // _SB, 1, _SB),
    )
    return out

# --- scband reference (transcript-rebuilt; emitter-appended) ---
"""Pipeline reference for scband-pose-net-26096221291161 (READ-ONLY COPY).

The authoritative reference and input builder live on the scoring server;
editing this copy changes nothing except your own understanding.
"""

import jax, jax.numpy as jnp
import numpy as np

B, S, FI, K, OF = 8, 1024, 64, 32, 128

def setup_inputs(seed: int = 0) -> dict:
    key = jax.random.key(seed)
    k0, k1, k2, k3, k4 = jax.random.split(key, 5)
    x = jax.random.normal(k0, (B, S, FI), dtype=jnp.float32)
    lim1 = 1.0 / np.sqrt(2 * FI)
    W1 = jax.random.uniform(k1, (OF, 2 * FI), minval=-lim1, maxval=lim1, dtype=jnp.float32)
    b1 = jax.random.uniform(k2, (OF,), minval=-lim1, maxval=lim1, dtype=jnp.float32)
    lim2 = 1.0 / np.sqrt(OF)
    W2 = jax.random.uniform(k3, (OF, OF), minval=-lim2, maxval=lim2, dtype=jnp.float32)
    b2 = jax.random.uniform(k4, (OF,), minval=-lim2, maxval=lim2, dtype=jnp.float32)
    gamma = jnp.ones((S,), dtype=jnp.float32)
    beta = jnp.zeros((S,), dtype=jnp.float32)
    return {"x": x, "W1": W1, "b1": b1, "W2": W2, "b2": b2, "gamma": gamma, "beta": beta}

def _bn(h, gamma, beta, eps=1e-5):
    # training-mode BatchNorm2d with channels = sam_num (axis 1); biased variance
    m = jnp.mean(h, axis=(0, 2, 3), keepdims=True)
    v = jnp.var(h, axis=(0, 2, 3), keepdims=True)
    hn = (h - m) / jnp.sqrt(v + eps)
    return hn * gamma[None, :, None, None] + beta[None, :, None, None]

def reference(x, W1, b1, W2, b2, gamma, beta):
    # SampGroup.forward with sam_num >= 500 -> sam_point = x (FPS skipped)
    sam = x
    # knn: exact k-NN by squared Euclidean distance (sklearn NearestNeighbors equivalent)
    sq = jnp.sum(sam * sam, axis=-1)
    d = sq[:, :, None] + sq[:, None, :] - 2.0 * jnp.einsum('bif,bjf->bij', sam, sam)
    _, idx = jax.lax.top_k(-d, K)  # [B,S,K] neighbor indices (includes self)
    gro = jax.vmap(lambda s, i: s[i])(sam, idx)  # gather neighbor features [B,S,K,FI]
    # faithful to torch: sam_point.repeat(1,k,1,1).view(B,S,k,FI)
    sam_t = jnp.tile(sam, (1, K, 1, 1)).reshape(B, S, K, FI)
    nkd = sam_t - gro
    h = jnp.concatenate([sam_t, nkd], axis=3)  # [B,S,K,2*FI]
    h = jnp.einsum('bskf,of->bsko', h, W1) + b1
    h = jax.nn.relu(_bn(h, gamma, beta))
    h = jnp.einsum('bskf,of->bsko', h, W2) + b2
    h = jax.nn.relu(_bn(h, gamma, beta))
    # MaxPool2d((k,1)) over the neighbor axis
    out = jnp.max(h, axis=2).reshape(B, S, OF)
    return out

if __name__ == "__main__":
    import jax
    _d = setup_inputs()
    print(jax.jit(kernel)(*tuple(_d.values())))

</pallas_src>

<mosaic_0001>
#map = affine_map<(d0, d1) -> (0, 0)>
#map1 = affine_map<(d0, d1) -> (0)>
module attributes {stable_mosaic.version = 14 : i64} {
  func.func @_gather_body(%arg0: i32, %arg1: i32, %arg2: memref<8192x64xf32, #tpu.memory_space<hbm>>, %arg3: memref<262144xi32, #tpu.memory_space<hbm>>, %arg4: memref<262144x64xf32, #tpu.memory_space<hbm>>, %arg5: memref<128xi32, #tpu.memory_space<vmem>>, %arg6: memref<128x64xf32, #tpu.memory_space<vmem>>, %arg7: memref<!tpu.dma_semaphore, #tpu.memory_space<semaphore_mem>>) attributes {dimension_semantics = [#tpu.dimension_semantics<core_parallel>, #tpu.dimension_semantics<subcore_parallel>], iteration_bounds = array<i64: 2, 16>, scalar_prefetch = 0 : i64, scratch_operands = 3 : i64, tpu.core_type = #tpu.core_type<sc_vector_subcore>, window_params = [{transform_indices = #map}, {transform_indices = #map1}, {transform_indices = #map}]} {
    %mul3A = arith.constant 2 : i32
    %mul3A_0 = arith.muli %arg1, %mul3A : i32
    %add3A = arith.addi %mul3A_0, %arg0 : i32
    %mul3A_1 = arith.constant 8192 : i32
    %mul3A_2 = arith.muli %add3A, %mul3A_1 : i32
    %scan3A = arith.constant 0 : i32
    %scan3A_3 = arith.constant 0 : i32
    %scan3A_4 = arith.constant 64 : i32
    %scan3A_5 = arith.addi %scan3A_3, %scan3A_4 : i32
    %scan3A_6 = arith.constant 1 : i32
    scf.for %scan3A_8 = %scan3A_3 to %scan3A_5 step %scan3A_6  : i32 {
      %mul3A_9 = arith.constant 128 : i32
      %mul3A_10 = arith.muli %scan3A_8, %mul3A_9 : i32
      %add3A_11 = arith.addi %mul3A_2, %mul3A_10 : i32
      "tpu.region"() ({
        %run_scoped3A = tpu.sem_alloc : memref<!tpu.dma_semaphore, #tpu.memory_space<semaphore_mem>>
        %dma_start3A_16 = tpu.memref_slice %arg3[%add3A_11] : memref<262144xi32, #tpu.memory_space<hbm>> -> memref<128xi32, #tpu.memory_space<hbm>>
        %dma_start3A_17 = tpu.memref_slice %arg3[%add3A_11] : memref<262144xi32, #tpu.memory_space<hbm>> -> memref<128xi32, #tpu.memory_space<hbm>>
        tpu.enqueue_dma source(%dma_start3A_17 : memref<128xi32, #tpu.memory_space<hbm>>) target(%arg5 : memref<128xi32, #tpu.memory_space<vmem>>) target_semaphore(%run_scoped3A : memref<!tpu.dma_semaphore, #tpu.memory_space<semaphore_mem>>)
        %dma_wait3A_18 = tpu.memref_slice %arg3[%add3A_11] : memref<262144xi32, #tpu.memory_space<hbm>> -> memref<128xi32, #tpu.memory_space<hbm>>
        %dma_wait3A_19 = tpu.memref_slice %arg3[%add3A_11] : memref<262144xi32, #tpu.memory_space<hbm>> -> memref<128xi32, #tpu.memory_space<hbm>>
        tpu.wait_dma2 semaphore(%run_scoped3A : memref<!tpu.dma_semaphore, #tpu.memory_space<semaphore_mem>>) src(%dma_wait3A_19 : memref<128xi32, #tpu.memory_space<hbm>>) dst(%arg5 : memref<128xi32, #tpu.memory_space<vmem>>)
        tpu.yield
      }) : () -> ()
      %dma_start3A = arith.constant 0 : i32
      %dma_start3A_12 = arith.constant 0 : i32
      %dma_start3A_13 = tpu.memref_slice %arg2[%dma_start3A, %dma_start3A_12] : memref<8192x64xf32, #tpu.memory_space<hbm>> -> memref<8192x64xf32, #tpu.memory_space<hbm>>
      tpu.enqueue_indirect_dma source(%dma_start3A_13 : memref<8192x64xf32, #tpu.memory_space<hbm>>) target(%arg6 : memref<128x64xf32, #tpu.memory_space<vmem>>) offsets(%arg5 : memref<128xi32, #tpu.memory_space<vmem>>) semaphore(%arg7 : memref<!tpu.dma_semaphore, #tpu.memory_space<semaphore_mem>>)
      %dma_wait3A = arith.constant 0 : i32
      %dma_wait3A_14 = arith.constant 0 : i32
      %dma_wait3A_15 = tpu.memref_slice %arg2[%dma_wait3A, %dma_wait3A_14] : memref<8192x64xf32, #tpu.memory_space<hbm>> -> memref<8192x64xf32, #tpu.memory_space<hbm>>
      tpu.wait_indirect_dma semaphore(%arg7 : memref<!tpu.dma_semaphore, #tpu.memory_space<semaphore_mem>>) src(%dma_wait3A_15 : memref<8192x64xf32, #tpu.memory_space<hbm>>) dst(%arg6 : memref<128x64xf32, #tpu.memory_space<vmem>>)
      "tpu.region"() ({
        %run_scoped3A = tpu.sem_alloc : memref<!tpu.dma_semaphore, #tpu.memory_space<semaphore_mem>>
        %dma_start3A_16 = arith.constant 0 : i32
        %dma_start3A_17 = tpu.memref_slice %arg4[%add3A_11, %dma_start3A_16] : memref<262144x64xf32, #tpu.memory_space<hbm>> -> memref<128x64xf32, #tpu.memory_space<hbm>>
        %dma_start3A_18 = arith.constant 0 : i32
        %dma_start3A_19 = tpu.memref_slice %arg4[%add3A_11, %dma_start3A_18] : memref<262144x64xf32, #tpu.memory_space<hbm>> -> memref<128x64xf32, #tpu.memory_space<hbm>>
        tpu.enqueue_dma source(%arg6 : memref<128x64xf32, #tpu.memory_space<vmem>>) target(%dma_start3A_19 : memref<128x64xf32, #tpu.memory_space<hbm>>) target_semaphore(%run_scoped3A : memref<!tpu.dma_semaphore, #tpu.memory_space<semaphore_mem>>)
        %dma_wait3A_20 = arith.constant 0 : i32
        %dma_wait3A_21 = tpu.memref_slice %arg4[%add3A_11, %dma_wait3A_20] : memref<262144x64xf32, #tpu.memory_space<hbm>> -> memref<128x64xf32, #tpu.memory_space<hbm>>
        %dma_wait3A_22 = arith.constant 0 : i32
        %dma_wait3A_23 = tpu.memref_slice %arg4[%add3A_11, %dma_wait3A_22] : memref<262144x64xf32, #tpu.memory_space<hbm>> -> memref<128x64xf32, #tpu.memory_space<hbm>>
        tpu.wait_dma2 semaphore(%run_scoped3A : memref<!tpu.dma_semaphore, #tpu.memory_space<semaphore_mem>>) src(%arg6 : memref<128x64xf32, #tpu.memory_space<vmem>>) dst(%dma_wait3A_23 : memref<128x64xf32, #tpu.memory_space<hbm>>)
        tpu.yield
      }) : () -> ()
    }
    %scan3A_7 = arith.constant 64 : i32
    return
  }
}

module attributes {stable_mosaic.version = 14 : i64} {
  func.func @_knn_body(%arg0: i32, %arg1: i32, %arg2: memref<1x1024x64xf32, #tpu.memory_space<vmem>>, %arg3: memref<1x128x64xf32, #tpu.memory_space<vmem>>, %arg4: memref<1x32x128xi32, #tpu.memory_space<vmem>>) attributes {dimension_semantics = [#tpu.dimension_semantics<arbitrary>, #tpu.dimension_semantics<arbitrary>], iteration_bounds = array<i64: 8, 8>, scalar_prefetch = 0 : i64, scratch_operands = 0 : i64, tpu.core_type = #tpu.core_type<tc>, window_params = [{transform_indices = @transform_0, window_bounds = array<i64: 1, 1024, 64>}, {transform_indices = @transform_1, window_bounds = array<i64: 1, 128, 64>}, {transform_indices = @transform_2, window_bounds = array<i64: 1, 32, 128>}]} {
    %get3A = arith.constant 0 : index
    %get3A_0 = arith.constant 0 : index
    %get3A_1 = arith.constant 0 : index
    %get3A_2 = vector.load %arg2[%get3A, %get3A_0, %get3A_1] : memref<1x1024x64xf32, #tpu.memory_space<vmem>>, vector<1x1024x64xf32>
    %get3A_3 = vector.shape_cast %get3A_2 : vector<1x1024x64xf32> to vector<1024x64xf32>
    %get3A_4 = arith.constant 0 : index
    %get3A_5 = arith.constant 0 : index
    %get3A_6 = arith.constant 0 : index
    %get3A_7 = vector.load %arg3[%get3A_4, %get3A_5, %get3A_6] : memref<1x128x64xf32, #tpu.memory_space<vmem>>, vector<1x128x64xf32>
    %get3A_8 = vector.shape_cast %get3A_7 : vector<1x128x64xf32> to vector<128x64xf32>
    %mul3A = arith.mulf %get3A_3, %get3A_3 : vector<1024x64xf32>
    %reduce_sum3A = arith.constant dense<0.000000e+00> : vector<1024xf32>
    %reduce_sum3A_9 = vector.multi_reduction <add>, %mul3A, %reduce_sum3A [1] : vector<1024x64xf32> to vector<1024xf32>
    %broadcast_in_dim3A = vector.shape_cast %reduce_sum3A_9 : vector<1024xf32> to vector<1024x1xf32>
    %broadcast_in_dim3A_10 = arith.constant 1.000000e+00 : f32
    %broadcast_in_dim3A_11 = vector.broadcast %broadcast_in_dim3A_10 : f32 to vector<1x64xf32>
    %mul3A_12 = arith.mulf %get3A_8, %get3A_8 : vector<128x64xf32>
    %dot_general3A = arith.constant dense<0.000000e+00> : vector<1x128xf32>
    %dot_general3A_13 = tpu.matmul %broadcast_in_dim3A_11, %mul3A_12, %dot_general3A {dimension_numbers = #tpu.dot_dimension_numbers<[1], [1], [0], [0], [0, 0, 1, 0], [], []>, precision = #tpu.contract_precision<fp32>, transpose_lhs_hint = false} : vector<1x64xf32>, vector<128x64xf32>, vector<1x128xf32> -> vector<1x128xf32>
    %dot_general3A_14 = arith.constant dense<0.000000e+00> : vector<1024x128xf32>
    %dot_general3A_15 = tpu.matmul %get3A_3, %get3A_8, %dot_general3A_14 {dimension_numbers = #tpu.dot_dimension_numbers<[1], [1], [0], [0], [0, 0, 1, 0], [], []>, transpose_lhs_hint = false} : vector<1024x64xf32>, vector<128x64xf32>, vector<1024x128xf32> -> vector<1024x128xf32>
    %add3A = vector.broadcast %broadcast_in_dim3A : vector<1024x1xf32> to vector<1024x128xf32>
    %add3A_16 = vector.broadcast %dot_general3A_13 : vector<1x128xf32> to vector<1024x128xf32>
    %add3A_17 = arith.addf %add3A, %add3A_16 : vector<1024x128xf32>
    %mul3A_18 = arith.constant 2.000000e+00 : f32
    %mul3A_19 = vector.broadcast %mul3A_18 : f32 to vector<1024x128xf32>
    %mul3A_20 = arith.mulf %mul3A_19, %dot_general3A_15 : vector<1024x128xf32>
    %sub3A = arith.subf %add3A_17, %mul3A_20 : vector<1024x128xf32>
    %iota3A = tpu.iota {dimensions = array<i32: 0>} : vector<1024x128xi32>
    %iota3A_21 = tpu.iota {dimensions = array<i32: 0>} : vector<1024x1xi32>
    %and3A = arith.constant 1 : i32
    %and3A_22 = vector.broadcast %and3A : i32 to vector<1024x1xi32>
    %and3A_23 = arith.andi %iota3A_21, %and3A_22 : vector<1024x1xi32>
    %eq3A = arith.constant 0 : i32
    %eq3A_24 = vector.broadcast %eq3A : i32 to vector<1024x1xi32>
    %eq3A_25 = arith.cmpi eq, %and3A_23, %eq3A_24 : vector<1024x1xi32>
    %roll3A = arith.constant 1023 : i32
    %roll3A_26 = tpu.dynamic_rotate %sub3A by %roll3A dim 0 : vector<1024x128xf32>, i32 -> vector<1024x128xf32>
    %roll3A_27 = arith.constant 1 : i32
    %roll3A_28 = tpu.dynamic_rotate %sub3A by %roll3A_27 dim 0 : vector<1024x128xf32>, i32 -> vector<1024x128xf32>
    %broadcast_in_dim3A_29 = vector.shape_cast %eq3A_25 : vector<1024x1xi1> to vector<1024x1xi1>
    %broadcast_in_dim3A_30 = vector.broadcast %broadcast_in_dim3A_29 : vector<1024x1xi1> to vector<1024x128xi1>
    %select_n3A = arith.select %broadcast_in_dim3A_30, %roll3A_26, %roll3A_28 : vector<1024x128xi1>, vector<1024x128xf32>
    %roll3A_31 = arith.constant 1023 : i32
    %roll3A_32 = tpu.dynamic_rotate %iota3A by %roll3A_31 dim 0 : vector<1024x128xi32>, i32 -> vector<1024x128xi32>
    %roll3A_33 = arith.constant 1 : i32
    %roll3A_34 = tpu.dynamic_rotate %iota3A by %roll3A_33 dim 0 : vector<1024x128xi32>, i32 -> vector<1024x128xi32>
    %broadcast_in_dim3A_35 = vector.shape_cast %eq3A_25 : vector<1024x1xi1> to vector<1024x1xi1>
    %broadcast_in_dim3A_36 = vector.broadcast %broadcast_in_dim3A_35 : vector<1024x1xi1> to vector<1024x128xi1>
    %select_n3A_37 = arith.select %broadcast_in_dim3A_36, %roll3A_32, %roll3A_34 : vector<1024x128xi1>, vector<1024x128xi32>
    %lt3A = arith.cmpf olt, %sub3A, %select_n3A : vector<1024x128xf32>
    %and3A_38 = arith.constant 2 : i32
    %and3A_39 = vector.broadcast %and3A_38 : i32 to vector<1024x1xi32>
    %and3A_40 = arith.andi %iota3A_21, %and3A_39 : vector<1024x1xi32>
    %eq3A_41 = arith.constant 0 : i32
    %eq3A_42 = vector.broadcast %eq3A_41 : i32 to vector<1024x1xi32>
    %eq3A_43 = arith.cmpi eq, %and3A_40, %eq3A_42 : vector<1024x1xi32>
    %eq3A_44 = arith.xori %eq3A_25, %eq3A_43 : vector<1024x1xi1>
    %eq3A_45 = arith.constant dense<true> : vector<1024x1xi1>
    %eq3A_46 = arith.xori %eq3A_44, %eq3A_45 : vector<1024x1xi1>
    %eq3A_47 = vector.broadcast %eq3A_46 : vector<1024x1xi1> to vector<1024x128xi1>
    %eq3A_48 = vector.broadcast %eq3A_47 : vector<1024x128xi1> to vector<1024x128xi1>
    %eq3A_49 = arith.xori %lt3A, %eq3A_48 : vector<1024x128xi1>
    %eq3A_50 = arith.constant dense<true> : vector<1024x128xi1>
    %eq3A_51 = arith.xori %eq3A_49, %eq3A_50 : vector<1024x128xi1>
    %select_n3A_52 = arith.select %eq3A_51, %sub3A, %select_n3A : vector<1024x128xi1>, vector<1024x128xf32>
    %select_n3A_53 = arith.select %eq3A_51, %iota3A, %select_n3A_37 : vector<1024x128xi1>, vector<1024x128xi32>
    %and3A_54 = arith.constant 2 : i32
    %and3A_55 = vector.broadcast %and3A_54 : i32 to vector<1024x1xi32>
    %and3A_56 = arith.andi %iota3A_21, %and3A_55 : vector<1024x1xi32>
    %eq3A_57 = arith.constant 0 : i32
    %eq3A_58 = vector.broadcast %eq3A_57 : i32 to vector<1024x1xi32>
    %eq3A_59 = arith.cmpi eq, %and3A_56, %eq3A_58 : vector<1024x1xi32>
    %roll3A_60 = arith.constant 1022 : i32
    %roll3A_61 = tpu.dynamic_rotate %select_n3A_52 by %roll3A_60 dim 0 : vector<1024x128xf32>, i32 -> vector<1024x128xf32>
    %roll3A_62 = arith.constant 2 : i32
    %roll3A_63 = tpu.dynamic_rotate %select_n3A_52 by %roll3A_62 dim 0 : vector<1024x128xf32>, i32 -> vector<1024x128xf32>
    %broadcast_in_dim3A_64 = vector.shape_cast %eq3A_59 : vector<1024x1xi1> to vector<1024x1xi1>
    %broadcast_in_dim3A_65 = vector.broadcast %broadcast_in_dim3A_64 : vector<1024x1xi1> to vector<1024x128xi1>
    %select_n3A_66 = arith.select %broadcast_in_dim3A_65, %roll3A_61, %roll3A_63 : vector<1024x128xi1>, vector<1024x128xf32>
    %roll3A_67 = arith.constant 1022 : i32
    %roll3A_68 = tpu.dynamic_rotate %select_n3A_53 by %roll3A_67 dim 0 : vector<1024x128xi32>, i32 -> vector<1024x128xi32>
    %roll3A_69 = arith.constant 2 : i32
    %roll3A_70 = tpu.dynamic_rotate %select_n3A_53 by %roll3A_69 dim 0 : vector<1024x128xi32>, i32 -> vector<1024x128xi32>
    %broadcast_in_dim3A_71 = vector.shape_cast %eq3A_59 : vector<1024x1xi1> to vector<1024x1xi1>
    %broadcast_in_dim3A_72 = vector.broadcast %broadcast_in_dim3A_71 : vector<1024x1xi1> to vector<1024x128xi1>
    %select_n3A_73 = arith.select %broadcast_in_dim3A_72, %roll3A_68, %roll3A_70 : vector<1024x128xi1>, vector<1024x128xi32>
    %lt3A_74 = arith.cmpf olt, %select_n3A_52, %select_n3A_66 : vector<1024x128xf32>
    %and3A_75 = arith.constant 4 : i32
    %and3A_76 = vector.broadcast %and3A_75 : i32 to vector<1024x1xi32>
    %and3A_77 = arith.andi %iota3A_21, %and3A_76 : vector<1024x1xi32>
    %eq3A_78 = arith.constant 0 : i32
    %eq3A_79 = vector.broadcast %eq3A_78 : i32 to vector<1024x1xi32>
    %eq3A_80 = arith.cmpi eq, %and3A_77, %eq3A_79 : vector<1024x1xi32>
    %eq3A_81 = arith.xori %eq3A_59, %eq3A_80 : vector<1024x1xi1>
    %eq3A_82 = arith.constant dense<true> : vector<1024x1xi1>
    %eq3A_83 = arith.xori %eq3A_81, %eq3A_82 : vector<1024x1xi1>
    %eq3A_84 = vector.broadcast %eq3A_83 : vector<1024x1xi1> to vector<1024x128xi1>
    %eq3A_85 = vector.broadcast %eq3A_84 : vector<1024x128xi1> to vector<1024x128xi1>
    %eq3A_86 = arith.xori %lt3A_74, %eq3A_85 : vector<1024x128xi1>
    %eq3A_87 = arith.constant dense<true> : vector<1024x128xi1>
    %eq3A_88 = arith.xori %eq3A_86, %eq3A_87 : vector<1024x128xi1>
    %select_n3A_89 = arith.select %eq3A_88, %select_n3A_52, %select_n3A_66 : vector<1024x128xi1>, vector<1024x128xf32>
    %select_n3A_90 = arith.select %eq3A_88, %select_n3A_53, %select_n3A_73 : vector<1024x128xi1>, vector<1024x128xi32>
    %and3A_91 = arith.constant 1 : i32
    %and3A_92 = vector.broadcast %and3A_91 : i32 to vector<1024x1xi32>
    %and3A_93 = arith.andi %iota3A_21, %and3A_92 : vector<1024x1xi32>
    %eq3A_94 = arith.constant 0 : i32
    %eq3A_95 = vector.broadcast %eq3A_94 : i32 to vector<1024x1xi32>
    %eq3A_96 = arith.cmpi eq, %and3A_93, %eq3A_95 : vector<1024x1xi32>
    %roll3A_97 = arith.constant 1023 : i32
    %roll3A_98 = tpu.dynamic_rotate %select_n3A_89 by %roll3A_97 dim 0 : vector<1024x128xf32>, i32 -> vector<1024x128xf32>
    %roll3A_99 = arith.constant 1 : i32
    %roll3A_100 = tpu.dynamic_rotate %select_n3A_89 by %roll3A_99 dim 0 : vector<1024x128xf32>, i32 -> vector<1024x128xf32>
    %broadcast_in_dim3A_101 = vector.shape_cast %eq3A_96 : vector<1024x1xi1> to vector<1024x1xi1>
    %broadcast_in_dim3A_102 = vector.broadcast %broadcast_in_dim3A_101 : vector<1024x1xi1> to vector<1024x128xi1>
    %select_n3A_103 = arith.select %broadcast_in_dim3A_102, %roll3A_98, %roll3A_100 : vector<1024x128xi1>, vector<1024x128xf32>
    %roll3A_104 = arith.constant 1023 : i32
    %roll3A_105 = tpu.dynamic_rotate %select_n3A_90 by %roll3A_104 dim 0 : vector<1024x128xi32>, i32 -> vector<1024x128xi32>
    %roll3A_106 = arith.constant 1 : i32
    %roll3A_107 = tpu.dynamic_rotate %select_n3A_90 by %roll3A_106 dim 0 : vector<1024x128xi32>, i32 -> vector<1024x128xi32>
    %broadcast_in_dim3A_108 = vector.shape_cast %eq3A_96 : vector<1024x1xi1> to vector<1024x1xi1>
    %broadcast_in_dim3A_109 = vector.broadcast %broadcast_in_dim3A_108 : vector<1024x1xi1> to vector<1024x128xi1>
    %select_n3A_110 = arith.select %broadcast_in_dim3A_109, %roll3A_105, %roll3A_107 : vector<1024x128xi1>, vector<1024x128xi32>
    %lt3A_111 = arith.cmpf olt, %select_n3A_89, %select_n3A_103 : vector<1024x128xf32>
    %and3A_112 = arith.constant 4 : i32
    %and3A_113 = vector.broadcast %and3A_112 : i32 to vector<1024x1xi32>
    %and3A_114 = arith.andi %iota3A_21, %and3A_113 : vector<1024x1xi32>
    %eq3A_115 = arith.constant 0 : i32
    %eq3A_116 = vector.broadcast %eq3A_115 : i32 to vector<1024x1xi32>
    %eq3A_117 = arith.cmpi eq, %and3A_114, %eq3A_116 : vector<1024x1xi32>
    %eq3A_118 = arith.xori %eq3A_96, %eq3A_117 : vector<1024x1xi1>
    %eq3A_119 = arith.constant dense<true> : vector<1024x1xi1>
    %eq3A_120 = arith.xori %eq3A_118, %eq3A_119 : vector<1024x1xi1>
    %eq3A_121 = vector.broadcast %eq3A_120 : vector<1024x1xi1> to vector<1024x128xi1>
    %eq3A_122 = vector.broadcast %eq3A_121 : vector<1024x128xi1> to vector<1024x128xi1>
    %eq3A_123 = arith.xori %lt3A_111, %eq3A_122 : vector<1024x128xi1>
    %eq3A_124 = arith.constant dense<true> : vector<1024x128xi1>
    %eq3A_125 = arith.xori %eq3A_123, %eq3A_124 : vector<1024x128xi1>
    %select_n3A_126 = arith.select %eq3A_125, %select_n3A_89, %select_n3A_103 : vector<1024x128xi1>, vector<1024x128xf32>
    %select_n3A_127 = arith.select %eq3A_125, %select_n3A_90, %select_n3A_110 : vector<1024x128xi1>, vector<1024x128xi32>
    %and3A_128 = arith.constant 4 : i32
    %and3A_129 = vector.broadcast %and3A_128 : i32 to vector<1024x1xi32>
    %and3A_130 = arith.andi %iota3A_21, %and3A_129 : vector<1024x1xi32>
    %eq3A_131 = arith.constant 0 : i32
    %eq3A_132 = vector.broadcast %eq3A_131 : i32 to vector<1024x1xi32>
    %eq3A_133 = arith.cmpi eq, %and3A_130, %eq3A_132 : vector<1024x1xi32>
    %roll3A_134 = arith.constant 1020 : i32
    %roll3A_135 = tpu.dynamic_rotate %select_n3A_126 by %roll3A_134 dim 0 : vector<1024x128xf32>, i32 -> vector<1024x128xf32>
    %roll3A_136 = arith.constant 4 : i32
    %roll3A_137 = tpu.dynamic_rotate %select_n3A_126 by %roll3A_136 dim 0 : vector<1024x128xf32>, i32 -> vector<1024x128xf32>
    %broadcast_in_dim3A_138 = vector.shape_cast %eq3A_133 : vector<1024x1xi1> to vector<1024x1xi1>
    %broadcast_in_dim3A_139 = vector.broadcast %broadcast_in_dim3A_138 : vector<1024x1xi1> to vector<1024x128xi1>
    %select_n3A_140 = arith.select %broadcast_in_dim3A_139, %roll3A_135, %roll3A_137 : vector<1024x128xi1>, vector<1024x128xf32>
    %roll3A_141 = arith.constant 1020 : i32
    %roll3A_142 = tpu.dynamic_rotate %select_n3A_127 by %roll3A_141 dim 0 : vector<1024x128xi32>, i32 -> vector<1024x128xi32>
    %roll3A_143 = arith.constant 4 : i32
    %roll3A_144 = tpu.dynamic_rotate %select_n3A_127 by %roll3A_143 dim 0 : vector<1024x128xi32>, i32 -> vector<1024x128xi32>
    %broadcast_in_dim3A_145 = vector.shape_cast %eq3A_133 : vector<1024x1xi1> to vector<1024x1xi1>
    %broadcast_in_dim3A_146 = vector.broadcast %broadcast_in_dim3A_145 : vector<1024x1xi1> to vector<1024x128xi1>
    %select_n3A_147 = arith.select %broadcast_in_dim3A_146, %roll3A_142, %roll3A_144 : vector<1024x128xi1>, vector<1024x128xi32>
    %lt3A_148 = arith.cmpf olt, %select_n3A_126, %select_n3A_140 : vector<1024x128xf32>
    %and3A_149 = arith.constant 8 : i32
    %and3A_150 = vector.broadcast %and3A_149 : i32 to vector<1024x1xi32>
    %and3A_151 = arith.andi %iota3A_21, %and3A_150 : vector<1024x1xi32>
    %eq3A_152 = arith.constant 0 : i32
    %eq3A_153 = vector.broadcast %eq3A_152 : i32 to vector<1024x1xi32>
    %eq3A_154 = arith.cmpi eq, %and3A_151, %eq3A_153 : vector<1024x1xi32>
    %eq3A_155 = arith.xori %eq3A_133, %eq3A_154 : vector<1024x1xi1>
    %eq3A_156 = arith.constant dense<true> : vector<1024x1xi1>
    %eq3A_157 = arith.xori %eq3A_155, %eq3A_156 : vector<1024x1xi1>
    %eq3A_158 = vector.broadcast %eq3A_157 : vector<1024x1xi1> to vector<1024x128xi1>
    %eq3A_159 = vector.broadcast %eq3A_158 : vector<1024x128xi1> to vector<1024x128xi1>
    %eq3A_160 = arith.xori %lt3A_148, %eq3A_159 : vector<1024x128xi1>
    %eq3A_161 = arith.constant dense<true> : vector<1024x128xi1>
    %eq3A_162 = arith.xori %eq3A_160, %eq3A_161 : vector<1024x128xi1>
    %select_n3A_163 = arith.select %eq3A_162, %select_n3A_126, %select_n3A_140 : vector<1024x128xi1>, vector<1024x128xf32>
    %select_n3A_164 = arith.select %eq3A_162, %select_n3A_127, %select_n3A_147 : vector<1024x128xi1>, vector<1024x128xi32>
    %and3A_165 = arith.constant 2 : i32
    %and3A_166 = vector.broadcast %and3A_165 : i32 to vector<1024x1xi32>
    %and3A_167 = arith.andi %iota3A_21, %and3A_166 : vector<1024x1xi32>
    %eq3A_168 = arith.constant 0 : i32
    %eq3A_169 = vector.broadcast %eq3A_168 : i32 to vector<1024x1xi32>
    %eq3A_170 = arith.cmpi eq, %and3A_167, %eq3A_169 : vector<1024x1xi32>
    %roll3A_171 = arith.constant 1022 : i32
    %roll3A_172 = tpu.dynamic_rotate %select_n3A_163 by %roll3A_171 dim 0 : vector<1024x128xf32>, i32 -> vector<1024x128xf32>
    %roll3A_173 = arith.constant 2 : i32
    %roll3A_174 = tpu.dynamic_rotate %select_n3A_163 by %roll3A_173 dim 0 : vector<1024x128xf32>, i32 -> vector<1024x128xf32>
    %broadcast_in_dim3A_175 = vector.shape_cast %eq3A_170 : vector<1024x1xi1> to vector<1024x1xi1>
    %broadcast_in_dim3A_176 = vector.broadcast %broadcast_in_dim3A_175 : vector<1024x1xi1> to vector<1024x128xi1>
    %select_n3A_177 = arith.select %broadcast_in_dim3A_176, %roll3A_172, %roll3A_174 : vector<1024x128xi1>, vector<1024x128xf32>
    %roll3A_178 = arith.constant 1022 : i32
    %roll3A_179 = tpu.dynamic_rotate %select_n3A_164 by %roll3A_178 dim 0 : vector<1024x128xi32>, i32 -> vector<1024x128xi32>
    %roll3A_180 = arith.constant 2 : i32
    %roll3A_181 = tpu.dynamic_rotate %select_n3A_164 by %roll3A_180 dim 0 : vector<1024x128xi32>, i32 -> vector<1024x128xi32>
    %broadcast_in_dim3A_182 = vector.shape_cast %eq3A_170 : vector<1024x1xi1> to vector<1024x1xi1>
    %broadcast_in_dim3A_183 = vector.broadcast %broadcast_in_dim3A_182 : vector<1024x1xi1> to vector<1024x128xi1>
    %select_n3A_184 = arith.select %broadcast_in_dim3A_183, %roll3A_179, %roll3A_181 : vector<1024x128xi1>, vector<1024x128xi32>
    %lt3A_185 = arith.cmpf olt, %select_n3A_163, %select_n3A_177 : vector<1024x128xf32>
    %and3A_186 = arith.constant 8 : i32
    %and3A_187 = vector.broadcast %and3A_186 : i32 to vector<1024x1xi32>
    %and3A_188 = arith.andi %iota3A_21, %and3A_187 : vector<1024x1xi32>
    %eq3A_189 = arith.constant 0 : i32
    %eq3A_190 = vector.broadcast %eq3A_189 : i32 to vector<1024x1xi32>
    %eq3A_191 = arith.cmpi eq, %and3A_188, %eq3A_190 : vector<1024x1xi32>
    %eq3A_192 = arith.xori %eq3A_170, %eq3A_191 : vector<1024x1xi1>
    %eq3A_193 = arith.constant dense<true> : vector<1024x1xi1>
    %eq3A_194 = arith.xori %eq3A_192, %eq3A_193 : vector<1024x1xi1>
    %eq3A_195 = vector.broadcast %eq3A_194 : vector<1024x1xi1> to vector<1024x128xi1>
    %eq3A_196 = vector.broadcast %eq3A_195 : vector<1024x128xi1> to vector<1024x128xi1>
    %eq3A_197 = arith.xori %lt3A_185, %eq3A_196 : vector<1024x128xi1>
    %eq3A_198 = arith.constant dense<true> : vector<1024x128xi1>
    %eq3A_199 = arith.xori %eq3A_197, %eq3A_198 : vector<1024x128xi1>
    %select_n3A_200 = arith.select %eq3A_199, %select_n3A_163, %select_n3A_177 : vector<1024x128xi1>, vector<1024x128xf32>
    %select_n3A_201 = arith.select %eq3A_199, %select_n3A_164, %select_n3A_184 : vector<1024x128xi1>, vector<1024x128xi32>
    %and3A_202 = arith.constant 1 : i32
    %and3A_203 = vector.broadcast %and3A_202 : i32 to vector<1024x1xi32>
    %and3A_204 = arith.andi %iota3A_21, %and3A_203 : vector<1024x1xi32>
    %eq3A_205 = arith.constant 0 : i32
    %eq3A_206 = vector.broadcast %eq3A_205 : i32 to vector<1024x1xi32>
    %eq3A_207 = arith.cmpi eq, %and3A_204, %eq3A_206 : vector<1024x1xi32>
    %roll3A_208 = arith.constant 1023 : i32
    %roll3A_209 = tpu.dynamic_rotate %select_n3A_200 by %roll3A_208 dim 0 : vector<1024x128xf32>, i32 -> vector<1024x128xf32>
    %roll3A_210 = arith.constant 1 : i32
    %roll3A_211 = tpu.dynamic_rotate %select_n3A_200 by %roll3A_210 dim 0 : vector<1024x128xf32>, i32 -> vector<1024x128xf32>
    %broadcast_in_dim3A_212 = vector.shape_cast %eq3A_207 : vector<1024x1xi1> to vector<1024x1xi1>
    %broadcast_in_dim3A_213 = vector.broadcast %broadcast_in_dim3A_212 : vector<1024x1xi1> to vector<1024x128xi1>
    %select_n3A_214 = arith.select %broadcast_in_dim3A_213, %roll3A_209, %roll3A_211 : vector<1024x128xi1>, vector<1024x128xf32>
    %roll3A_215 = arith.constant 1023 : i32
    %roll3A_216 = tpu.dynamic_rotate %select_n3A_201 by %roll3A_215 dim 0 : vector<1024x128xi32>, i32 -> vector<1024x128xi32>
    %roll3A_217 = arith.constant 1 : i32
    %roll3A_218 = tpu.dynamic_rotate %select_n3A_201 by %roll3A_217 dim 0 : vector<1024x128xi32>, i32 -> vector<1024x128xi32>
    %broadcast_in_dim3A_219 = vector.shape_cast %eq3A_207 : vector<1024x1xi1> to vector<1024x1xi1>
    %broadcast_in_dim3A_220 = vector.broadcast %broadcast_in_dim3A_219 : vector<1024x1xi1> to vector<1024x128xi1>
    %select_n3A_221 = arith.select %broadcast_in_dim3A_220, %roll3A_216, %roll3A_218 : vector<1024x128xi1>, vector<1024x128xi32>
    %lt3A_222 = arith.cmpf olt, %select_n3A_200, %select_n3A_214 : vector<1024x128xf32>
    %and3A_223 = arith.constant 8 : i32
    %and3A_224 = vector.broadcast %and3A_223 : i32 to vector<1024x1xi32>
    %and3A_225 = arith.andi %iota3A_21, %and3A_224 : vector<1024x1xi32>
    %eq3A_226 = arith.constant 0 : i32
    %eq3A_227 = vector.broadcast %eq3A_226 : i32 to vector<1024x1xi32>
    %eq3A_228 = arith.cmpi eq, %and3A_225, %eq3A_227 : vector<1024x1xi32>
    %eq3A_229 = arith.xori %eq3A_207, %eq3A_228 : vector<1024x1xi1>
    %eq3A_230 = arith.constant dense<true> : vector<1024x1xi1>
    %eq3A_231 = arith.xori %eq3A_229, %eq3A_230 : vector<1024x1xi1>
    %eq3A_232 = vector.broadcast %eq3A_231 : vector<1024x1xi1> to vector<1024x128xi1>
    %eq3A_233 = vector.broadcast %eq3A_232 : vector<1024x128xi1> to vector<1024x128xi1>
    %eq3A_234 = arith.xori %lt3A_222, %eq3A_233 : vector<1024x128xi1>
    %eq3A_235 = arith.constant dense<true> : vector<1024x128xi1>
    %eq3A_236 = arith.xori %eq3A_234, %eq3A_235 : vector<1024x128xi1>
    %select_n3A_237 = arith.select %eq3A_236, %select_n3A_200, %select_n3A_214 : vector<1024x128xi1>, vector<1024x128xf32>
    %select_n3A_238 = arith.select %eq3A_236, %select_n3A_201, %select_n3A_221 : vector<1024x128xi1>, vector<1024x128xi32>
    %and3A_239 = arith.constant 8 : i32
    %and3A_240 = vector.broadcast %and3A_239 : i32 to vector<1024x1xi32>
    %and3A_241 = arith.andi %iota3A_21, %and3A_240 : vector<1024x1xi32>
    %eq3A_242 = arith.constant 0 : i32
    %eq3A_243 = vector.broadcast %eq3A_242 : i32 to vector<1024x1xi32>
    %eq3A_244 = arith.cmpi eq, %and3A_241, %eq3A_243 : vector<1024x1xi32>
    %roll3A_245 = arith.constant 1016 : i32
    %roll3A_246 = tpu.dynamic_rotate %select_n3A_237 by %roll3A_245 dim 0 : vector<1024x128xf32>, i32 -> vector<1024x128xf32>
    %roll3A_247 = arith.constant 8 : i32
    %roll3A_248 = tpu.dynamic_rotate %select_n3A_237 by %roll3A_247 dim 0 : vector<1024x128xf32>, i32 -> vector<1024x128xf32>
    %broadcast_in_dim3A_249 = vector.shape_cast %eq3A_244 : vector<1024x1xi1> to vector<1024x1xi1>
    %broadcast_in_dim3A_250 = vector.broadcast %broadcast_in_dim3A_249 : vector<1024x1xi1> to vector<1024x128xi1>
    %select_n3A_251 = arith.select %broadcast_in_dim3A_250, %roll3A_246, %roll3A_248 : vector<1024x128xi1>, vector<1024x128xf32>
    %roll3A_252 = arith.constant 1016 : i32
    %roll3A_253 = tpu.dynamic_rotate %select_n3A_238 by %roll3A_252 dim 0 : vector<1024x128xi32>, i32 -> vector<1024x128xi32>
    %roll3A_254 = arith.constant 8 : i32
    %roll3A_255 = tpu.dynamic_rotate %select_n3A_238 by %roll3A_254 dim 0 : vector<1024x128xi32>, i32 -> vector<1024x128xi32>
    %broadcast_in_dim3A_256 = vector.shape_cast %eq3A_244 : vector<1024x1xi1> to vector<1024x1xi1>
    %broadcast_in_dim3A_257 = vector.broadcast %broadcast_in_dim3A_256 : vector<1024x1xi1> to vector<1024x128xi1>
    %select_n3A_258 = arith.select %broadcast_in_dim3A_257, %roll3A_253, %roll3A_255 : vector<1024x128xi1>, vector<1024x128xi32>
    %lt3A_259 = arith.cmpf olt, %select_n3A_237, %select_n3A_251 : vector<1024x128xf32>
    %and3A_260 = arith.constant 16 : i32
    %and3A_261 = vector.broadcast %and3A_260 : i32 to vector<1024x1xi32>
    %and3A_262 = arith.andi %iota3A_21, %and3A_261 : vector<1024x1xi32>
    %eq3A_263 = arith.constant 0 : i32
    %eq3A_264 = vector.broadcast %eq3A_263 : i32 to vector<1024x1xi32>
    %eq3A_265 = arith.cmpi eq, %and3A_262, %eq3A_264 : vector<1024x1xi32>
    %eq3A_266 = arith.xori %eq3A_244, %eq3A_265 : vector<1024x1xi1>
    %eq3A_267 = arith.constant dense<true> : vector<1024x1xi1>
    %eq3A_268 = arith.xori %eq3A_266, %eq3A_267 : vector<1024x1xi1>
    %eq3A_269 = vector.broadcast %eq3A_268 : vector<1024x1xi1> to vector<1024x128xi1>
    %eq3A_270 = vector.broadcast %eq3A_269 : vector<1024x128xi1> to vector<1024x128xi1>
    %eq3A_271 = arith.xori %lt3A_259, %eq3A_270 : vector<1024x128xi1>
    %eq3A_272 = arith.constant dense<true> : vector<1024x128xi1>
    %eq3A_273 = arith.xori %eq3A_271, %eq3A_272 : vector<1024x128xi1>
    %select_n3A_274 = arith.select %eq3A_273, %select_n3A_237, %select_n3A_251 : vector<1024x128xi1>, vector<1024x128xf32>
    %select_n3A_275 = arith.select %eq3A_273, %select_n3A_238, %select_n3A_258 : vector<1024x128xi1>, vector<1024x128xi32>
    %and3A_276 = arith.constant 4 : i32
    %and3A_277 = vector.broadcast %and3A_276 : i32 to vector<1024x1xi32>
    %and3A_278 = arith.andi %iota3A_21, %and3A_277 : vector<1024x1xi32>
    %eq3A_279 = arith.constant 0 : i32
    %eq3A_280 = vector.broadcast %eq3A_279 : i32 to vector<1024x1xi32>
    %eq3A_281 = arith.cmpi eq, %and3A_278, %eq3A_280 : vector<1024x1xi32>
    %roll3A_282 = arith.constant 1020 : i32
    %roll3A_283 = tpu.dynamic_rotate %select_n3A_274 by %roll3A_282 dim 0 : vector<1024x128xf32>, i32 -> vector<1024x128xf32>
    %roll3A_284 = arith.constant 4 : i32
    %roll3A_285 = tpu.dynamic_rotate %select_n3A_274 by %roll3A_284 dim 0 : vector<1024x128xf32>, i32 -> vector<1024x128xf32>
    %broadcast_in_dim3A_286 = vector.shape_cast %eq3A_281 : vector<1024x1xi1> to vector<1024x1xi1>
    %broadcast_in_dim3A_287 = vector.broadcast %broadcast_in_dim3A_286 : vector<1024x1xi1> to vector<1024x128xi1>
    %select_n3A_288 = arith.select %broadcast_in_dim3A_287, %roll3A_283, %roll3A_285 : vector<1024x128xi1>, vector<1024x128xf32>
    %roll3A_289 = arith.constant 1020 : i32
    %roll3A_290 = tpu.dynamic_rotate %select_n3A_275 by %roll3A_289 dim 0 : vector<1024x128xi32>, i32 -> vector<1024x128xi32>
    %roll3A_291 = arith.constant 4 : i32
    %roll3A_292 = tpu.dynamic_rotate %select_n3A_275 by %roll3A_291 dim 0 : vector<1024x128xi32>, i32 -> vector<1024x128xi32>
    %broadcast_in_dim3A_293 = vector.shape_cast %eq3A_281 : vector<1024x1xi1> to vector<1024x1xi1>
    %broadcast_in_dim3A_294 = vector.broadcast %broadcast_in_dim3A_293 : vector<1024x1xi1> to vector<1024x128xi1>
    %select_n3A_295 = arith.select %broadcast_in_dim3A_294, %roll3A_290, %roll3A_292 : vector<1024x128xi1>, vector<1024x128xi32>
    %lt3A_296 = arith.cmpf olt, %select_n3A_274, %select_n3A_288 : vector<1024x128xf32>
    %and3A_297 = arith.constant 16 : i32
    %and3A_298 = vector.broadcast %and3A_297 : i32 to vector<1024x1xi32>
    %and3A_299 = arith.andi %iota3A_21, %and3A_298 : vector<1024x1xi32>
    %eq3A_300 = arith.constant 0 : i32
    %eq3A_301 = vector.broadcast %eq3A_300 : i32 to vector<1024x1xi32>
    %eq3A_302 = arith.cmpi eq, %and3A_299, %eq3A_301 : vector<1024x1xi32>
    %eq3A_303 = arith.xori %eq3A_281, %eq3A_302 : vector<1024x1xi1>
    %eq3A_304 = arith.constant dense<true> : vector<1024x1xi1>
    %eq3A_305 = arith.xori %eq3A_303, %eq3A_304 : vector<1024x1xi1>
    %eq3A_306 = vector.broadcast %eq3A_305 : vector<1024x1xi1> to vector<1024x128xi1>
    %eq3A_307 = vector.broadcast %eq3A_306 : vector<1024x128xi1> to vector<1024x128xi1>
    %eq3A_308 = arith.xori %lt3A_296, %eq3A_307 : vector<1024x128xi1>
    %eq3A_309 = arith.constant dense<true> : vector<1024x128xi1>
    %eq3A_310 = arith.xori %eq3A_308, %eq3A_309 : vector<1024x128xi1>
    %select_n3A_311 = arith.select %eq3A_310, %select_n3A_274, %select_n3A_288 : vector<1024x128xi1>, vector<1024x128xf32>
    %select_n3A_312 = arith.select %eq3A_310, %select_n3A_275, %select_n3A_295 : vector<1024x128xi1>, vector<1024x128xi32>
    %and3A_313 = arith.constant 2 : i32
    %and3A_314 = vector.broadcast %and3A_313 : i32 to vector<1024x1xi32>
    %and3A_315 = arith.andi %iota3A_21, %and3A_314 : vector<1024x1xi32>
    %eq3A_316 = arith.constant 0 : i32
    %eq3A_317 = vector.broadcast %eq3A_316 : i32 to vector<1024x1xi32>
    %eq3A_318 = arith.cmpi eq, %and3A_315, %eq3A_317 : vector<1024x1xi32>
    %roll3A_319 = arith.constant 1022 : i32
    %roll3A_320 = tpu.dynamic_rotate %select_n3A_311 by %roll3A_319 dim 0 : vector<1024x128xf32>, i32 -> vector<1024x128xf32>
    %roll3A_321 = arith.constant 2 : i32
    %roll3A_322 = tpu.dynamic_rotate %select_n3A_311 by %roll3A_321 dim 0 : vector<1024x128xf32>, i32 -> vector<1024x128xf32>
    %broadcast_in_dim3A_323 = vector.shape_cast %eq3A_318 : vector<1024x1xi1> to vector<1024x1xi1>
    %broadcast_in_dim3A_324 = vector.broadcast %broadcast_in_dim3A_323 : vector<1024x1xi1> to vector<1024x128xi1>
    %select_n3A_325 = arith.select %broadcast_in_dim3A_324, %roll3A_320, %roll3A_322 : vector<1024x128xi1>, vector<1024x128xf32>
    %roll3A_326 = arith.constant 1022 : i32
    %roll3A_327 = tpu.dynamic_rotate %select_n3A_312 by %roll3A_326 dim 0 : vector<1024x128xi32>, i32 -> vector<1024x128xi32>
    %roll3A_328 = arith.constant 2 : i32
    %roll3A_329 = tpu.dynamic_rotate %select_n3A_312 by %roll3A_328 dim 0 : vector<1024x128xi32>, i32 -> vector<1024x128xi32>
    %broadcast_in_dim3A_330 = vector.shape_cast %eq3A_318 : vector<1024x1xi1> to vector<1024x1xi1>
    %broadcast_in_dim3A_331 = vector.broadcast %broadcast_in_dim3A_330 : vector<1024x1xi1> to vector<1024x128xi1>
    %select_n3A_332 = arith.select %broadcast_in_dim3A_331, %roll3A_327, %roll3A_329 : vector<1024x128xi1>, vector<1024x128xi32>
    %lt3A_333 = arith.cmpf olt, %select_n3A_311, %select_n3A_325 : vector<1024x128xf32>
    %and3A_334 = arith.constant 16 : i32
    %and3A_335 = vector.broadcast %and3A_334 : i32 to vector<1024x1xi32>
    %and3A_336 = arith.andi %iota3A_21, %and3A_335 : vector<1024x1xi32>
    %eq3A_337 = arith.constant 0 : i32
    %eq3A_338 = vector.broadcast %eq3A_337 : i32 to vector<1024x1xi32>
    %eq3A_339 = arith.cmpi eq, %and3A_336, %eq3A_338 : vector<1024x1xi32>
    %eq3A_340 = arith.xori %eq3A_318, %eq3A_339 : vector<1024x1xi1>
    %eq3A_341 = arith.constant dense<true> : vector<1024x1xi1>
    %eq3A_342 = arith.xori %eq3A_340, %eq3A_341 : vector<1024x1xi1>
    %eq3A_343 = vector.broadcast %eq3A_342 : vector<1024x1xi1> to vector<1024x128xi1>
    %eq3A_344 = vector.broadcast %eq3A_343 : vector<1024x128xi1> to vector<1024x128xi1>
    %eq3A_345 = arith.xori %lt3A_333, %eq3A_344 : vector<1024x128xi1>
    %eq3A_346 = arith.constant dense<true> : vector<1024x128xi1>
    %eq3A_347 = arith.xori %eq3A_345, %eq3A_346 : vector<1024x128xi1>
    %select_n3A_348 = arith.select %eq3A_347, %select_n3A_311, %select_n3A_325 : vector<1024x128xi1>, vector<1024x128xf32>
    %select_n3A_349 = arith.select %eq3A_347, %select_n3A_312, %select_n3A_332 : vector<1024x128xi1>, vector<1024x128xi32>
    %and3A_350 = arith.constant 1 : i32
    %and3A_351 = vector.broadcast %and3A_350 : i32 to vector<1024x1xi32>
    %and3A_352 = arith.andi %iota3A_21, %and3A_351 : vector<1024x1xi32>
    %eq3A_353 = arith.constant 0 : i32
    %eq3A_354 = vector.broadcast %eq3A_353 : i32 to vector<1024x1xi32>
    %eq3A_355 = arith.cmpi eq, %and3A_352, %eq3A_354 : vector<1024x1xi32>
    %roll3A_356 = arith.constant 1023 : i32
    %roll3A_357 = tpu.dynamic_rotate %select_n3A_348 by %roll3A_356 dim 0 : vector<1024x128xf32>, i32 -> vector<1024x128xf32>
    %roll3A_358 = arith.constant 1 : i32
    %roll3A_359 = tpu.dynamic_rotate %select_n3A_348 by %roll3A_358 dim 0 : vector<1024x128xf32>, i32 -> vector<1024x128xf32>
    %broadcast_in_dim3A_360 = vector.shape_cast %eq3A_355 : vector<1024x1xi1> to vector<1024x1xi1>
    %broadcast_in_dim3A_361 = vector.broadcast %broadcast_in_dim3A_360 : vector<1024x1xi1> to vector<1024x128xi1>
    %select_n3A_362 = arith.select %broadcast_in_dim3A_361, %roll3A_357, %roll3A_359 : vector<1024x128xi1>, vector<1024x128xf32>
    %roll3A_363 = arith.constant 1023 : i32
    %roll3A_364 = tpu.dynamic_rotate %select_n3A_349 by %roll3A_363 dim 0 : vector<1024x128xi32>, i32 -> vector<1024x128xi32>
    %roll3A_365 = arith.constant 1 : i32
    %roll3A_366 = tpu.dynamic_rotate %select_n3A_349 by %roll3A_365 dim 0 : vector<1024x128xi32>, i32 -> vector<1024x128xi32>
    %broadcast_in_dim3A_367 = vector.shape_cast %eq3A_355 : vector<1024x1xi1> to vector<1024x1xi1>
    %broadcast_in_dim3A_368 = vector.broadcast %broadcast_in_dim3A_367 : vector<1024x1xi1> to vector<1024x128xi1>
    %select_n3A_369 = arith.select %broadcast_in_dim3A_368, %roll3A_364, %roll3A_366 : vector<1024x128xi1>, vector<1024x128xi32>
    %lt3A_370 = arith.cmpf olt, %select_n3A_348, %select_n3A_362 : vector<1024x128xf32>
    %and3A_371 = arith.constant 16 : i32
    %and3A_372 = vector.broadcast %and3A_371 : i32 to vector<1024x1xi32>
    %and3A_373 = arith.andi %iota3A_21, %and3A_372 : vector<1024x1xi32>
    %eq3A_374 = arith.constant 0 : i32
    %eq3A_375 = vector.broadcast %eq3A_374 : i32 to vector<1024x1xi32>
    %eq3A_376 = arith.cmpi eq, %and3A_373, %eq3A_375 : vector<1024x1xi32>
    %eq3A_377 = arith.xori %eq3A_355, %eq3A_376 : vector<1024x1xi1>
    %eq3A_378 = arith.constant dense<true> : vector<1024x1xi1>
    %eq3A_379 = arith.xori %eq3A_377, %eq3A_378 : vector<1024x1xi1>
    %eq3A_380 = vector.broadcast %eq3A_379 : vector<1024x1xi1> to vector<1024x128xi1>
    %eq3A_381 = vector.broadcast %eq3A_380 : vector<1024x128xi1> to vector<1024x128xi1>
    %eq3A_382 = arith.xori %lt3A_370, %eq3A_381 : vector<1024x128xi1>
    %eq3A_383 = arith.constant dense<true> : vector<1024x128xi1>
    %eq3A_384 = arith.xori %eq3A_382, %eq3A_383 : vector<1024x128xi1>
    %select_n3A_385 = arith.select %eq3A_384, %select_n3A_348, %select_n3A_362 : vector<1024x128xi1>, vector<1024x128xf32>
    %select_n3A_386 = arith.select %eq3A_384, %select_n3A_349, %select_n3A_369 : vector<1024x128xi1>, vector<1024x128xi32>
    %and3A_387 = arith.constant 16 : i32
    %and3A_388 = vector.broadcast %and3A_387 : i32 to vector<1024x1xi32>
    %and3A_389 = arith.andi %iota3A_21, %and3A_388 : vector<1024x1xi32>
    %eq3A_390 = arith.constant 0 : i32
    %eq3A_391 = vector.broadcast %eq3A_390 : i32 to vector<1024x1xi32>
    %eq3A_392 = arith.cmpi eq, %and3A_389, %eq3A_391 : vector<1024x1xi32>
    %roll3A_393 = arith.constant 1008 : i32
    %roll3A_394 = tpu.dynamic_rotate %select_n3A_385 by %roll3A_393 dim 0 : vector<1024x128xf32>, i32 -> vector<1024x128xf32>
    %roll3A_395 = arith.constant 16 : i32
    %roll3A_396 = tpu.dynamic_rotate %select_n3A_385 by %roll3A_395 dim 0 : vector<1024x128xf32>, i32 -> vector<1024x128xf32>
    %broadcast_in_dim3A_397 = vector.shape_cast %eq3A_392 : vector<1024x1xi1> to vector<1024x1xi1>
    %broadcast_in_dim3A_398 = vector.broadcast %broadcast_in_dim3A_397 : vector<1024x1xi1> to vector<1024x128xi1>
    %select_n3A_399 = arith.select %broadcast_in_dim3A_398, %roll3A_394, %roll3A_396 : vector<1024x128xi1>, vector<1024x128xf32>
    %roll3A_400 = arith.constant 1008 : i32
    %roll3A_401 = tpu.dynamic_rotate %select_n3A_386 by %roll3A_400 dim 0 : vector<1024x128xi32>, i32 -> vector<1024x128xi32>
    %roll3A_402 = arith.constant 16 : i32
    %roll3A_403 = tpu.dynamic_rotate %select_n3A_386 by %roll3A_402 dim 0 : vector<1024x128xi32>, i32 -> vector<1024x128xi32>
    %broadcast_in_dim3A_404 = vector.shape_cast %eq3A_392 : vector<1024x1xi1> to vector<1024x1xi1>
    %broadcast_in_dim3A_405 = vector.broadcast %broadcast_in_dim3A_404 : vector<1024x1xi1> to vector<1024x128xi1>
    %select_n3A_406 = arith.select %broadcast_in_dim3A_405, %roll3A_401, %roll3A_403 : vector<1024x128xi1>, vector<1024x128xi32>
    %lt3A_407 = arith.cmpf olt, %select_n3A_385, %select_n3A_399 : vector<1024x128xf32>
    %and3A_408 = arith.constant 32 : i32
    %and3A_409 = vector.broadcast %and3A_408 : i32 to vector<1024x1xi32>
    %and3A_410 = arith.andi %iota3A_21, %and3A_409 : vector<1024x1xi32>
    %eq3A_411 = arith.constant 0 : i32
    %eq3A_412 = vector.broadcast %eq3A_411 : i32 to vector<1024x1xi32>
    %eq3A_413 = arith.cmpi eq, %and3A_410, %eq3A_412 : vector<1024x1xi32>
    %eq3A_414 = arith.xori %eq3A_392, %eq3A_413 : vector<1024x1xi1>
    %eq3A_415 = arith.constant dense<true> : vector<1024x1xi1>
    %eq3A_416 = arith.xori %eq3A_414, %eq3A_415 : vector<1024x1xi1>
    %eq3A_417 = vector.broadcast %eq3A_416 : vector<1024x1xi1> to vector<1024x128xi1>
    %eq3A_418 = vector.broadcast %eq3A_417 : vector<1024x128xi1> to vector<1024x128xi1>
    %eq3A_419 = arith.xori %lt3A_407, %eq3A_418 : vector<1024x128xi1>
    %eq3A_420 = arith.constant dense<true> : vector<1024x128xi1>
    %eq3A_421 = arith.xori %eq3A_419, %eq3A_420 : vector<1024x128xi1>
    %select_n3A_422 = arith.select %eq3A_421, %select_n3A_385, %select_n3A_399 : vector<1024x128xi1>, vector<1024x128xf32>
    %select_n3A_423 = arith.select %eq3A_421, %select_n3A_386, %select_n3A_406 : vector<1024x128xi1>, vector<1024x128xi32>
    %and3A_424 = arith.constant 8 : i32
    %and3A_425 = vector.broadcast %and3A_424 : i32 to vector<1024x1xi32>
    %and3A_426 = arith.andi %iota3A_21, %and3A_425 : vector<1024x1xi32>
    %eq3A_427 = arith.constant 0 : i32
    %eq3A_428 = vector.broadcast %eq3A_427 : i32 to vector<1024x1xi32>
    %eq3A_429 = arith.cmpi eq, %and3A_426, %eq3A_428 : vector<1024x1xi32>
    %roll3A_430 = arith.constant 1016 : i32
    %roll3A_431 = tpu.dynamic_rotate %select_n3A_422 by %roll3A_430 dim 0 : vector<1024x128xf32>, i32 -> vector<1024x128xf32>
    %roll3A_432 = arith.constant 8 : i32
    %roll3A_433 = tpu.dynamic_rotate %select_n3A_422 by %roll3A_432 dim 0 : vector<1024x128xf32>, i32 -> vector<1024x128xf32>
    %broadcast_in_dim3A_434 = vector.shape_cast %eq3A_429 : vector<1024x1xi1> to vector<1024x1xi1>
    %broadcast_in_dim3A_435 = vector.broadcast %broadcast_in_dim3A_434 : vector<1024x1xi1> to vector<1024x128xi1>
    %select_n3A_436 = arith.select %broadcast_in_dim3A_435, %roll3A_431, %roll3A_433 : vector<1024x128xi1>, vector<1024x128xf32>
    %roll3A_437 = arith.constant 1016 : i32
    %roll3A_438 = tpu.dynamic_rotate %select_n3A_423 by %roll3A_437 dim 0 : vector<1024x128xi32>, i32 -> vector<1024x128xi32>
    %roll3A_439 = arith.constant 8 : i32
    %roll3A_440 = tpu.dynamic_rotate %select_n3A_423 by %roll3A_439 dim 0 : vector<1024x128xi32>, i32 -> vector<1024x128xi32>
    %broadcast_in_dim3A_441 = vector.shape_cast %eq3A_429 : vector<1024x1xi1> to vector<1024x1xi1>
    %broadcast_in_dim3A_442 = vector.broadcast %broadcast_in_dim3A_441 : vector<1024x1xi1> to vector<1024x128xi1>
    %select_n3A_443 = arith.select %broadcast_in_dim3A_442, %roll3A_438, %roll3A_440 : vector<1024x128xi1>, vector<1024x128xi32>
    %lt3A_444 = arith.cmpf olt, %select_n3A_422, %select_n3A_436 : vector<1024x128xf32>
    %and3A_445 = arith.constant 32 : i32
    %and3A_446 = vector.broadcast %and3A_445 : i32 to vector<1024x1xi32>
    %and3A_447 = arith.andi %iota3A_21, %and3A_446 : vector<1024x1xi32>
    %eq3A_448 = arith.constant 0 : i32
    %eq3A_449 = vector.broadcast %eq3A_448 : i32 to vector<1024x1xi32>
    %eq3A_450 = arith.cmpi eq, %and3A_447, %eq3A_449 : vector<1024x1xi32>
    %eq3A_451 = arith.xori %eq3A_429, %eq3A_450 : vector<1024x1xi1>
    %eq3A_452 = arith.constant dense<true> : vector<1024x1xi1>
    %eq3A_453 = arith.xori %eq3A_451, %eq3A_452 : vector<1024x1xi1>
    %eq3A_454 = vector.broadcast %eq3A_453 : vector<1024x1xi1> to vector<1024x128xi1>
    %eq3A_455 = vector.broadcast %eq3A_454 : vector<1024x128xi1> to vector<1024x128xi1>
    %eq3A_456 = arith.xori %lt3A_444, %eq3A_455 : vector<1024x128xi1>
    %eq3A_457 = arith.constant dense<true> : vector<1024x128xi1>
    %eq3A_458 = arith.xori %eq3A_456, %eq3A_457 : vector<1024x128xi1>
    %select_n3A_459 = arith.select %eq3A_458, %select_n3A_422, %select_n3A_436 : vector<1024x128xi1>, vector<1024x128xf32>
    %select_n3A_460 = arith.select %eq3A_458, %select_n3A_423, %select_n3A_443 : vector<1024x128xi1>, vector<1024x128xi32>
    %and3A_461 = arith.constant 4 : i32
    %and3A_462 = vector.broadcast %and3A_461 : i32 to vector<1024x1xi32>
    %and3A_463 = arith.andi %iota3A_21, %and3A_462 : vector<1024x1xi32>
    %eq3A_464 = arith.constant 0 : i32
    %eq3A_465 = vector.broadcast %eq3A_464 : i32 to vector<1024x1xi32>
    %eq3A_466 = arith.cmpi eq, %and3A_463, %eq3A_465 : vector<1024x1xi32>
    %roll3A_467 = arith.constant 1020 : i32
    %roll3A_468 = tpu.dynamic_rotate %select_n3A_459 by %roll3A_467 dim 0 : vector<1024x128xf32>, i32 -> vector<1024x128xf32>
    %roll3A_469 = arith.constant 4 : i32
    %roll3A_470 = tpu.dynamic_rotate %select_n3A_459 by %roll3A_469 dim 0 : vector<1024x128xf32>, i32 -> vector<1024x128xf32>
    %broadcast_in_dim3A_471 = vector.shape_cast %eq3A_466 : vector<1024x1xi1> to vector<1024x1xi1>
    %broadcast_in_dim3A_472 = vector.broadcast %broadcast_in_dim3A_471 : vector<1024x1xi1> to vector<1024x128xi1>
    %select_n3A_473 = arith.select %broadcast_in_dim3A_472, %roll3A_468, %roll3A_470 : vector<1024x128xi1>, vector<1024x128xf32>
    %roll3A_474 = arith.constant 1020 : i32
    %roll3A_475 = tpu.dynamic_rotate %select_n3A_460 by %roll3A_474 dim 0 : vector<1024x128xi32>, i32 -> vector<1024x128xi32>
    %roll3A_476 = arith.constant 4 : i32
    %roll3A_477 = tpu.dynamic_rotate %select_n3A_460 by %roll3A_476 dim 0 : vector<1024x128xi32>, i32 -> vector<1024x128xi32>
    %broadcast_in_dim3A_478 = vector.shape_cast %eq3A_466 : vector<1024x1xi1> to vector<1024x1xi1>
    %broadcast_in_dim3A_479 = vector.broadcast %broadcast_in_dim3A_478 : vector<1024x1xi1> to vector<1024x128xi1>
    %select_n3A_480 = arith.select %broadcast_in_dim3A_479, %roll3A_475, %roll3A_477 : vector<1024x128xi1>, vector<1024x128xi32>
    %lt3A_481 = arith.cmpf olt, %select_n3A_459, %select_n3A_473 : vector<1024x128xf32>
    %and3A_482 = arith.constant 32 : i32
    %and3A_483 = vector.broadcast %and3A_482 : i32 to vector<1024x1xi32>
    %and3A_484 = arith.andi %iota3A_21, %and3A_483 : vector<1024x1xi32>
    %eq3A_485 = arith.constant 0 : i32
    %eq3A_486 = vector.broadcast %eq3A_485 : i32 to vector<1024x1xi32>
    %eq3A_487 = arith.cmpi eq, %and3A_484, %eq3A_486 : vector<1024x1xi32>
    %eq3A_488 = arith.xori %eq3A_466, %eq3A_487 : vector<1024x1xi1>
    %eq3A_489 = arith.constant dense<true> : vector<1024x1xi1>
    %eq3A_490 = arith.xori %eq3A_488, %eq3A_489 : vector<1024x1xi1>
    %eq3A_491 = vector.broadcast %eq3A_490 : vector<1024x1xi1> to vector<1024x128xi1>
    %eq3A_492 = vector.broadcast %eq3A_491 : vector<1024x128xi1> to vector<1024x128xi1>
    %eq3A_493 = arith.xori %lt3A_481, %eq3A_492 : vector<1024x128xi1>
    %eq3A_494 = arith.constant dense<true> : vector<1024x128xi1>
    %eq3A_495 = arith.xori %eq3A_493, %eq3A_494 : vector<1024x128xi1>
    %select_n3A_496 = arith.select %eq3A_495, %select_n3A_459, %select_n3A_473 : vector<1024x128xi1>, vector<1024x128xf32>
    %select_n3A_497 = arith.select %eq3A_495, %select_n3A_460, %select_n3A_480 : vector<1024x128xi1>, vector<1024x128xi32>
    %and3A_498 = arith.constant 2 : i32
    %and3A_499 = vector.broadcast %and3A_498 : i32 to vector<1024x1xi32>
    %and3A_500 = arith.andi %iota3A_21, %and3A_499 : vector<1024x1xi32>
    %eq3A_501 = arith.constant 0 : i32
    %eq3A_502 = vector.broadcast %eq3A_501 : i32 to vector<1024x1xi32>
    %eq3A_503 = arith.cmpi eq, %and3A_500, %eq3A_502 : vector<1024x1xi32>
    %roll3A_504 = arith.constant 1022 : i32
    %roll3A_505 = tpu.dynamic_rotate %select_n3A_496 by %roll3A_504 dim 0 : vector<1024x128xf32>, i32 -> vector<1024x128xf32>
    %roll3A_506 = arith.constant 2 : i32
    %roll3A_507 = tpu.dynamic_rotate %select_n3A_496 by %roll3A_506 dim 0 : vector<1024x128xf32>, i32 -> vector<1024x128xf32>
    %broadcast_in_dim3A_508 = vector.shape_cast %eq3A_503 : vector<1024x1xi1> to vector<1024x1xi1>
    %broadcast_in_dim3A_509 = vector.broadcast %broadcast_in_dim3A_508 : vector<1024x1xi1> to vector<1024x128xi1>
    %select_n3A_510 = arith.select %broadcast_in_dim3A_509, %roll3A_505, %roll3A_507 : vector<1024x128xi1>, vector<1024x128xf32>
    %roll3A_511 = arith.constant 1022 : i32
    %roll3A_512 = tpu.dynamic_rotate %select_n3A_497 by %roll3A_511 dim 0 : vector<1024x128xi32>, i32 -> vector<1024x128xi32>
    %roll3A_513 = arith.constant 2 : i32
    %roll3A_514 = tpu.dynamic_rotate %select_n3A_497 by %roll3A_513 dim 0 : vector<1024x128xi32>, i32 -> vector<1024x128xi32>
    %broadcast_in_dim3A_515 = vector.shape_cast %eq3A_503 : vector<1024x1xi1> to vector<1024x1xi1>
    %broadcast_in_dim3A_516 = vector.broadcast %broadcast_in_dim3A_515 : vector<1024x1xi1> to vector<1024x128xi1>
    %select_n3A_517 = arith.select %broadcast_in_dim3A_516, %roll3A_512, %roll3A_514 : vector<1024x128xi1>, vector<1024x128xi32>
    %lt3A_518 = arith.cmpf olt, %select_n3A_496, %select_n3A_510 : vector<1024x128xf32>
    %and3A_519 = arith.constant 32 : i32
    %and3A_520 = vector.broadcast %and3A_519 : i32 to vector<1024x1xi32>
    %and3A_521 = arith.andi %iota3A_21, %and3A_520 : vector<1024x1xi32>
    %eq3A_522 = arith.constant 0 : i32
    %eq3A_523 = vector.broadcast %eq3A_522 : i32 to vector<1024x1xi32>
    %eq3A_524 = arith.cmpi eq, %and3A_521, %eq3A_523 : vector<1024x1xi32>
    %eq3A_525 = arith.xori %eq3A_503, %eq3A_524 : vector<1024x1xi1>
    %eq3A_526 = arith.constant dense<true> : vector<1024x1xi1>
    %eq3A_527 = arith.xori %eq3A_525, %eq3A_526 : vector<1024x1xi1>
    %eq3A_528 = vector.broadcast %eq3A_527 : vector<1024x1xi1> to vector<1024x128xi1>
    %eq3A_529 = vector.broadcast %eq3A_528 : vector<1024x128xi1> to vector<1024x128xi1>
    %eq3A_530 = arith.xori %lt3A_518, %eq3A_529 : vector<1024x128xi1>
    %eq3A_531 = arith.constant dense<true> : vector<1024x128xi1>
    %eq3A_532 = arith.xori %eq3A_530, %eq3A_531 : vector<1024x128xi1>
    %select_n3A_533 = arith.select %eq3A_532, %select_n3A_496, %select_n3A_510 : vector<1024x128xi1>, vector<1024x128xf32>
    %select_n3A_534 = arith.select %eq3A_532, %select_n3A_497, %select_n3A_517 : vector<1024x128xi1>, vector<1024x128xi32>
    %and3A_535 = arith.constant 1 : i32
    %and3A_536 = vector.broadcast %and3A_535 : i32 to vector<1024x1xi32>
    %and3A_537 = arith.andi %iota3A_21, %and3A_536 : vector<1024x1xi32>
    %eq3A_538 = arith.constant 0 : i32
    %eq3A_539 = vector.broadcast %eq3A_538 : i32 to vector<1024x1xi32>
    %eq3A_540 = arith.cmpi eq, %and3A_537, %eq3A_539 : vector<1024x1xi32>
    %roll3A_541 = arith.constant 1023 : i32
    %roll3A_542 = tpu.dynamic_rotate %select_n3A_533 by %roll3A_541 dim 0 : vector<1024x128xf32>, i32 -> vector<1024x128xf32>
    %roll3A_543 = arith.constant 1 : i32
    %roll3A_544 = tpu.dynamic_rotate %select_n3A_533 by %roll3A_543 dim 0 : vector<1024x128xf32>, i32 -> vector<1024x128xf32>
    %broadcast_in_dim3A_545 = vector.shape_cast %eq3A_540 : vector<1024x1xi1> to vector<1024x1xi1>
    %broadcast_in_dim3A_546 = vector.broadcast %broadcast_in_dim3A_545 : vector<1024x1xi1> to vector<1024x128xi1>
    %select_n3A_547 = arith.select %broadcast_in_dim3A_546, %roll3A_542, %roll3A_544 : vector<1024x128xi1>, vector<1024x128xf32>
    %roll3A_548 = arith.constant 1023 : i32
    %roll3A_549 = tpu.dynamic_rotate %select_n3A_534 by %roll3A_548 dim 0 : vector<1024x128xi32>, i32 -> vector<1024x128xi32>
    %roll3A_550 = arith.constant 1 : i32
    %roll3A_551 = tpu.dynamic_rotate %select_n3A_534 by %roll3A_550 dim 0 : vector<1024x128xi32>, i32 -> vector<1024x128xi32>
    %broadcast_in_dim3A_552 = vector.shape_cast %eq3A_540 : vector<1024x1xi1> to vector<1024x1xi1>
    %broadcast_in_dim3A_553 = vector.broadcast %broadcast_in_dim3A_552 : vector<1024x1xi1> to vector<1024x128xi1>
    %select_n3A_554 = arith.select %broadcast_in_dim3A_553, %roll3A_549, %roll3A_551 : vector<1024x128xi1>, vector<1024x128xi32>
    %lt3A_555 = arith.cmpf olt, %select_n3A_533, %select_n3A_547 : vector<1024x128xf32>
    %and3A_556 = arith.constant 32 : i32
    %and3A_557 = vector.broadcast %and3A_556 : i32 to vector<1024x1xi32>
    %and3A_558 = arith.andi %iota3A_21, %and3A_557 : vector<1024x1xi32>
    %eq3A_559 = arith.constant 0 : i32
    %eq3A_560 = vector.broadcast %eq3A_559 : i32 to vector<1024x1xi32>
    %eq3A_561 = arith.cmpi eq, %and3A_558, %eq3A_560 : vector<1024x1xi32>
    %eq3A_562 = arith.xori %eq3A_540, %eq3A_561 : vector<1024x1xi1>
    %eq3A_563 = arith.constant dense<true> : vector<1024x1xi1>
    %eq3A_564 = arith.xori %eq3A_562, %eq3A_563 : vector<1024x1xi1>
    %eq3A_565 = vector.broadcast %eq3A_564 : vector<1024x1xi1> to vector<1024x128xi1>
    %eq3A_566 = vector.broadcast %eq3A_565 : vector<1024x128xi1> to vector<1024x128xi1>
    %eq3A_567 = arith.xori %lt3A_555, %eq3A_566 : vector<1024x128xi1>
    %eq3A_568 = arith.constant dense<true> : vector<1024x128xi1>
    %eq3A_569 = arith.xori %eq3A_567, %eq3A_568 : vector<1024x128xi1>
    %select_n3A_570 = arith.select %eq3A_569, %select_n3A_533, %select_n3A_547 : vector<1024x128xi1>, vector<1024x128xf32>
    %select_n3A_571 = arith.select %eq3A_569, %select_n3A_534, %select_n3A_554 : vector<1024x128xi1>, vector<1024x128xi32>
    %roll3A_572 = arith.constant 992 : i32
    %roll3A_573 = tpu.dynamic_rotate %select_n3A_570 by %roll3A_572 dim 0 : vector<1024x128xf32>, i32 -> vector<1024x128xf32>
    %roll3A_574 = arith.constant 992 : i32
    %roll3A_575 = tpu.dynamic_rotate %select_n3A_571 by %roll3A_574 dim 0 : vector<1024x128xi32>, i32 -> vector<1024x128xi32>
    %lt3A_576 = arith.cmpf olt, %select_n3A_570, %roll3A_573 : vector<1024x128xf32>
    %eq3A_577 = arith.cmpf oeq, %select_n3A_570, %roll3A_573 : vector<1024x128xf32>
    %lt3A_578 = arith.cmpi slt, %select_n3A_571, %roll3A_575 : vector<1024x128xi32>
    %and3A_579 = arith.andi %eq3A_577, %lt3A_578 : vector<1024x128xi1>
    %or3A = arith.ori %lt3A_576, %and3A_579 : vector<1024x128xi1>
    %select_n3A_580 = arith.select %or3A, %select_n3A_570, %roll3A_573 : vector<1024x128xi1>, vector<1024x128xf32>
    %reshape3A = vector.shape_cast %select_n3A_580 : vector<1024x128xf32> to vector<16x2x32x128xf32>
    %select_n3A_581 = arith.select %or3A, %select_n3A_571, %roll3A_575 : vector<1024x128xi1>, vector<1024x128xi32>
    %reshape3A_582 = vector.shape_cast %select_n3A_581 : vector<1024x128xi32> to vector<16x2x32x128xi32>
    %slice3A = vector.extract_strided_slice %reshape3A {offsets = [0, 0, 0, 0], sizes = [16, 1, 32, 128], strides = [1, 1, 1, 1]} : vector<16x2x32x128xf32> to vector<16x1x32x128xf32>
    %squeeze3A = vector.shape_cast %slice3A : vector<16x1x32x128xf32> to vector<16x32x128xf32>
    %reshape3A_583 = vector.shape_cast %squeeze3A : vector<16x32x128xf32> to vector<512x128xf32>
    %slice3A_584 = vector.extract_strided_slice %reshape3A_582 {offsets = [0, 0, 0, 0], sizes = [16, 1, 32, 128], strides = [1, 1, 1, 1]} : vector<16x2x32x128xi32> to vector<16x1x32x128xi32>
    %squeeze3A_585 = vector.shape_cast %slice3A_584 : vector<16x1x32x128xi32> to vector<16x32x128xi32>
    %reshape3A_586 = vector.shape_cast %squeeze3A_585 : vector<16x32x128xi32> to vector<512x128xi32>
    %iota3A_587 = tpu.iota {dimensions = array<i32: 0>} : vector<512x1xi32>
    %and3A_588 = arith.constant 16 : i32
    %and3A_589 = vector.broadcast %and3A_588 : i32 to vector<512x1xi32>
    %and3A_590 = arith.andi %iota3A_587, %and3A_589 : vector<512x1xi32>
    %eq3A_591 = arith.constant 0 : i32
    %eq3A_592 = vector.broadcast %eq3A_591 : i32 to vector<512x1xi32>
    %eq3A_593 = arith.cmpi eq, %and3A_590, %eq3A_592 : vector<512x1xi32>
    %roll3A_594 = arith.constant 496 : i32
    %roll3A_595 = tpu.dynamic_rotate %reshape3A_583 by %roll3A_594 dim 0 : vector<512x128xf32>, i32 -> vector<512x128xf32>
    %roll3A_596 = arith.constant 16 : i32
    %roll3A_597 = tpu.dynamic_rotate %reshape3A_583 by %roll3A_596 dim 0 : vector<512x128xf32>, i32 -> vector<512x128xf32>
    %broadcast_in_dim3A_598 = vector.shape_cast %eq3A_593 : vector<512x1xi1> to vector<512x1xi1>
    %broadcast_in_dim3A_599 = vector.broadcast %broadcast_in_dim3A_598 : vector<512x1xi1> to vector<512x128xi1>
    %select_n3A_600 = arith.select %broadcast_in_dim3A_599, %roll3A_595, %roll3A_597 : vector<512x128xi1>, vector<512x128xf32>
    %roll3A_601 = arith.constant 496 : i32
    %roll3A_602 = tpu.dynamic_rotate %reshape3A_586 by %roll3A_601 dim 0 : vector<512x128xi32>, i32 -> vector<512x128xi32>
    %roll3A_603 = arith.constant 16 : i32
    %roll3A_604 = tpu.dynamic_rotate %reshape3A_586 by %roll3A_603 dim 0 : vector<512x128xi32>, i32 -> vector<512x128xi32>
    %broadcast_in_dim3A_605 = vector.shape_cast %eq3A_593 : vector<512x1xi1> to vector<512x1xi1>
    %broadcast_in_dim3A_606 = vector.broadcast %broadcast_in_dim3A_605 : vector<512x1xi1> to vector<512x128xi1>
    %select_n3A_607 = arith.select %broadcast_in_dim3A_606, %roll3A_602, %roll3A_604 : vector<512x128xi1>, vector<512x128xi32>
    %lt3A_608 = arith.cmpf olt, %reshape3A_583, %select_n3A_600 : vector<512x128xf32>
    %and3A_609 = arith.constant 32 : i32
    %and3A_610 = vector.broadcast %and3A_609 : i32 to vector<512x1xi32>
    %and3A_611 = arith.andi %iota3A_587, %and3A_610 : vector<512x1xi32>
    %eq3A_612 = arith.constant 0 : i32
    %eq3A_613 = vector.broadcast %eq3A_612 : i32 to vector<512x1xi32>
    %eq3A_614 = arith.cmpi eq, %and3A_611, %eq3A_613 : vector<512x1xi32>
    %eq3A_615 = arith.xori %eq3A_593, %eq3A_614 : vector<512x1xi1>
    %eq3A_616 = arith.constant dense<true> : vector<512x1xi1>
    %eq3A_617 = arith.xori %eq3A_615, %eq3A_616 : vector<512x1xi1>
    %eq3A_618 = vector.broadcast %eq3A_617 : vector<512x1xi1> to vector<512x128xi1>
    %eq3A_619 = vector.broadcast %eq3A_618 : vector<512x128xi1> to vector<512x128xi1>
    %eq3A_620 = arith.xori %lt3A_608, %eq3A_619 : vector<512x128xi1>
    %eq3A_621 = arith.constant dense<true> : vector<512x128xi1>
    %eq3A_622 = arith.xori %eq3A_620, %eq3A_621 : vector<512x128xi1>
    %select_n3A_623 = arith.select %eq3A_622, %reshape3A_583, %select_n3A_600 : vector<512x128xi1>, vector<512x128xf32>
    %select_n3A_624 = arith.select %eq3A_622, %reshape3A_586, %select_n3A_607 : vector<512x128xi1>, vector<512x128xi32>
    %and3A_625 = arith.constant 8 : i32
    %and3A_626 = vector.broadcast %and3A_625 : i32 to vector<512x1xi32>
    %and3A_627 = arith.andi %iota3A_587, %and3A_626 : vector<512x1xi32>
    %eq3A_628 = arith.constant 0 : i32
    %eq3A_629 = vector.broadcast %eq3A_628 : i32 to vector<512x1xi32>
    %eq3A_630 = arith.cmpi eq, %and3A_627, %eq3A_629 : vector<512x1xi32>
    %roll3A_631 = arith.constant 504 : i32
    %roll3A_632 = tpu.dynamic_rotate %select_n3A_623 by %roll3A_631 dim 0 : vector<512x128xf32>, i32 -> vector<512x128xf32>
    %roll3A_633 = arith.constant 8 : i32
    %roll3A_634 = tpu.dynamic_rotate %select_n3A_623 by %roll3A_633 dim 0 : vector<512x128xf32>, i32 -> vector<512x128xf32>
    %broadcast_in_dim3A_635 = vector.shape_cast %eq3A_630 : vector<512x1xi1> to vector<512x1xi1>
    %broadcast_in_dim3A_636 = vector.broadcast %broadcast_in_dim3A_635 : vector<512x1xi1> to vector<512x128xi1>
    %select_n3A_637 = arith.select %broadcast_in_dim3A_636, %roll3A_632, %roll3A_634 : vector<512x128xi1>, vector<512x128xf32>
    %roll3A_638 = arith.constant 504 : i32
    %roll3A_639 = tpu.dynamic_rotate %select_n3A_624 by %roll3A_638 dim 0 : vector<512x128xi32>, i32 -> vector<512x128xi32>
    %roll3A_640 = arith.constant 8 : i32
    %roll3A_641 = tpu.dynamic_rotate %select_n3A_624 by %roll3A_640 dim 0 : vector<512x128xi32>, i32 -> vector<512x128xi32>
    %broadcast_in_dim3A_642 = vector.shape_cast %eq3A_630 : vector<512x1xi1> to vector<512x1xi1>
    %broadcast_in_dim3A_643 = vector.broadcast %broadcast_in_dim3A_642 : vector<512x1xi1> to vector<512x128xi1>
    %select_n3A_644 = arith.select %broadcast_in_dim3A_643, %roll3A_639, %roll3A_641 : vector<512x128xi1>, vector<512x128xi32>
    %lt3A_645 = arith.cmpf olt, %select_n3A_623, %select_n3A_637 : vector<512x128xf32>
    %and3A_646 = arith.constant 32 : i32
    %and3A_647 = vector.broadcast %and3A_646 : i32 to vector<512x1xi32>
    %and3A_648 = arith.andi %iota3A_587, %and3A_647 : vector<512x1xi32>
    %eq3A_649 = arith.constant 0 : i32
    %eq3A_650 = vector.broadcast %eq3A_649 : i32 to vector<512x1xi32>
    %eq3A_651 = arith.cmpi eq, %and3A_648, %eq3A_650 : vector<512x1xi32>
    %eq3A_652 = arith.xori %eq3A_630, %eq3A_651 : vector<512x1xi1>
    %eq3A_653 = arith.constant dense<true> : vector<512x1xi1>
    %eq3A_654 = arith.xori %eq3A_652, %eq3A_653 : vector<512x1xi1>
    %eq3A_655 = vector.broadcast %eq3A_654 : vector<512x1xi1> to vector<512x128xi1>
    %eq3A_656 = vector.broadcast %eq3A_655 : vector<512x128xi1> to vector<512x128xi1>
    %eq3A_657 = arith.xori %lt3A_645, %eq3A_656 : vector<512x128xi1>
    %eq3A_658 = arith.constant dense<true> : vector<512x128xi1>
    %eq3A_659 = arith.xori %eq3A_657, %eq3A_658 : vector<512x128xi1>
    %select_n3A_660 = arith.select %eq3A_659, %select_n3A_623, %select_n3A_637 : vector<512x128xi1>, vector<512x128xf32>
    %select_n3A_661 = arith.select %eq3A_659, %select_n3A_624, %select_n3A_644 : vector<512x128xi1>, vector<512x128xi32>
    %and3A_662 = arith.constant 4 : i32
    %and3A_663 = vector.broadcast %and3A_662 : i32 to vector<512x1xi32>
    %and3A_664 = arith.andi %iota3A_587, %and3A_663 : vector<512x1xi32>
    %eq3A_665 = arith.constant 0 : i32
    %eq3A_666 = vector.broadcast %eq3A_665 : i32 to vector<512x1xi32>
    %eq3A_667 = arith.cmpi eq, %and3A_664, %eq3A_666 : vector<512x1xi32>
    %roll3A_668 = arith.constant 508 : i32
    %roll3A_669 = tpu.dynamic_rotate %select_n3A_660 by %roll3A_668 dim 0 : vector<512x128xf32>, i32 -> vector<512x128xf32>
    %roll3A_670 = arith.constant 4 : i32
    %roll3A_671 = tpu.dynamic_rotate %select_n3A_660 by %roll3A_670 dim 0 : vector<512x128xf32>, i32 -> vector<512x128xf32>
    %broadcast_in_dim3A_672 = vector.shape_cast %eq3A_667 : vector<512x1xi1> to vector<512x1xi1>
    %broadcast_in_dim3A_673 = vector.broadcast %broadcast_in_dim3A_672 : vector<512x1xi1> to vector<512x128xi1>
    %select_n3A_674 = arith.select %broadcast_in_dim3A_673, %roll3A_669, %roll3A_671 : vector<512x128xi1>, vector<512x128xf32>
    %roll3A_675 = arith.constant 508 : i32
    %roll3A_676 = tpu.dynamic_rotate %select_n3A_661 by %roll3A_675 dim 0 : vector<512x128xi32>, i32 -> vector<512x128xi32>
    %roll3A_677 = arith.constant 4 : i32
    %roll3A_678 = tpu.dynamic_rotate %select_n3A_661 by %roll3A_677 dim 0 : vector<512x128xi32>, i32 -> vector<512x128xi32>
    %broadcast_in_dim3A_679 = vector.shape_cast %eq3A_667 : vector<512x1xi1> to vector<512x1xi1>
    %broadcast_in_dim3A_680 = vector.broadcast %broadcast_in_dim3A_679 : vector<512x1xi1> to vector<512x128xi1>
    %select_n3A_681 = arith.select %broadcast_in_dim3A_680, %roll3A_676, %roll3A_678 : vector<512x128xi1>, vector<512x128xi32>
    %lt3A_682 = arith.cmpf olt, %select_n3A_660, %select_n3A_674 : vector<512x128xf32>
    %and3A_683 = arith.constant 32 : i32
    %and3A_684 = vector.broadcast %and3A_683 : i32 to vector<512x1xi32>
    %and3A_685 = arith.andi %iota3A_587, %and3A_684 : vector<512x1xi32>
    %eq3A_686 = arith.constant 0 : i32
    %eq3A_687 = vector.broadcast %eq3A_686 : i32 to vector<512x1xi32>
    %eq3A_688 = arith.cmpi eq, %and3A_685, %eq3A_687 : vector<512x1xi32>
    %eq3A_689 = arith.xori %eq3A_667, %eq3A_688 : vector<512x1xi1>
    %eq3A_690 = arith.constant dense<true> : vector<512x1xi1>
    %eq3A_691 = arith.xori %eq3A_689, %eq3A_690 : vector<512x1xi1>
    %eq3A_692 = vector.broadcast %eq3A_691 : vector<512x1xi1> to vector<512x128xi1>
    %eq3A_693 = vector.broadcast %eq3A_692 : vector<512x128xi1> to vector<512x128xi1>
    %eq3A_694 = arith.xori %lt3A_682, %eq3A_693 : vector<512x128xi1>
    %eq3A_695 = arith.constant dense<true> : vector<512x128xi1>
    %eq3A_696 = arith.xori %eq3A_694, %eq3A_695 : vector<512x128xi1>
    %select_n3A_697 = arith.select %eq3A_696, %select_n3A_660, %select_n3A_674 : vector<512x128xi1>, vector<512x128xf32>
    %select_n3A_698 = arith.select %eq3A_696, %select_n3A_661, %select_n3A_681 : vector<512x128xi1>, vector<512x128xi32>
    %and3A_699 = arith.constant 2 : i32
    %and3A_700 = vector.broadcast %and3A_699 : i32 to vector<512x1xi32>
    %and3A_701 = arith.andi %iota3A_587, %and3A_700 : vector<512x1xi32>
    %eq3A_702 = arith.constant 0 : i32
    %eq3A_703 = vector.broadcast %eq3A_702 : i32 to vector<512x1xi32>
    %eq3A_704 = arith.cmpi eq, %and3A_701, %eq3A_703 : vector<512x1xi32>
    %roll3A_705 = arith.constant 510 : i32
    %roll3A_706 = tpu.dynamic_rotate %select_n3A_697 by %roll3A_705 dim 0 : vector<512x128xf32>, i32 -> vector<512x128xf32>
    %roll3A_707 = arith.constant 2 : i32
    %roll3A_708 = tpu.dynamic_rotate %select_n3A_697 by %roll3A_707 dim 0 : vector<512x128xf32>, i32 -> vector<512x128xf32>
    %broadcast_in_dim3A_709 = vector.shape_cast %eq3A_704 : vector<512x1xi1> to vector<512x1xi1>
    %broadcast_in_dim3A_710 = vector.broadcast %broadcast_in_dim3A_709 : vector<512x1xi1> to vector<512x128xi1>
    %select_n3A_711 = arith.select %broadcast_in_dim3A_710, %roll3A_706, %roll3A_708 : vector<512x128xi1>, vector<512x128xf32>
    %roll3A_712 = arith.constant 510 : i32
    %roll3A_713 = tpu.dynamic_rotate %select_n3A_698 by %roll3A_712 dim 0 : vector<512x128xi32>, i32 -> vector<512x128xi32>
    %roll3A_714 = arith.constant 2 : i32
    %roll3A_715 = tpu.dynamic_rotate %select_n3A_698 by %roll3A_714 dim 0 : vector<512x128xi32>, i32 -> vector<512x128xi32>
    %broadcast_in_dim3A_716 = vector.shape_cast %eq3A_704 : vector<512x1xi1> to vector<512x1xi1>
    %broadcast_in_dim3A_717 = vector.broadcast %broadcast_in_dim3A_716 : vector<512x1xi1> to vector<512x128xi1>
    %select_n3A_718 = arith.select %broadcast_in_dim3A_717, %roll3A_713, %roll3A_715 : vector<512x128xi1>, vector<512x128xi32>
    %lt3A_719 = arith.cmpf olt, %select_n3A_697, %select_n3A_711 : vector<512x128xf32>
    %and3A_720 = arith.constant 32 : i32
    %and3A_721 = vector.broadcast %and3A_720 : i32 to vector<512x1xi32>
    %and3A_722 = arith.andi %iota3A_587, %and3A_721 : vector<512x1xi32>
    %eq3A_723 = arith.constant 0 : i32
    %eq3A_724 = vector.broadcast %eq3A_723 : i32 to vector<512x1xi32>
    %eq3A_725 = arith.cmpi eq, %and3A_722, %eq3A_724 : vector<512x1xi32>
    %eq3A_726 = arith.xori %eq3A_704, %eq3A_725 : vector<512x1xi1>
    %eq3A_727 = arith.constant dense<true> : vector<512x1xi1>
    %eq3A_728 = arith.xori %eq3A_726, %eq3A_727 : vector<512x1xi1>
    %eq3A_729 = vector.broadcast %eq3A_728 : vector<512x1xi1> to vector<512x128xi1>
    %eq3A_730 = vector.broadcast %eq3A_729 : vector<512x128xi1> to vector<512x128xi1>
    %eq3A_731 = arith.xori %lt3A_719, %eq3A_730 : vector<512x128xi1>
    %eq3A_732 = arith.constant dense<true> : vector<512x128xi1>
    %eq3A_733 = arith.xori %eq3A_731, %eq3A_732 : vector<512x128xi1>
    %select_n3A_734 = arith.select %eq3A_733, %select_n3A_697, %select_n3A_711 : vector<512x128xi1>, vector<512x128xf32>
    %select_n3A_735 = arith.select %eq3A_733, %select_n3A_698, %select_n3A_718 : vector<512x128xi1>, vector<512x128xi32>
    %and3A_736 = arith.constant 1 : i32
    %and3A_737 = vector.broadcast %and3A_736 : i32 to vector<512x1xi32>
    %and3A_738 = arith.andi %iota3A_587, %and3A_737 : vector<512x1xi32>
    %eq3A_739 = arith.constant 0 : i32
    %eq3A_740 = vector.broadcast %eq3A_739 : i32 to vector<512x1xi32>
    %eq3A_741 = arith.cmpi eq, %and3A_738, %eq3A_740 : vector<512x1xi32>
    %roll3A_742 = arith.constant 511 : i32
    %roll3A_743 = tpu.dynamic_rotate %select_n3A_734 by %roll3A_742 dim 0 : vector<512x128xf32>, i32 -> vector<512x128xf32>
    %roll3A_744 = arith.constant 1 : i32
    %roll3A_745 = tpu.dynamic_rotate %select_n3A_734 by %roll3A_744 dim 0 : vector<512x128xf32>, i32 -> vector<512x128xf32>
    %broadcast_in_dim3A_746 = vector.shape_cast %eq3A_741 : vector<512x1xi1> to vector<512x1xi1>
    %broadcast_in_dim3A_747 = vector.broadcast %broadcast_in_dim3A_746 : vector<512x1xi1> to vector<512x128xi1>
    %select_n3A_748 = arith.select %broadcast_in_dim3A_747, %roll3A_743, %roll3A_745 : vector<512x128xi1>, vector<512x128xf32>
    %roll3A_749 = arith.constant 511 : i32
    %roll3A_750 = tpu.dynamic_rotate %select_n3A_735 by %roll3A_749 dim 0 : vector<512x128xi32>, i32 -> vector<512x128xi32>
    %roll3A_751 = arith.constant 1 : i32
    %roll3A_752 = tpu.dynamic_rotate %select_n3A_735 by %roll3A_751 dim 0 : vector<512x128xi32>, i32 -> vector<512x128xi32>
    %broadcast_in_dim3A_753 = vector.shape_cast %eq3A_741 : vector<512x1xi1> to vector<512x1xi1>
    %broadcast_in_dim3A_754 = vector.broadcast %broadcast_in_dim3A_753 : vector<512x1xi1> to vector<512x128xi1>
    %select_n3A_755 = arith.select %broadcast_in_dim3A_754, %roll3A_750, %roll3A_752 : vector<512x128xi1>, vector<512x128xi32>
    %lt3A_756 = arith.cmpf olt, %select_n3A_734, %select_n3A_748 : vector<512x128xf32>
    %and3A_757 = arith.constant 32 : i32
    %and3A_758 = vector.broadcast %and3A_757 : i32 to vector<512x1xi32>
    %and3A_759 = arith.andi %iota3A_587, %and3A_758 : vector<512x1xi32>
    %eq3A_760 = arith.constant 0 : i32
    %eq3A_761 = vector.broadcast %eq3A_760 : i32 to vector<512x1xi32>
    %eq3A_762 = arith.cmpi eq, %and3A_759, %eq3A_761 : vector<512x1xi32>
    %eq3A_763 = arith.xori %eq3A_741, %eq3A_762 : vector<512x1xi1>
    %eq3A_764 = arith.constant dense<true> : vector<512x1xi1>
    %eq3A_765 = arith.xori %eq3A_763, %eq3A_764 : vector<512x1xi1>
    %eq3A_766 = vector.broadcast %eq3A_765 : vector<512x1xi1> to vector<512x128xi1>
    %eq3A_767 = vector.broadcast %eq3A_766 : vector<512x128xi1> to vector<512x128xi1>
    %eq3A_768 = arith.xori %lt3A_756, %eq3A_767 : vector<512x128xi1>
    %eq3A_769 = arith.constant dense<true> : vector<512x128xi1>
    %eq3A_770 = arith.xori %eq3A_768, %eq3A_769 : vector<512x128xi1>
    %select_n3A_771 = arith.select %eq3A_770, %select_n3A_734, %select_n3A_748 : vector<512x128xi1>, vector<512x128xf32>
    %select_n3A_772 = arith.select %eq3A_770, %select_n3A_735, %select_n3A_755 : vector<512x128xi1>, vector<512x128xi32>
    %roll3A_773 = arith.constant 480 : i32
    %roll3A_774 = tpu.dynamic_rotate %select_n3A_771 by %roll3A_773 dim 0 : vector<512x128xf32>, i32 -> vector<512x128xf32>
    %roll3A_775 = arith.constant 480 : i32
    %roll3A_776 = tpu.dynamic_rotate %select_n3A_772 by %roll3A_775 dim 0 : vector<512x128xi32>, i32 -> vector<512x128xi32>
    %lt3A_777 = arith.cmpf olt, %select_n3A_771, %roll3A_774 : vector<512x128xf32>
    %eq3A_778 = arith.cmpf oeq, %select_n3A_771, %roll3A_774 : vector<512x128xf32>
    %lt3A_779 = arith.cmpi slt, %select_n3A_772, %roll3A_776 : vector<512x128xi32>
    %and3A_780 = arith.andi %eq3A_778, %lt3A_779 : vector<512x128xi1>
    %or3A_781 = arith.ori %lt3A_777, %and3A_780 : vector<512x128xi1>
    %select_n3A_782 = arith.select %or3A_781, %select_n3A_771, %roll3A_774 : vector<512x128xi1>, vector<512x128xf32>
    %reshape3A_783 = vector.shape_cast %select_n3A_782 : vector<512x128xf32> to vector<8x2x32x128xf32>
    %select_n3A_784 = arith.select %or3A_781, %select_n3A_772, %roll3A_776 : vector<512x128xi1>, vector<512x128xi32>
    %reshape3A_785 = vector.shape_cast %select_n3A_784 : vector<512x128xi32> to vector<8x2x32x128xi32>
    %slice3A_786 = vector.extract_strided_slice %reshape3A_783 {offsets = [0, 0, 0, 0], sizes = [8, 1, 32, 128], strides = [1, 1, 1, 1]} : vector<8x2x32x128xf32> to vector<8x1x32x128xf32>
    %squeeze3A_787 = vector.shape_cast %slice3A_786 : vector<8x1x32x128xf32> to vector<8x32x128xf32>
    %reshape3A_788 = vector.shape_cast %squeeze3A_787 : vector<8x32x128xf32> to vector<256x128xf32>
    %slice3A_789 = vector.extract_strided_slice %reshape3A_785 {offsets = [0, 0, 0, 0], sizes = [8, 1, 32, 128], strides = [1, 1, 1, 1]} : vector<8x2x32x128xi32> to vector<8x1x32x128xi32>
    %squeeze3A_790 = vector.shape_cast %slice3A_789 : vector<8x1x32x128xi32> to vector<8x32x128xi32>
    %reshape3A_791 = vector.shape_cast %squeeze3A_790 : vector<8x32x128xi32> to vector<256x128xi32>
    %iota3A_792 = tpu.iota {dimensions = array<i32: 0>} : vector<256x1xi32>
    %and3A_793 = arith.constant 16 : i32
    %and3A_794 = vector.broadcast %and3A_793 : i32 to vector<256x1xi32>
    %and3A_795 = arith.andi %iota3A_792, %and3A_794 : vector<256x1xi32>
    %eq3A_796 = arith.constant 0 : i32
    %eq3A_797 = vector.broadcast %eq3A_796 : i32 to vector<256x1xi32>
    %eq3A_798 = arith.cmpi eq, %and3A_795, %eq3A_797 : vector<256x1xi32>
    %roll3A_799 = arith.constant 240 : i32
    %roll3A_800 = tpu.dynamic_rotate %reshape3A_788 by %roll3A_799 dim 0 : vector<256x128xf32>, i32 -> vector<256x128xf32>
    %roll3A_801 = arith.constant 16 : i32
    %roll3A_802 = tpu.dynamic_rotate %reshape3A_788 by %roll3A_801 dim 0 : vector<256x128xf32>, i32 -> vector<256x128xf32>
    %broadcast_in_dim3A_803 = vector.shape_cast %eq3A_798 : vector<256x1xi1> to vector<256x1xi1>
    %broadcast_in_dim3A_804 = vector.broadcast %broadcast_in_dim3A_803 : vector<256x1xi1> to vector<256x128xi1>
    %select_n3A_805 = arith.select %broadcast_in_dim3A_804, %roll3A_800, %roll3A_802 : vector<256x128xi1>, vector<256x128xf32>
    %roll3A_806 = arith.constant 240 : i32
    %roll3A_807 = tpu.dynamic_rotate %reshape3A_791 by %roll3A_806 dim 0 : vector<256x128xi32>, i32 -> vector<256x128xi32>
    %roll3A_808 = arith.constant 16 : i32
    %roll3A_809 = tpu.dynamic_rotate %reshape3A_791 by %roll3A_808 dim 0 : vector<256x128xi32>, i32 -> vector<256x128xi32>
    %broadcast_in_dim3A_810 = vector.shape_cast %eq3A_798 : vector<256x1xi1> to vector<256x1xi1>
    %broadcast_in_dim3A_811 = vector.broadcast %broadcast_in_dim3A_810 : vector<256x1xi1> to vector<256x128xi1>
    %select_n3A_812 = arith.select %broadcast_in_dim3A_811, %roll3A_807, %roll3A_809 : vector<256x128xi1>, vector<256x128xi32>
    %lt3A_813 = arith.cmpf olt, %reshape3A_788, %select_n3A_805 : vector<256x128xf32>
    %and3A_814 = arith.constant 32 : i32
    %and3A_815 = vector.broadcast %and3A_814 : i32 to vector<256x1xi32>
    %and3A_816 = arith.andi %iota3A_792, %and3A_815 : vector<256x1xi32>
    %eq3A_817 = arith.constant 0 : i32
    %eq3A_818 = vector.broadcast %eq3A_817 : i32 to vector<256x1xi32>
    %eq3A_819 = arith.cmpi eq, %and3A_816, %eq3A_818 : vector<256x1xi32>
    %eq3A_820 = arith.xori %eq3A_798, %eq3A_819 : vector<256x1xi1>
    %eq3A_821 = arith.constant dense<true> : vector<256x1xi1>
    %eq3A_822 = arith.xori %eq3A_820, %eq3A_821 : vector<256x1xi1>
    %eq3A_823 = vector.broadcast %eq3A_822 : vector<256x1xi1> to vector<256x128xi1>
    %eq3A_824 = vector.broadcast %eq3A_823 : vector<256x128xi1> to vector<256x128xi1>
    %eq3A_825 = arith.xori %lt3A_813, %eq3A_824 : vector<256x128xi1>
    %eq3A_826 = arith.constant dense<true> : vector<256x128xi1>
    %eq3A_827 = arith.xori %eq3A_825, %eq3A_826 : vector<256x128xi1>
    %select_n3A_828 = arith.select %eq3A_827, %reshape3A_788, %select_n3A_805 : vector<256x128xi1>, vector<256x128xf32>
    %select_n3A_829 = arith.select %eq3A_827, %reshape3A_791, %select_n3A_812 : vector<256x128xi1>, vector<256x128xi32>
    %and3A_830 = arith.constant 8 : i32
    %and3A_831 = vector.broadcast %and3A_830 : i32 to vector<256x1xi32>
    %and3A_832 = arith.andi %iota3A_792, %and3A_831 : vector<256x1xi32>
    %eq3A_833 = arith.constant 0 : i32
    %eq3A_834 = vector.broadcast %eq3A_833 : i32 to vector<256x1xi32>
    %eq3A_835 = arith.cmpi eq, %and3A_832, %eq3A_834 : vector<256x1xi32>
    %roll3A_836 = arith.constant 248 : i32
    %roll3A_837 = tpu.dynamic_rotate %select_n3A_828 by %roll3A_836 dim 0 : vector<256x128xf32>, i32 -> vector<256x128xf32>
    %roll3A_838 = arith.constant 8 : i32
    %roll3A_839 = tpu.dynamic_rotate %select_n3A_828 by %roll3A_838 dim 0 : vector<256x128xf32>, i32 -> vector<256x128xf32>
    %broadcast_in_dim3A_840 = vector.shape_cast %eq3A_835 : vector<256x1xi1> to vector<256x1xi1>
    %broadcast_in_dim3A_841 = vector.broadcast %broadcast_in_dim3A_840 : vector<256x1xi1> to vector<256x128xi1>
    %select_n3A_842 = arith.select %broadcast_in_dim3A_841, %roll3A_837, %roll3A_839 : vector<256x128xi1>, vector<256x128xf32>
    %roll3A_843 = arith.constant 248 : i32
    %roll3A_844 = tpu.dynamic_rotate %select_n3A_829 by %roll3A_843 dim 0 : vector<256x128xi32>, i32 -> vector<256x128xi32>
    %roll3A_845 = arith.constant 8 : i32
    %roll3A_846 = tpu.dynamic_rotate %select_n3A_829 by %roll3A_845 dim 0 : vector<256x128xi32>, i32 -> vector<256x128xi32>
    %broadcast_in_dim3A_847 = vector.shape_cast %eq3A_835 : vector<256x1xi1> to vector<256x1xi1>
    %broadcast_in_dim3A_848 = vector.broadcast %broadcast_in_dim3A_847 : vector<256x1xi1> to vector<256x128xi1>
    %select_n3A_849 = arith.select %broadcast_in_dim3A_848, %roll3A_844, %roll3A_846 : vector<256x128xi1>, vector<256x128xi32>
    %lt3A_850 = arith.cmpf olt, %select_n3A_828, %select_n3A_842 : vector<256x128xf32>
    %and3A_851 = arith.constant 32 : i32
    %and3A_852 = vector.broadcast %and3A_851 : i32 to vector<256x1xi32>
    %and3A_853 = arith.andi %iota3A_792, %and3A_852 : vector<256x1xi32>
    %eq3A_854 = arith.constant 0 : i32
    %eq3A_855 = vector.broadcast %eq3A_854 : i32 to vector<256x1xi32>
    %eq3A_856 = arith.cmpi eq, %and3A_853, %eq3A_855 : vector<256x1xi32>
    %eq3A_857 = arith.xori %eq3A_835, %eq3A_856 : vector<256x1xi1>
    %eq3A_858 = arith.constant dense<true> : vector<256x1xi1>
    %eq3A_859 = arith.xori %eq3A_857, %eq3A_858 : vector<256x1xi1>
    %eq3A_860 = vector.broadcast %eq3A_859 : vector<256x1xi1> to vector<256x128xi1>
    %eq3A_861 = vector.broadcast %eq3A_860 : vector<256x128xi1> to vector<256x128xi1>
    %eq3A_862 = arith.xori %lt3A_850, %eq3A_861 : vector<256x128xi1>
    %eq3A_863 = arith.constant dense<true> : vector<256x128xi1>
    %eq3A_864 = arith.xori %eq3A_862, %eq3A_863 : vector<256x128xi1>
    %select_n3A_865 = arith.select %eq3A_864, %select_n3A_828, %select_n3A_842 : vector<256x128xi1>, vector<256x128xf32>
    %select_n3A_866 = arith.select %eq3A_864, %select_n3A_829, %select_n3A_849 : vector<256x128xi1>, vector<256x128xi32>
    %and3A_867 = arith.constant 4 : i32
    %and3A_868 = vector.broadcast %and3A_867 : i32 to vector<256x1xi32>
    %and3A_869 = arith.andi %iota3A_792, %and3A_868 : vector<256x1xi32>
    %eq3A_870 = arith.constant 0 : i32
    %eq3A_871 = vector.broadcast %eq3A_870 : i32 to vector<256x1xi32>
    %eq3A_872 = arith.cmpi eq, %and3A_869, %eq3A_871 : vector<256x1xi32>
    %roll3A_873 = arith.constant 252 : i32
    %roll3A_874 = tpu.dynamic_rotate %select_n3A_865 by %roll3A_873 dim 0 : vector<256x128xf32>, i32 -> vector<256x128xf32>
    %roll3A_875 = arith.constant 4 : i32
    %roll3A_876 = tpu.dynamic_rotate %select_n3A_865 by %roll3A_875 dim 0 : vector<256x128xf32>, i32 -> vector<256x128xf32>
    %broadcast_in_dim3A_877 = vector.shape_cast %eq3A_872 : vector<256x1xi1> to vector<256x1xi1>
    %broadcast_in_dim3A_878 = vector.broadcast %broadcast_in_dim3A_877 : vector<256x1xi1> to vector<256x128xi1>
    %select_n3A_879 = arith.select %broadcast_in_dim3A_878, %roll3A_874, %roll3A_876 : vector<256x128xi1>, vector<256x128xf32>
    %roll3A_880 = arith.constant 252 : i32
    %roll3A_881 = tpu.dynamic_rotate %select_n3A_866 by %roll3A_880 dim 0 : vector<256x128xi32>, i32 -> vector<256x128xi32>
    %roll3A_882 = arith.constant 4 : i32
    %roll3A_883 = tpu.dynamic_rotate %select_n3A_866 by %roll3A_882 dim 0 : vector<256x128xi32>, i32 -> vector<256x128xi32>
    %broadcast_in_dim3A_884 = vector.shape_cast %eq3A_872 : vector<256x1xi1> to vector<256x1xi1>
    %broadcast_in_dim3A_885 = vector.broadcast %broadcast_in_dim3A_884 : vector<256x1xi1> to vector<256x128xi1>
    %select_n3A_886 = arith.select %broadcast_in_dim3A_885, %roll3A_881, %roll3A_883 : vector<256x128xi1>, vector<256x128xi32>
    %lt3A_887 = arith.cmpf olt, %select_n3A_865, %select_n3A_879 : vector<256x128xf32>
    %and3A_888 = arith.constant 32 : i32
    %and3A_889 = vector.broadcast %and3A_888 : i32 to vector<256x1xi32>
    %and3A_890 = arith.andi %iota3A_792, %and3A_889 : vector<256x1xi32>
    %eq3A_891 = arith.constant 0 : i32
    %eq3A_892 = vector.broadcast %eq3A_891 : i32 to vector<256x1xi32>
    %eq3A_893 = arith.cmpi eq, %and3A_890, %eq3A_892 : vector<256x1xi32>
    %eq3A_894 = arith.xori %eq3A_872, %eq3A_893 : vector<256x1xi1>
    %eq3A_895 = arith.constant dense<true> : vector<256x1xi1>
    %eq3A_896 = arith.xori %eq3A_894, %eq3A_895 : vector<256x1xi1>
    %eq3A_897 = vector.broadcast %eq3A_896 : vector<256x1xi1> to vector<256x128xi1>
    %eq3A_898 = vector.broadcast %eq3A_897 : vector<256x128xi1> to vector<256x128xi1>
    %eq3A_899 = arith.xori %lt3A_887, %eq3A_898 : vector<256x128xi1>
    %eq3A_900 = arith.constant dense<true> : vector<256x128xi1>
    %eq3A_901 = arith.xori %eq3A_899, %eq3A_900 : vector<256x128xi1>
    %select_n3A_902 = arith.select %eq3A_901, %select_n3A_865, %select_n3A_879 : vector<256x128xi1>, vector<256x128xf32>
    %select_n3A_903 = arith.select %eq3A_901, %select_n3A_866, %select_n3A_886 : vector<256x128xi1>, vector<256x128xi32>
    %and3A_904 = arith.constant 2 : i32
    %and3A_905 = vector.broadcast %and3A_904 : i32 to vector<256x1xi32>
    %and3A_906 = arith.andi %iota3A_792, %and3A_905 : vector<256x1xi32>
    %eq3A_907 = arith.constant 0 : i32
    %eq3A_908 = vector.broadcast %eq3A_907 : i32 to vector<256x1xi32>
    %eq3A_909 = arith.cmpi eq, %and3A_906, %eq3A_908 : vector<256x1xi32>
    %roll3A_910 = arith.constant 254 : i32
    %roll3A_911 = tpu.dynamic_rotate %select_n3A_902 by %roll3A_910 dim 0 : vector<256x128xf32>, i32 -> vector<256x128xf32>
    %roll3A_912 = arith.constant 2 : i32
    %roll3A_913 = tpu.dynamic_rotate %select_n3A_902 by %roll3A_912 dim 0 : vector<256x128xf32>, i32 -> vector<256x128xf32>
    %broadcast_in_dim3A_914 = vector.shape_cast %eq3A_909 : vector<256x1xi1> to vector<256x1xi1>
    %broadcast_in_dim3A_915 = vector.broadcast %broadcast_in_dim3A_914 : vector<256x1xi1> to vector<256x128xi1>
    %select_n3A_916 = arith.select %broadcast_in_dim3A_915, %roll3A_911, %roll3A_913 : vector<256x128xi1>, vector<256x128xf32>
    %roll3A_917 = arith.constant 254 : i32
    %roll3A_918 = tpu.dynamic_rotate %select_n3A_903 by %roll3A_917 dim 0 : vector<256x128xi32>, i32 -> vector<256x128xi32>
    %roll3A_919 = arith.constant 2 : i32
    %roll3A_920 = tpu.dynamic_rotate %select_n3A_903 by %roll3A_919 dim 0 : vector<256x128xi32>, i32 -> vector<256x128xi32>
    %broadcast_in_dim3A_921 = vector.shape_cast %eq3A_909 : vector<256x1xi1> to vector<256x1xi1>
    %broadcast_in_dim3A_922 = vector.broadcast %broadcast_in_dim3A_921 : vector<256x1xi1> to vector<256x128xi1>
    %select_n3A_923 = arith.select %broadcast_in_dim3A_922, %roll3A_918, %roll3A_920 : vector<256x128xi1>, vector<256x128xi32>
    %lt3A_924 = arith.cmpf olt, %select_n3A_902, %select_n3A_916 : vector<256x128xf32>
    %and3A_925 = arith.constant 32 : i32
    %and3A_926 = vector.broadcast %and3A_925 : i32 to vector<256x1xi32>
    %and3A_927 = arith.andi %iota3A_792, %and3A_926 : vector<256x1xi32>
    %eq3A_928 = arith.constant 0 : i32
    %eq3A_929 = vector.broadcast %eq3A_928 : i32 to vector<256x1xi32>
    %eq3A_930 = arith.cmpi eq, %and3A_927, %eq3A_929 : vector<256x1xi32>
    %eq3A_931 = arith.xori %eq3A_909, %eq3A_930 : vector<256x1xi1>
    %eq3A_932 = arith.constant dense<true> : vector<256x1xi1>
    %eq3A_933 = arith.xori %eq3A_931, %eq3A_932 : vector<256x1xi1>
    %eq3A_934 = vector.broadcast %eq3A_933 : vector<256x1xi1> to vector<256x128xi1>
    %eq3A_935 = vector.broadcast %eq3A_934 : vector<256x128xi1> to vector<256x128xi1>
    %eq3A_936 = arith.xori %lt3A_924, %eq3A_935 : vector<256x128xi1>
    %eq3A_937 = arith.constant dense<true> : vector<256x128xi1>
    %eq3A_938 = arith.xori %eq3A_936, %eq3A_937 : vector<256x128xi1>
    %select_n3A_939 = arith.select %eq3A_938, %select_n3A_902, %select_n3A_916 : vector<256x128xi1>, vector<256x128xf32>
    %select_n3A_940 = arith.select %eq3A_938, %select_n3A_903, %select_n3A_923 : vector<256x128xi1>, vector<256x128xi32>
    %and3A_941 = arith.constant 1 : i32
    %and3A_942 = vector.broadcast %and3A_941 : i32 to vector<256x1xi32>
    %and3A_943 = arith.andi %iota3A_792, %and3A_942 : vector<256x1xi32>
    %eq3A_944 = arith.constant 0 : i32
    %eq3A_945 = vector.broadcast %eq3A_944 : i32 to vector<256x1xi32>
    %eq3A_946 = arith.cmpi eq, %and3A_943, %eq3A_945 : vector<256x1xi32>
    %roll3A_947 = arith.constant 255 : i32
    %roll3A_948 = tpu.dynamic_rotate %select_n3A_939 by %roll3A_947 dim 0 : vector<256x128xf32>, i32 -> vector<256x128xf32>
    %roll3A_949 = arith.constant 1 : i32
    %roll3A_950 = tpu.dynamic_rotate %select_n3A_939 by %roll3A_949 dim 0 : vector<256x128xf32>, i32 -> vector<256x128xf32>
    %broadcast_in_dim3A_951 = vector.shape_cast %eq3A_946 : vector<256x1xi1> to vector<256x1xi1>
    %broadcast_in_dim3A_952 = vector.broadcast %broadcast_in_dim3A_951 : vector<256x1xi1> to vector<256x128xi1>
    %select_n3A_953 = arith.select %broadcast_in_dim3A_952, %roll3A_948, %roll3A_950 : vector<256x128xi1>, vector<256x128xf32>
    %roll3A_954 = arith.constant 255 : i32
    %roll3A_955 = tpu.dynamic_rotate %select_n3A_940 by %roll3A_954 dim 0 : vector<256x128xi32>, i32 -> vector<256x128xi32>
    %roll3A_956 = arith.constant 1 : i32
    %roll3A_957 = tpu.dynamic_rotate %select_n3A_940 by %roll3A_956 dim 0 : vector<256x128xi32>, i32 -> vector<256x128xi32>
    %broadcast_in_dim3A_958 = vector.shape_cast %eq3A_946 : vector<256x1xi1> to vector<256x1xi1>
    %broadcast_in_dim3A_959 = vector.broadcast %broadcast_in_dim3A_958 : vector<256x1xi1> to vector<256x128xi1>
    %select_n3A_960 = arith.select %broadcast_in_dim3A_959, %roll3A_955, %roll3A_957 : vector<256x128xi1>, vector<256x128xi32>
    %lt3A_961 = arith.cmpf olt, %select_n3A_939, %select_n3A_953 : vector<256x128xf32>
    %and3A_962 = arith.constant 32 : i32
    %and3A_963 = vector.broadcast %and3A_962 : i32 to vector<256x1xi32>
    %and3A_964 = arith.andi %iota3A_792, %and3A_963 : vector<256x1xi32>
    %eq3A_965 = arith.constant 0 : i32
    %eq3A_966 = vector.broadcast %eq3A_965 : i32 to vector<256x1xi32>
    %eq3A_967 = arith.cmpi eq, %and3A_964, %eq3A_966 : vector<256x1xi32>
    %eq3A_968 = arith.xori %eq3A_946, %eq3A_967 : vector<256x1xi1>
    %eq3A_969 = arith.constant dense<true> : vector<256x1xi1>
    %eq3A_970 = arith.xori %eq3A_968, %eq3A_969 : vector<256x1xi1>
    %eq3A_971 = vector.broadcast %eq3A_970 : vector<256x1xi1> to vector<256x128xi1>
    %eq3A_972 = vector.broadcast %eq3A_971 : vector<256x128xi1> to vector<256x128xi1>
    %eq3A_973 = arith.xori %lt3A_961, %eq3A_972 : vector<256x128xi1>
    %eq3A_974 = arith.constant dense<true> : vector<256x128xi1>
    %eq3A_975 = arith.xori %eq3A_973, %eq3A_974 : vector<256x128xi1>
    %select_n3A_976 = arith.select %eq3A_975, %select_n3A_939, %select_n3A_953 : vector<256x128xi1>, vector<256x128xf32>
    %select_n3A_977 = arith.select %eq3A_975, %select_n3A_940, %select_n3A_960 : vector<256x128xi1>, vector<256x128xi32>
    %roll3A_978 = arith.constant 224 : i32
    %roll3A_979 = tpu.dynamic_rotate %select_n3A_976 by %roll3A_978 dim 0 : vector<256x128xf32>, i32 -> vector<256x128xf32>
    %roll3A_980 = arith.constant 224 : i32
    %roll3A_981 = tpu.dynamic_rotate %select_n3A_977 by %roll3A_980 dim 0 : vector<256x128xi32>, i32 -> vector<256x128xi32>
    %lt3A_982 = arith.cmpf olt, %select_n3A_976, %roll3A_979 : vector<256x128xf32>
    %eq3A_983 = arith.cmpf oeq, %select_n3A_976, %roll3A_979 : vector<256x128xf32>
    %lt3A_984 = arith.cmpi slt, %select_n3A_977, %roll3A_981 : vector<256x128xi32>
    %and3A_985 = arith.andi %eq3A_983, %lt3A_984 : vector<256x128xi1>
    %or3A_986 = arith.ori %lt3A_982, %and3A_985 : vector<256x128xi1>
    %select_n3A_987 = arith.select %or3A_986, %select_n3A_976, %roll3A_979 : vector<256x128xi1>, vector<256x128xf32>
    %reshape3A_988 = vector.shape_cast %select_n3A_987 : vector<256x128xf32> to vector<4x2x32x128xf32>
    %select_n3A_989 = arith.select %or3A_986, %select_n3A_977, %roll3A_981 : vector<256x128xi1>, vector<256x128xi32>
    %reshape3A_990 = vector.shape_cast %select_n3A_989 : vector<256x128xi32> to vector<4x2x32x128xi32>
    %slice3A_991 = vector.extract_strided_slice %reshape3A_988 {offsets = [0, 0, 0, 0], sizes = [4, 1, 32, 128], strides = [1, 1, 1, 1]} : vector<4x2x32x128xf32> to vector<4x1x32x128xf32>
    %squeeze3A_992 = vector.shape_cast %slice3A_991 : vector<4x1x32x128xf32> to vector<4x32x128xf32>
    %reshape3A_993 = vector.shape_cast %squeeze3A_992 : vector<4x32x128xf32> to vector<128x128xf32>
    %slice3A_994 = vector.extract_strided_slice %reshape3A_990 {offsets = [0, 0, 0, 0], sizes = [4, 1, 32, 128], strides = [1, 1, 1, 1]} : vector<4x2x32x128xi32> to vector<4x1x32x128xi32>
    %squeeze3A_995 = vector.shape_cast %slice3A_994 : vector<4x1x32x128xi32> to vector<4x32x128xi32>
    %reshape3A_996 = vector.shape_cast %squeeze3A_995 : vector<4x32x128xi32> to vector<128x128xi32>
    %iota3A_997 = tpu.iota {dimensions = array<i32: 0>} : vector<128x1xi32>
    %and3A_998 = arith.constant 16 : i32
    %and3A_999 = vector.broadcast %and3A_998 : i32 to vector<128x1xi32>
    %and3A_1000 = arith.andi %iota3A_997, %and3A_999 : vector<128x1xi32>
    %eq3A_1001 = arith.constant 0 : i32
    %eq3A_1002 = vector.broadcast %eq3A_1001 : i32 to vector<128x1xi32>
    %eq3A_1003 = arith.cmpi eq, %and3A_1000, %eq3A_1002 : vector<128x1xi32>
    %roll3A_1004 = arith.constant 112 : i32
    %roll3A_1005 = tpu.dynamic_rotate %reshape3A_993 by %roll3A_1004 dim 0 : vector<128x128xf32>, i32 -> vector<128x128xf32>
    %roll3A_1006 = arith.constant 16 : i32
    %roll3A_1007 = tpu.dynamic_rotate %reshape3A_993 by %roll3A_1006 dim 0 : vector<128x128xf32>, i32 -> vector<128x128xf32>
    %broadcast_in_dim3A_1008 = vector.shape_cast %eq3A_1003 : vector<128x1xi1> to vector<128x1xi1>
    %broadcast_in_dim3A_1009 = vector.broadcast %broadcast_in_dim3A_1008 : vector<128x1xi1> to vector<128x128xi1>
    %select_n3A_1010 = arith.select %broadcast_in_dim3A_1009, %roll3A_1005, %roll3A_1007 : vector<128x128xi1>, vector<128x128xf32>
    %roll3A_1011 = arith.constant 112 : i32
    %roll3A_1012 = tpu.dynamic_rotate %reshape3A_996 by %roll3A_1011 dim 0 : vector<128x128xi32>, i32 -> vector<128x128xi32>
    %roll3A_1013 = arith.constant 16 : i32
    %roll3A_1014 = tpu.dynamic_rotate %reshape3A_996 by %roll3A_1013 dim 0 : vector<128x128xi32>, i32 -> vector<128x128xi32>
    %broadcast_in_dim3A_1015 = vector.shape_cast %eq3A_1003 : vector<128x1xi1> to vector<128x1xi1>
    %broadcast_in_dim3A_1016 = vector.broadcast %broadcast_in_dim3A_1015 : vector<128x1xi1> to vector<128x128xi1>
    %select_n3A_1017 = arith.select %broadcast_in_dim3A_1016, %roll3A_1012, %roll3A_1014 : vector<128x128xi1>, vector<128x128xi32>
    %lt3A_1018 = arith.cmpf olt, %reshape3A_993, %select_n3A_1010 : vector<128x128xf32>
    %and3A_1019 = arith.constant 32 : i32
    %and3A_1020 = vector.broadcast %and3A_1019 : i32 to vector<128x1xi32>
    %and3A_1021 = arith.andi %iota3A_997, %and3A_1020 : vector<128x1xi32>
    %eq3A_1022 = arith.constant 0 : i32
    %eq3A_1023 = vector.broadcast %eq3A_1022 : i32 to vector<128x1xi32>
    %eq3A_1024 = arith.cmpi eq, %and3A_1021, %eq3A_1023 : vector<128x1xi32>
    %eq3A_1025 = arith.xori %eq3A_1003, %eq3A_1024 : vector<128x1xi1>
    %eq3A_1026 = arith.constant dense<true> : vector<128x1xi1>
    %eq3A_1027 = arith.xori %eq3A_1025, %eq3A_1026 : vector<128x1xi1>
    %eq3A_1028 = vector.broadcast %eq3A_1027 : vector<128x1xi1> to vector<128x128xi1>
    %eq3A_1029 = vector.broadcast %eq3A_1028 : vector<128x128xi1> to vector<128x128xi1>
    %eq3A_1030 = arith.xori %lt3A_1018, %eq3A_1029 : vector<128x128xi1>
    %eq3A_1031 = arith.constant dense<true> : vector<128x128xi1>
    %eq3A_1032 = arith.xori %eq3A_1030, %eq3A_1031 : vector<128x128xi1>
    %select_n3A_1033 = arith.select %eq3A_1032, %reshape3A_993, %select_n3A_1010 : vector<128x128xi1>, vector<128x128xf32>
    %select_n3A_1034 = arith.select %eq3A_1032, %reshape3A_996, %select_n3A_1017 : vector<128x128xi1>, vector<128x128xi32>
    %and3A_1035 = arith.constant 8 : i32
    %and3A_1036 = vector.broadcast %and3A_1035 : i32 to vector<128x1xi32>
    %and3A_1037 = arith.andi %iota3A_997, %and3A_1036 : vector<128x1xi32>
    %eq3A_1038 = arith.constant 0 : i32
    %eq3A_1039 = vector.broadcast %eq3A_1038 : i32 to vector<128x1xi32>
    %eq3A_1040 = arith.cmpi eq, %and3A_1037, %eq3A_1039 : vector<128x1xi32>
    %roll3A_1041 = arith.constant 120 : i32
    %roll3A_1042 = tpu.dynamic_rotate %select_n3A_1033 by %roll3A_1041 dim 0 : vector<128x128xf32>, i32 -> vector<128x128xf32>
    %roll3A_1043 = arith.constant 8 : i32
    %roll3A_1044 = tpu.dynamic_rotate %select_n3A_1033 by %roll3A_1043 dim 0 : vector<128x128xf32>, i32 -> vector<128x128xf32>
    %broadcast_in_dim3A_1045 = vector.shape_cast %eq3A_1040 : vector<128x1xi1> to vector<128x1xi1>
    %broadcast_in_dim3A_1046 = vector.broadcast %broadcast_in_dim3A_1045 : vector<128x1xi1> to vector<128x128xi1>
    %select_n3A_1047 = arith.select %broadcast_in_dim3A_1046, %roll3A_1042, %roll3A_1044 : vector<128x128xi1>, vector<128x128xf32>
    %roll3A_1048 = arith.constant 120 : i32
    %roll3A_1049 = tpu.dynamic_rotate %select_n3A_1034 by %roll3A_1048 dim 0 : vector<128x128xi32>, i32 -> vector<128x128xi32>
    %roll3A_1050 = arith.constant 8 : i32
    %roll3A_1051 = tpu.dynamic_rotate %select_n3A_1034 by %roll3A_1050 dim 0 : vector<128x128xi32>, i32 -> vector<128x128xi32>
    %broadcast_in_dim3A_1052 = vector.shape_cast %eq3A_1040 : vector<128x1xi1> to vector<128x1xi1>
    %broadcast_in_dim3A_1053 = vector.broadcast %broadcast_in_dim3A_1052 : vector<128x1xi1> to vector<128x128xi1>
    %select_n3A_1054 = arith.select %broadcast_in_dim3A_1053, %roll3A_1049, %roll3A_1051 : vector<128x128xi1>, vector<128x128xi32>
    %lt3A_1055 = arith.cmpf olt, %select_n3A_1033, %select_n3A_1047 : vector<128x128xf32>
    %and3A_1056 = arith.constant 32 : i32
    %and3A_1057 = vector.broadcast %and3A_1056 : i32 to vector<128x1xi32>
    %and3A_1058 = arith.andi %iota3A_997, %and3A_1057 : vector<128x1xi32>
    %eq3A_1059 = arith.constant 0 : i32
    %eq3A_1060 = vector.broadcast %eq3A_1059 : i32 to vector<128x1xi32>
    %eq3A_1061 = arith.cmpi eq, %and3A_1058, %eq3A_1060 : vector<128x1xi32>
    %eq3A_1062 = arith.xori %eq3A_1040, %eq3A_1061 : vector<128x1xi1>
    %eq3A_1063 = arith.constant dense<true> : vector<128x1xi1>
    %eq3A_1064 = arith.xori %eq3A_1062, %eq3A_1063 : vector<128x1xi1>
    %eq3A_1065 = vector.broadcast %eq3A_1064 : vector<128x1xi1> to vector<128x128xi1>
    %eq3A_1066 = vector.broadcast %eq3A_1065 : vector<128x128xi1> to vector<128x128xi1>
    %eq3A_1067 = arith.xori %lt3A_1055, %eq3A_1066 : vector<128x128xi1>
    %eq3A_1068 = arith.constant dense<true> : vector<128x128xi1>
    %eq3A_1069 = arith.xori %eq3A_1067, %eq3A_1068 : vector<128x128xi1>
    %select_n3A_1070 = arith.select %eq3A_1069, %select_n3A_1033, %select_n3A_1047 : vector<128x128xi1>, vector<128x128xf32>
    %select_n3A_1071 = arith.select %eq3A_1069, %select_n3A_1034, %select_n3A_1054 : vector<128x128xi1>, vector<128x128xi32>
    %and3A_1072 = arith.constant 4 : i32
    %and3A_1073 = vector.broadcast %and3A_1072 : i32 to vector<128x1xi32>
    %and3A_1074 = arith.andi %iota3A_997, %and3A_1073 : vector<128x1xi32>
    %eq3A_1075 = arith.constant 0 : i32
    %eq3A_1076 = vector.broadcast %eq3A_1075 : i32 to vector<128x1xi32>
    %eq3A_1077 = arith.cmpi eq, %and3A_1074, %eq3A_1076 : vector<128x1xi32>
    %roll3A_1078 = arith.constant 124 : i32
    %roll3A_1079 = tpu.dynamic_rotate %select_n3A_1070 by %roll3A_1078 dim 0 : vector<128x128xf32>, i32 -> vector<128x128xf32>
    %roll3A_1080 = arith.constant 4 : i32
    %roll3A_1081 = tpu.dynamic_rotate %select_n3A_1070 by %roll3A_1080 dim 0 : vector<128x128xf32>, i32 -> vector<128x128xf32>
    %broadcast_in_dim3A_1082 = vector.shape_cast %eq3A_1077 : vector<128x1xi1> to vector<128x1xi1>
    %broadcast_in_dim3A_1083 = vector.broadcast %broadcast_in_dim3A_1082 : vector<128x1xi1> to vector<128x128xi1>
    %select_n3A_1084 = arith.select %broadcast_in_dim3A_1083, %roll3A_1079, %roll3A_1081 : vector<128x128xi1>, vector<128x128xf32>
    %roll3A_1085 = arith.constant 124 : i32
    %roll3A_1086 = tpu.dynamic_rotate %select_n3A_1071 by %roll3A_1085 dim 0 : vector<128x128xi32>, i32 -> vector<128x128xi32>
    %roll3A_1087 = arith.constant 4 : i32
    %roll3A_1088 = tpu.dynamic_rotate %select_n3A_1071 by %roll3A_1087 dim 0 : vector<128x128xi32>, i32 -> vector<128x128xi32>
    %broadcast_in_dim3A_1089 = vector.shape_cast %eq3A_1077 : vector<128x1xi1> to vector<128x1xi1>
    %broadcast_in_dim3A_1090 = vector.broadcast %broadcast_in_dim3A_1089 : vector<128x1xi1> to vector<128x128xi1>
    %select_n3A_1091 = arith.select %broadcast_in_dim3A_1090, %roll3A_1086, %roll3A_1088 : vector<128x128xi1>, vector<128x128xi32>
    %lt3A_1092 = arith.cmpf olt, %select_n3A_1070, %select_n3A_1084 : vector<128x128xf32>
    %and3A_1093 = arith.constant 32 : i32
    %and3A_1094 = vector.broadcast %and3A_1093 : i32 to vector<128x1xi32>
    %and3A_1095 = arith.andi %iota3A_997, %and3A_1094 : vector<128x1xi32>
    %eq3A_1096 = arith.constant 0 : i32
    %eq3A_1097 = vector.broadcast %eq3A_1096 : i32 to vector<128x1xi32>
    %eq3A_1098 = arith.cmpi eq, %and3A_1095, %eq3A_1097 : vector<128x1xi32>
    %eq3A_1099 = arith.xori %eq3A_1077, %eq3A_1098 : vector<128x1xi1>
    %eq3A_1100 = arith.constant dense<true> : vector<128x1xi1>
    %eq3A_1101 = arith.xori %eq3A_1099, %eq3A_1100 : vector<128x1xi1>
    %eq3A_1102 = vector.broadcast %eq3A_1101 : vector<128x1xi1> to vector<128x128xi1>
    %eq3A_1103 = vector.broadcast %eq3A_1102 : vector<128x128xi1> to vector<128x128xi1>
    %eq3A_1104 = arith.xori %lt3A_1092, %eq3A_1103 : vector<128x128xi1>
    %eq3A_1105 = arith.constant dense<true> : vector<128x128xi1>
    %eq3A_1106 = arith.xori %eq3A_1104, %eq3A_1105 : vector<128x128xi1>
    %select_n3A_1107 = arith.select %eq3A_1106, %select_n3A_1070, %select_n3A_1084 : vector<128x128xi1>, vector<128x128xf32>
    %select_n3A_1108 = arith.select %eq3A_1106, %select_n3A_1071, %select_n3A_1091 : vector<128x128xi1>, vector<128x128xi32>
    %and3A_1109 = arith.constant 2 : i32
    %and3A_1110 = vector.broadcast %and3A_1109 : i32 to vector<128x1xi32>
    %and3A_1111 = arith.andi %iota3A_997, %and3A_1110 : vector<128x1xi32>
    %eq3A_1112 = arith.constant 0 : i32
    %eq3A_1113 = vector.broadcast %eq3A_1112 : i32 to vector<128x1xi32>
    %eq3A_1114 = arith.cmpi eq, %and3A_1111, %eq3A_1113 : vector<128x1xi32>
    %roll3A_1115 = arith.constant 126 : i32
    %roll3A_1116 = tpu.dynamic_rotate %select_n3A_1107 by %roll3A_1115 dim 0 : vector<128x128xf32>, i32 -> vector<128x128xf32>
    %roll3A_1117 = arith.constant 2 : i32
    %roll3A_1118 = tpu.dynamic_rotate %select_n3A_1107 by %roll3A_1117 dim 0 : vector<128x128xf32>, i32 -> vector<128x128xf32>
    %broadcast_in_dim3A_1119 = vector.shape_cast %eq3A_1114 : vector<128x1xi1> to vector<128x1xi1>
    %broadcast_in_dim3A_1120 = vector.broadcast %broadcast_in_dim3A_1119 : vector<128x1xi1> to vector<128x128xi1>
    %select_n3A_1121 = arith.select %broadcast_in_dim3A_1120, %roll3A_1116, %roll3A_1118 : vector<128x128xi1>, vector<128x128xf32>
    %roll3A_1122 = arith.constant 126 : i32
    %roll3A_1123 = tpu.dynamic_rotate %select_n3A_1108 by %roll3A_1122 dim 0 : vector<128x128xi32>, i32 -> vector<128x128xi32>
    %roll3A_1124 = arith.constant 2 : i32
    %roll3A_1125 = tpu.dynamic_rotate %select_n3A_1108 by %roll3A_1124 dim 0 : vector<128x128xi32>, i32 -> vector<128x128xi32>
    %broadcast_in_dim3A_1126 = vector.shape_cast %eq3A_1114 : vector<128x1xi1> to vector<128x1xi1>
    %broadcast_in_dim3A_1127 = vector.broadcast %broadcast_in_dim3A_1126 : vector<128x1xi1> to vector<128x128xi1>
    %select_n3A_1128 = arith.select %broadcast_in_dim3A_1127, %roll3A_1123, %roll3A_1125 : vector<128x128xi1>, vector<128x128xi32>
    %lt3A_1129 = arith.cmpf olt, %select_n3A_1107, %select_n3A_1121 : vector<128x128xf32>
    %and3A_1130 = arith.constant 32 : i32
    %and3A_1131 = vector.broadcast %and3A_1130 : i32 to vector<128x1xi32>
    %and3A_1132 = arith.andi %iota3A_997, %and3A_1131 : vector<128x1xi32>
    %eq3A_1133 = arith.constant 0 : i32
    %eq3A_1134 = vector.broadcast %eq3A_1133 : i32 to vector<128x1xi32>
    %eq3A_1135 = arith.cmpi eq, %and3A_1132, %eq3A_1134 : vector<128x1xi32>
    %eq3A_1136 = arith.xori %eq3A_1114, %eq3A_1135 : vector<128x1xi1>
    %eq3A_1137 = arith.constant dense<true> : vector<128x1xi1>
    %eq3A_1138 = arith.xori %eq3A_1136, %eq3A_1137 : vector<128x1xi1>
    %eq3A_1139 = vector.broadcast %eq3A_1138 : vector<128x1xi1> to vector<128x128xi1>
    %eq3A_1140 = vector.broadcast %eq3A_1139 : vector<128x128xi1> to vector<128x128xi1>
    %eq3A_1141 = arith.xori %lt3A_1129, %eq3A_1140 : vector<128x128xi1>
    %eq3A_1142 = arith.constant dense<true> : vector<128x128xi1>
    %eq3A_1143 = arith.xori %eq3A_1141, %eq3A_1142 : vector<128x128xi1>
    %select_n3A_1144 = arith.select %eq3A_1143, %select_n3A_1107, %select_n3A_1121 : vector<128x128xi1>, vector<128x128xf32>
    %select_n3A_1145 = arith.select %eq3A_1143, %select_n3A_1108, %select_n3A_1128 : vector<128x128xi1>, vector<128x128xi32>
    %and3A_1146 = arith.constant 1 : i32
    %and3A_1147 = vector.broadcast %and3A_1146 : i32 to vector<128x1xi32>
    %and3A_1148 = arith.andi %iota3A_997, %and3A_1147 : vector<128x1xi32>
    %eq3A_1149 = arith.constant 0 : i32
    %eq3A_1150 = vector.broadcast %eq3A_1149 : i32 to vector<128x1xi32>
    %eq3A_1151 = arith.cmpi eq, %and3A_1148, %eq3A_1150 : vector<128x1xi32>
    %roll3A_1152 = arith.constant 127 : i32
    %roll3A_1153 = tpu.dynamic_rotate %select_n3A_1144 by %roll3A_1152 dim 0 : vector<128x128xf32>, i32 -> vector<128x128xf32>
    %roll3A_1154 = arith.constant 1 : i32
    %roll3A_1155 = tpu.dynamic_rotate %select_n3A_1144 by %roll3A_1154 dim 0 : vector<128x128xf32>, i32 -> vector<128x128xf32>
    %broadcast_in_dim3A_1156 = vector.shape_cast %eq3A_1151 : vector<128x1xi1> to vector<128x1xi1>
    %broadcast_in_dim3A_1157 = vector.broadcast %broadcast_in_dim3A_1156 : vector<128x1xi1> to vector<128x128xi1>
    %select_n3A_1158 = arith.select %broadcast_in_dim3A_1157, %roll3A_1153, %roll3A_1155 : vector<128x128xi1>, vector<128x128xf32>
    %roll3A_1159 = arith.constant 127 : i32
    %roll3A_1160 = tpu.dynamic_rotate %select_n3A_1145 by %roll3A_1159 dim 0 : vector<128x128xi32>, i32 -> vector<128x128xi32>
    %roll3A_1161 = arith.constant 1 : i32
    %roll3A_1162 = tpu.dynamic_rotate %select_n3A_1145 by %roll3A_1161 dim 0 : vector<128x128xi32>, i32 -> vector<128x128xi32>
    %broadcast_in_dim3A_1163 = vector.shape_cast %eq3A_1151 : vector<128x1xi1> to vector<128x1xi1>
    %broadcast_in_dim3A_1164 = vector.broadcast %broadcast_in_dim3A_1163 : vector<128x1xi1> to vector<128x128xi1>
    %select_n3A_1165 = arith.select %broadcast_in_dim3A_1164, %roll3A_1160, %roll3A_1162 : vector<128x128xi1>, vector<128x128xi32>
    %lt3A_1166 = arith.cmpf olt, %select_n3A_1144, %select_n3A_1158 : vector<128x128xf32>
    %and3A_1167 = arith.constant 32 : i32
    %and3A_1168 = vector.broadcast %and3A_1167 : i32 to vector<128x1xi32>
    %and3A_1169 = arith.andi %iota3A_997, %and3A_1168 : vector<128x1xi32>
    %eq3A_1170 = arith.constant 0 : i32
    %eq3A_1171 = vector.broadcast %eq3A_1170 : i32 to vector<128x1xi32>
    %eq3A_1172 = arith.cmpi eq, %and3A_1169, %eq3A_1171 : vector<128x1xi32>
    %eq3A_1173 = arith.xori %eq3A_1151, %eq3A_1172 : vector<128x1xi1>
    %eq3A_1174 = arith.constant dense<true> : vector<128x1xi1>
    %eq3A_1175 = arith.xori %eq3A_1173, %eq3A_1174 : vector<128x1xi1>
    %eq3A_1176 = vector.broadcast %eq3A_1175 : vector<128x1xi1> to vector<128x128xi1>
    %eq3A_1177 = vector.broadcast %eq3A_1176 : vector<128x128xi1> to vector<128x128xi1>
    %eq3A_1178 = arith.xori %lt3A_1166, %eq3A_1177 : vector<128x128xi1>
    %eq3A_1179 = arith.constant dense<true> : vector<128x128xi1>
    %eq3A_1180 = arith.xori %eq3A_1178, %eq3A_1179 : vector<128x128xi1>
    %select_n3A_1181 = arith.select %eq3A_1180, %select_n3A_1144, %select_n3A_1158 : vector<128x128xi1>, vector<128x128xf32>
    %select_n3A_1182 = arith.select %eq3A_1180, %select_n3A_1145, %select_n3A_1165 : vector<128x128xi1>, vector<128x128xi32>
    %roll3A_1183 = arith.constant 96 : i32
    %roll3A_1184 = tpu.dynamic_rotate %select_n3A_1181 by %roll3A_1183 dim 0 : vector<128x128xf32>, i32 -> vector<128x128xf32>
    %roll3A_1185 = arith.constant 96 : i32
    %roll3A_1186 = tpu.dynamic_rotate %select_n3A_1182 by %roll3A_1185 dim 0 : vector<128x128xi32>, i32 -> vector<128x128xi32>
    %lt3A_1187 = arith.cmpf olt, %select_n3A_1181, %roll3A_1184 : vector<128x128xf32>
    %eq3A_1188 = arith.cmpf oeq, %select_n3A_1181, %roll3A_1184 : vector<128x128xf32>
    %lt3A_1189 = arith.cmpi slt, %select_n3A_1182, %roll3A_1186 : vector<128x128xi32>
    %and3A_1190 = arith.andi %eq3A_1188, %lt3A_1189 : vector<128x128xi1>
    %or3A_1191 = arith.ori %lt3A_1187, %and3A_1190 : vector<128x128xi1>
    %select_n3A_1192 = arith.select %or3A_1191, %select_n3A_1181, %roll3A_1184 : vector<128x128xi1>, vector<128x128xf32>
    %reshape3A_1193 = vector.shape_cast %select_n3A_1192 : vector<128x128xf32> to vector<2x2x32x128xf32>
    %select_n3A_1194 = arith.select %or3A_1191, %select_n3A_1182, %roll3A_1186 : vector<128x128xi1>, vector<128x128xi32>
    %reshape3A_1195 = vector.shape_cast %select_n3A_1194 : vector<128x128xi32> to vector<2x2x32x128xi32>
    %slice3A_1196 = vector.extract_strided_slice %reshape3A_1193 {offsets = [0, 0, 0, 0], sizes = [2, 1, 32, 128], strides = [1, 1, 1, 1]} : vector<2x2x32x128xf32> to vector<2x1x32x128xf32>
    %squeeze3A_1197 = vector.shape_cast %slice3A_1196 : vector<2x1x32x128xf32> to vector<2x32x128xf32>
    %reshape3A_1198 = vector.shape_cast %squeeze3A_1197 : vector<2x32x128xf32> to vector<64x128xf32>
    %slice3A_1199 = vector.extract_strided_slice %reshape3A_1195 {offsets = [0, 0, 0, 0], sizes = [2, 1, 32, 128], strides = [1, 1, 1, 1]} : vector<2x2x32x128xi32> to vector<2x1x32x128xi32>
    %squeeze3A_1200 = vector.shape_cast %slice3A_1199 : vector<2x1x32x128xi32> to vector<2x32x128xi32>
    %reshape3A_1201 = vector.shape_cast %squeeze3A_1200 : vector<2x32x128xi32> to vector<64x128xi32>
    %iota3A_1202 = tpu.iota {dimensions = array<i32: 0>} : vector<64x1xi32>
    %and3A_1203 = arith.constant 16 : i32
    %and3A_1204 = vector.broadcast %and3A_1203 : i32 to vector<64x1xi32>
    %and3A_1205 = arith.andi %iota3A_1202, %and3A_1204 : vector<64x1xi32>
    %eq3A_1206 = arith.constant 0 : i32
    %eq3A_1207 = vector.broadcast %eq3A_1206 : i32 to vector<64x1xi32>
    %eq3A_1208 = arith.cmpi eq, %and3A_1205, %eq3A_1207 : vector<64x1xi32>
    %roll3A_1209 = arith.constant 48 : i32
    %roll3A_1210 = tpu.dynamic_rotate %reshape3A_1198 by %roll3A_1209 dim 0 : vector<64x128xf32>, i32 -> vector<64x128xf32>
    %roll3A_1211 = arith.constant 16 : i32
    %roll3A_1212 = tpu.dynamic_rotate %reshape3A_1198 by %roll3A_1211 dim 0 : vector<64x128xf32>, i32 -> vector<64x128xf32>
    %broadcast_in_dim3A_1213 = vector.shape_cast %eq3A_1208 : vector<64x1xi1> to vector<64x1xi1>
    %broadcast_in_dim3A_1214 = vector.broadcast %broadcast_in_dim3A_1213 : vector<64x1xi1> to vector<64x128xi1>
    %select_n3A_1215 = arith.select %broadcast_in_dim3A_1214, %roll3A_1210, %roll3A_1212 : vector<64x128xi1>, vector<64x128xf32>
    %roll3A_1216 = arith.constant 48 : i32
    %roll3A_1217 = tpu.dynamic_rotate %reshape3A_1201 by %roll3A_1216 dim 0 : vector<64x128xi32>, i32 -> vector<64x128xi32>
    %roll3A_1218 = arith.constant 16 : i32
    %roll3A_1219 = tpu.dynamic_rotate %reshape3A_1201 by %roll3A_1218 dim 0 : vector<64x128xi32>, i32 -> vector<64x128xi32>
    %broadcast_in_dim3A_1220 = vector.shape_cast %eq3A_1208 : vector<64x1xi1> to vector<64x1xi1>
    %broadcast_in_dim3A_1221 = vector.broadcast %broadcast_in_dim3A_1220 : vector<64x1xi1> to vector<64x128xi1>
    %select_n3A_1222 = arith.select %broadcast_in_dim3A_1221, %roll3A_1217, %roll3A_1219 : vector<64x128xi1>, vector<64x128xi32>
    %lt3A_1223 = arith.cmpf olt, %reshape3A_1198, %select_n3A_1215 : vector<64x128xf32>
    %and3A_1224 = arith.constant 32 : i32
    %and3A_1225 = vector.broadcast %and3A_1224 : i32 to vector<64x1xi32>
    %and3A_1226 = arith.andi %iota3A_1202, %and3A_1225 : vector<64x1xi32>
    %eq3A_1227 = arith.constant 0 : i32
    %eq3A_1228 = vector.broadcast %eq3A_1227 : i32 to vector<64x1xi32>
    %eq3A_1229 = arith.cmpi eq, %and3A_1226, %eq3A_1228 : vector<64x1xi32>
    %eq3A_1230 = arith.xori %eq3A_1208, %eq3A_1229 : vector<64x1xi1>
    %eq3A_1231 = arith.constant dense<true> : vector<64x1xi1>
    %eq3A_1232 = arith.xori %eq3A_1230, %eq3A_1231 : vector<64x1xi1>
    %eq3A_1233 = vector.broadcast %eq3A_1232 : vector<64x1xi1> to vector<64x128xi1>
    %eq3A_1234 = vector.broadcast %eq3A_1233 : vector<64x128xi1> to vector<64x128xi1>
    %eq3A_1235 = arith.xori %lt3A_1223, %eq3A_1234 : vector<64x128xi1>
    %eq3A_1236 = arith.constant dense<true> : vector<64x128xi1>
    %eq3A_1237 = arith.xori %eq3A_1235, %eq3A_1236 : vector<64x128xi1>
    %select_n3A_1238 = arith.select %eq3A_1237, %reshape3A_1198, %select_n3A_1215 : vector<64x128xi1>, vector<64x128xf32>
    %select_n3A_1239 = arith.select %eq3A_1237, %reshape3A_1201, %select_n3A_1222 : vector<64x128xi1>, vector<64x128xi32>
    %and3A_1240 = arith.constant 8 : i32
    %and3A_1241 = vector.broadcast %and3A_1240 : i32 to vector<64x1xi32>
    %and3A_1242 = arith.andi %iota3A_1202, %and3A_1241 : vector<64x1xi32>
    %eq3A_1243 = arith.constant 0 : i32
    %eq3A_1244 = vector.broadcast %eq3A_1243 : i32 to vector<64x1xi32>
    %eq3A_1245 = arith.cmpi eq, %and3A_1242, %eq3A_1244 : vector<64x1xi32>
    %roll3A_1246 = arith.constant 56 : i32
    %roll3A_1247 = tpu.dynamic_rotate %select_n3A_1238 by %roll3A_1246 dim 0 : vector<64x128xf32>, i32 -> vector<64x128xf32>
    %roll3A_1248 = arith.constant 8 : i32
    %roll3A_1249 = tpu.dynamic_rotate %select_n3A_1238 by %roll3A_1248 dim 0 : vector<64x128xf32>, i32 -> vector<64x128xf32>
    %broadcast_in_dim3A_1250 = vector.shape_cast %eq3A_1245 : vector<64x1xi1> to vector<64x1xi1>
    %broadcast_in_dim3A_1251 = vector.broadcast %broadcast_in_dim3A_1250 : vector<64x1xi1> to vector<64x128xi1>
    %select_n3A_1252 = arith.select %broadcast_in_dim3A_1251, %roll3A_1247, %roll3A_1249 : vector<64x128xi1>, vector<64x128xf32>
    %roll3A_1253 = arith.constant 56 : i32
    %roll3A_1254 = tpu.dynamic_rotate %select_n3A_1239 by %roll3A_1253 dim 0 : vector<64x128xi32>, i32 -> vector<64x128xi32>
    %roll3A_1255 = arith.constant 8 : i32
    %roll3A_1256 = tpu.dynamic_rotate %select_n3A_1239 by %roll3A_1255 dim 0 : vector<64x128xi32>, i32 -> vector<64x128xi32>
    %broadcast_in_dim3A_1257 = vector.shape_cast %eq3A_1245 : vector<64x1xi1> to vector<64x1xi1>
    %broadcast_in_dim3A_1258 = vector.broadcast %broadcast_in_dim3A_1257 : vector<64x1xi1> to vector<64x128xi1>
    %select_n3A_1259 = arith.select %broadcast_in_dim3A_1258, %roll3A_1254, %roll3A_1256 : vector<64x128xi1>, vector<64x128xi32>
    %lt3A_1260 = arith.cmpf olt, %select_n3A_1238, %select_n3A_1252 : vector<64x128xf32>
    %and3A_1261 = arith.constant 32 : i32
    %and3A_1262 = vector.broadcast %and3A_1261 : i32 to vector<64x1xi32>
    %and3A_1263 = arith.andi %iota3A_1202, %and3A_1262 : vector<64x1xi32>
    %eq3A_1264 = arith.constant 0 : i32
    %eq3A_1265 = vector.broadcast %eq3A_1264 : i32 to vector<64x1xi32>
    %eq3A_1266 = arith.cmpi eq, %and3A_1263, %eq3A_1265 : vector<64x1xi32>
    %eq3A_1267 = arith.xori %eq3A_1245, %eq3A_1266 : vector<64x1xi1>
    %eq3A_1268 = arith.constant dense<true> : vector<64x1xi1>
    %eq3A_1269 = arith.xori %eq3A_1267, %eq3A_1268 : vector<64x1xi1>
    %eq3A_1270 = vector.broadcast %eq3A_1269 : vector<64x1xi1> to vector<64x128xi1>
    %eq3A_1271 = vector.broadcast %eq3A_1270 : vector<64x128xi1> to vector<64x128xi1>
    %eq3A_1272 = arith.xori %lt3A_1260, %eq3A_1271 : vector<64x128xi1>
    %eq3A_1273 = arith.constant dense<true> : vector<64x128xi1>
    %eq3A_1274 = arith.xori %eq3A_1272, %eq3A_1273 : vector<64x128xi1>
    %select_n3A_1275 = arith.select %eq3A_1274, %select_n3A_1238, %select_n3A_1252 : vector<64x128xi1>, vector<64x128xf32>
    %select_n3A_1276 = arith.select %eq3A_1274, %select_n3A_1239, %select_n3A_1259 : vector<64x128xi1>, vector<64x128xi32>
    %and3A_1277 = arith.constant 4 : i32
    %and3A_1278 = vector.broadcast %and3A_1277 : i32 to vector<64x1xi32>
    %and3A_1279 = arith.andi %iota3A_1202, %and3A_1278 : vector<64x1xi32>
    %eq3A_1280 = arith.constant 0 : i32
    %eq3A_1281 = vector.broadcast %eq3A_1280 : i32 to vector<64x1xi32>
    %eq3A_1282 = arith.cmpi eq, %and3A_1279, %eq3A_1281 : vector<64x1xi32>
    %roll3A_1283 = arith.constant 60 : i32
    %roll3A_1284 = tpu.dynamic_rotate %select_n3A_1275 by %roll3A_1283 dim 0 : vector<64x128xf32>, i32 -> vector<64x128xf32>
    %roll3A_1285 = arith.constant 4 : i32
    %roll3A_1286 = tpu.dynamic_rotate %select_n3A_1275 by %roll3A_1285 dim 0 : vector<64x128xf32>, i32 -> vector<64x128xf32>
    %broadcast_in_dim3A_1287 = vector.shape_cast %eq3A_1282 : vector<64x1xi1> to vector<64x1xi1>
    %broadcast_in_dim3A_1288 = vector.broadcast %broadcast_in_dim3A_1287 : vector<64x1xi1> to vector<64x128xi1>
    %select_n3A_1289 = arith.select %broadcast_in_dim3A_1288, %roll3A_1284, %roll3A_1286 : vector<64x128xi1>, vector<64x128xf32>
    %roll3A_1290 = arith.constant 60 : i32
    %roll3A_1291 = tpu.dynamic_rotate %select_n3A_1276 by %roll3A_1290 dim 0 : vector<64x128xi32>, i32 -> vector<64x128xi32>
    %roll3A_1292 = arith.constant 4 : i32
    %roll3A_1293 = tpu.dynamic_rotate %select_n3A_1276 by %roll3A_1292 dim 0 : vector<64x128xi32>, i32 -> vector<64x128xi32>
    %broadcast_in_dim3A_1294 = vector.shape_cast %eq3A_1282 : vector<64x1xi1> to vector<64x1xi1>
    %broadcast_in_dim3A_1295 = vector.broadcast %broadcast_in_dim3A_1294 : vector<64x1xi1> to vector<64x128xi1>
    %select_n3A_1296 = arith.select %broadcast_in_dim3A_1295, %roll3A_1291, %roll3A_1293 : vector<64x128xi1>, vector<64x128xi32>
    %lt3A_1297 = arith.cmpf olt, %select_n3A_1275, %select_n3A_1289 : vector<64x128xf32>
    %and3A_1298 = arith.constant 32 : i32
    %and3A_1299 = vector.broadcast %and3A_1298 : i32 to vector<64x1xi32>
    %and3A_1300 = arith.andi %iota3A_1202, %and3A_1299 : vector<64x1xi32>
    %eq3A_1301 = arith.constant 0 : i32
    %eq3A_1302 = vector.broadcast %eq3A_1301 : i32 to vector<64x1xi32>
    %eq3A_1303 = arith.cmpi eq, %and3A_1300, %eq3A_1302 : vector<64x1xi32>
    %eq3A_1304 = arith.xori %eq3A_1282, %eq3A_1303 : vector<64x1xi1>
    %eq3A_1305 = arith.constant dense<true> : vector<64x1xi1>
    %eq3A_1306 = arith.xori %eq3A_1304, %eq3A_1305 : vector<64x1xi1>
    %eq3A_1307 = vector.broadcast %eq3A_1306 : vector<64x1xi1> to vector<64x128xi1>
    %eq3A_1308 = vector.broadcast %eq3A_1307 : vector<64x128xi1> to vector<64x128xi1>
    %eq3A_1309 = arith.xori %lt3A_1297, %eq3A_1308 : vector<64x128xi1>
    %eq3A_1310 = arith.constant dense<true> : vector<64x128xi1>
    %eq3A_1311 = arith.xori %eq3A_1309, %eq3A_1310 : vector<64x128xi1>
    %select_n3A_1312 = arith.select %eq3A_1311, %select_n3A_1275, %select_n3A_1289 : vector<64x128xi1>, vector<64x128xf32>
    %select_n3A_1313 = arith.select %eq3A_1311, %select_n3A_1276, %select_n3A_1296 : vector<64x128xi1>, vector<64x128xi32>
    %and3A_1314 = arith.constant 2 : i32
    %and3A_1315 = vector.broadcast %and3A_1314 : i32 to vector<64x1xi32>
    %and3A_1316 = arith.andi %iota3A_1202, %and3A_1315 : vector<64x1xi32>
    %eq3A_1317 = arith.constant 0 : i32
    %eq3A_1318 = vector.broadcast %eq3A_1317 : i32 to vector<64x1xi32>
    %eq3A_1319 = arith.cmpi eq, %and3A_1316, %eq3A_1318 : vector<64x1xi32>
    %roll3A_1320 = arith.constant 62 : i32
    %roll3A_1321 = tpu.dynamic_rotate %select_n3A_1312 by %roll3A_1320 dim 0 : vector<64x128xf32>, i32 -> vector<64x128xf32>
    %roll3A_1322 = arith.constant 2 : i32
    %roll3A_1323 = tpu.dynamic_rotate %select_n3A_1312 by %roll3A_1322 dim 0 : vector<64x128xf32>, i32 -> vector<64x128xf32>
    %broadcast_in_dim3A_1324 = vector.shape_cast %eq3A_1319 : vector<64x1xi1> to vector<64x1xi1>
    %broadcast_in_dim3A_1325 = vector.broadcast %broadcast_in_dim3A_1324 : vector<64x1xi1> to vector<64x128xi1>
    %select_n3A_1326 = arith.select %broadcast_in_dim3A_1325, %roll3A_1321, %roll3A_1323 : vector<64x128xi1>, vector<64x128xf32>
    %roll3A_1327 = arith.constant 62 : i32
    %roll3A_1328 = tpu.dynamic_rotate %select_n3A_1313 by %roll3A_1327 dim 0 : vector<64x128xi32>, i32 -> vector<64x128xi32>
    %roll3A_1329 = arith.constant 2 : i32
    %roll3A_1330 = tpu.dynamic_rotate %select_n3A_1313 by %roll3A_1329 dim 0 : vector<64x128xi32>, i32 -> vector<64x128xi32>
    %broadcast_in_dim3A_1331 = vector.shape_cast %eq3A_1319 : vector<64x1xi1> to vector<64x1xi1>
    %broadcast_in_dim3A_1332 = vector.broadcast %broadcast_in_dim3A_1331 : vector<64x1xi1> to vector<64x128xi1>
    %select_n3A_1333 = arith.select %broadcast_in_dim3A_1332, %roll3A_1328, %roll3A_1330 : vector<64x128xi1>, vector<64x128xi32>
    %lt3A_1334 = arith.cmpf olt, %select_n3A_1312, %select_n3A_1326 : vector<64x128xf32>
    %and3A_1335 = arith.constant 32 : i32
    %and3A_1336 = vector.broadcast %and3A_1335 : i32 to vector<64x1xi32>
    %and3A_1337 = arith.andi %iota3A_1202, %and3A_1336 : vector<64x1xi32>
    %eq3A_1338 = arith.constant 0 : i32
    %eq3A_1339 = vector.broadcast %eq3A_1338 : i32 to vector<64x1xi32>
    %eq3A_1340 = arith.cmpi eq, %and3A_1337, %eq3A_1339 : vector<64x1xi32>
    %eq3A_1341 = arith.xori %eq3A_1319, %eq3A_1340 : vector<64x1xi1>
    %eq3A_1342 = arith.constant dense<true> : vector<64x1xi1>
    %eq3A_1343 = arith.xori %eq3A_1341, %eq3A_1342 : vector<64x1xi1>
    %eq3A_1344 = vector.broadcast %eq3A_1343 : vector<64x1xi1> to vector<64x128xi1>
    %eq3A_1345 = vector.broadcast %eq3A_1344 : vector<64x128xi1> to vector<64x128xi1>
    %eq3A_1346 = arith.xori %lt3A_1334, %eq3A_1345 : vector<64x128xi1>
    %eq3A_1347 = arith.constant dense<true> : vector<64x128xi1>
    %eq3A_1348 = arith.xori %eq3A_1346, %eq3A_1347 : vector<64x128xi1>
    %select_n3A_1349 = arith.select %eq3A_1348, %select_n3A_1312, %select_n3A_1326 : vector<64x128xi1>, vector<64x128xf32>
    %select_n3A_1350 = arith.select %eq3A_1348, %select_n3A_1313, %select_n3A_1333 : vector<64x128xi1>, vector<64x128xi32>
    %and3A_1351 = arith.constant 1 : i32
    %and3A_1352 = vector.broadcast %and3A_1351 : i32 to vector<64x1xi32>
    %and3A_1353 = arith.andi %iota3A_1202, %and3A_1352 : vector<64x1xi32>
    %eq3A_1354 = arith.constant 0 : i32
    %eq3A_1355 = vector.broadcast %eq3A_1354 : i32 to vector<64x1xi32>
    %eq3A_1356 = arith.cmpi eq, %and3A_1353, %eq3A_1355 : vector<64x1xi32>
    %roll3A_1357 = arith.constant 63 : i32
    %roll3A_1358 = tpu.dynamic_rotate %select_n3A_1349 by %roll3A_1357 dim 0 : vector<64x128xf32>, i32 -> vector<64x128xf32>
    %roll3A_1359 = arith.constant 1 : i32
    %roll3A_1360 = tpu.dynamic_rotate %select_n3A_1349 by %roll3A_1359 dim 0 : vector<64x128xf32>, i32 -> vector<64x128xf32>
    %broadcast_in_dim3A_1361 = vector.shape_cast %eq3A_1356 : vector<64x1xi1> to vector<64x1xi1>
    %broadcast_in_dim3A_1362 = vector.broadcast %broadcast_in_dim3A_1361 : vector<64x1xi1> to vector<64x128xi1>
    %select_n3A_1363 = arith.select %broadcast_in_dim3A_1362, %roll3A_1358, %roll3A_1360 : vector<64x128xi1>, vector<64x128xf32>
    %roll3A_1364 = arith.constant 63 : i32
    %roll3A_1365 = tpu.dynamic_rotate %select_n3A_1350 by %roll3A_1364 dim 0 : vector<64x128xi32>, i32 -> vector<64x128xi32>
    %roll3A_1366 = arith.constant 1 : i32
    %roll3A_1367 = tpu.dynamic_rotate %select_n3A_1350 by %roll3A_1366 dim 0 : vector<64x128xi32>, i32 -> vector<64x128xi32>
    %broadcast_in_dim3A_1368 = vector.shape_cast %eq3A_1356 : vector<64x1xi1> to vector<64x1xi1>
    %broadcast_in_dim3A_1369 = vector.broadcast %broadcast_in_dim3A_1368 : vector<64x1xi1> to vector<64x128xi1>
    %select_n3A_1370 = arith.select %broadcast_in_dim3A_1369, %roll3A_1365, %roll3A_1367 : vector<64x128xi1>, vector<64x128xi32>
    %lt3A_1371 = arith.cmpf olt, %select_n3A_1349, %select_n3A_1363 : vector<64x128xf32>
    %and3A_1372 = arith.constant 32 : i32
    %and3A_1373 = vector.broadcast %and3A_1372 : i32 to vector<64x1xi32>
    %and3A_1374 = arith.andi %iota3A_1202, %and3A_1373 : vector<64x1xi32>
    %eq3A_1375 = arith.constant 0 : i32
    %eq3A_1376 = vector.broadcast %eq3A_1375 : i32 to vector<64x1xi32>
    %eq3A_1377 = arith.cmpi eq, %and3A_1374, %eq3A_1376 : vector<64x1xi32>
    %eq3A_1378 = arith.xori %eq3A_1356, %eq3A_1377 : vector<64x1xi1>
    %eq3A_1379 = arith.constant dense<true> : vector<64x1xi1>
    %eq3A_1380 = arith.xori %eq3A_1378, %eq3A_1379 : vector<64x1xi1>
    %eq3A_1381 = vector.broadcast %eq3A_1380 : vector<64x1xi1> to vector<64x128xi1>
    %eq3A_1382 = vector.broadcast %eq3A_1381 : vector<64x128xi1> to vector<64x128xi1>
    %eq3A_1383 = arith.xori %lt3A_1371, %eq3A_1382 : vector<64x128xi1>
    %eq3A_1384 = arith.constant dense<true> : vector<64x128xi1>
    %eq3A_1385 = arith.xori %eq3A_1383, %eq3A_1384 : vector<64x128xi1>
    %select_n3A_1386 = arith.select %eq3A_1385, %select_n3A_1349, %select_n3A_1363 : vector<64x128xi1>, vector<64x128xf32>
    %select_n3A_1387 = arith.select %eq3A_1385, %select_n3A_1350, %select_n3A_1370 : vector<64x128xi1>, vector<64x128xi32>
    %roll3A_1388 = arith.constant 32 : i32
    %roll3A_1389 = tpu.dynamic_rotate %select_n3A_1386 by %roll3A_1388 dim 0 : vector<64x128xf32>, i32 -> vector<64x128xf32>
    %roll3A_1390 = arith.constant 32 : i32
    %roll3A_1391 = tpu.dynamic_rotate %select_n3A_1387 by %roll3A_1390 dim 0 : vector<64x128xi32>, i32 -> vector<64x128xi32>
    %lt3A_1392 = arith.cmpf olt, %select_n3A_1386, %roll3A_1389 : vector<64x128xf32>
    %eq3A_1393 = arith.cmpf oeq, %select_n3A_1386, %roll3A_1389 : vector<64x128xf32>
    %lt3A_1394 = arith.cmpi slt, %select_n3A_1387, %roll3A_1391 : vector<64x128xi32>
    %and3A_1395 = arith.andi %eq3A_1393, %lt3A_1394 : vector<64x128xi1>
    %or3A_1396 = arith.ori %lt3A_1392, %and3A_1395 : vector<64x128xi1>
    %select_n3A_1397 = arith.select %or3A_1396, %select_n3A_1386, %roll3A_1389 : vector<64x128xi1>, vector<64x128xf32>
    %reshape3A_1398 = vector.shape_cast %select_n3A_1397 : vector<64x128xf32> to vector<1x2x32x128xf32>
    %select_n3A_1399 = arith.select %or3A_1396, %select_n3A_1387, %roll3A_1391 : vector<64x128xi1>, vector<64x128xi32>
    %reshape3A_1400 = vector.shape_cast %select_n3A_1399 : vector<64x128xi32> to vector<1x2x32x128xi32>
    %slice3A_1401 = vector.extract_strided_slice %reshape3A_1398 {offsets = [0, 0, 0, 0], sizes = [1, 1, 32, 128], strides = [1, 1, 1, 1]} : vector<1x2x32x128xf32> to vector<1x1x32x128xf32>
    %squeeze3A_1402 = vector.shape_cast %slice3A_1401 : vector<1x1x32x128xf32> to vector<1x32x128xf32>
    %reshape3A_1403 = vector.shape_cast %squeeze3A_1402 : vector<1x32x128xf32> to vector<32x128xf32>
    %slice3A_1404 = vector.extract_strided_slice %reshape3A_1400 {offsets = [0, 0, 0, 0], sizes = [1, 1, 32, 128], strides = [1, 1, 1, 1]} : vector<1x2x32x128xi32> to vector<1x1x32x128xi32>
    %squeeze3A_1405 = vector.shape_cast %slice3A_1404 : vector<1x1x32x128xi32> to vector<1x32x128xi32>
    %reshape3A_1406 = vector.shape_cast %squeeze3A_1405 : vector<1x32x128xi32> to vector<32x128xi32>
    %iota3A_1407 = tpu.iota {dimensions = array<i32: 0>} : vector<32x1xi32>
    %and3A_1408 = arith.constant 16 : i32
    %and3A_1409 = vector.broadcast %and3A_1408 : i32 to vector<32x1xi32>
    %and3A_1410 = arith.andi %iota3A_1407, %and3A_1409 : vector<32x1xi32>
    %eq3A_1411 = arith.constant 0 : i32
    %eq3A_1412 = vector.broadcast %eq3A_1411 : i32 to vector<32x1xi32>
    %eq3A_1413 = arith.cmpi eq, %and3A_1410, %eq3A_1412 : vector<32x1xi32>
    %roll3A_1414 = arith.constant 16 : i32
    %roll3A_1415 = tpu.dynamic_rotate %reshape3A_1403 by %roll3A_1414 dim 0 : vector<32x128xf32>, i32 -> vector<32x128xf32>
    %roll3A_1416 = arith.constant 16 : i32
    %roll3A_1417 = tpu.dynamic_rotate %reshape3A_1403 by %roll3A_1416 dim 0 : vector<32x128xf32>, i32 -> vector<32x128xf32>
    %broadcast_in_dim3A_1418 = vector.shape_cast %eq3A_1413 : vector<32x1xi1> to vector<32x1xi1>
    %broadcast_in_dim3A_1419 = vector.broadcast %broadcast_in_dim3A_1418 : vector<32x1xi1> to vector<32x128xi1>
    %select_n3A_1420 = arith.select %broadcast_in_dim3A_1419, %roll3A_1415, %roll3A_1417 : vector<32x128xi1>, vector<32x128xf32>
    %roll3A_1421 = arith.constant 16 : i32
    %roll3A_1422 = tpu.dynamic_rotate %reshape3A_1406 by %roll3A_1421 dim 0 : vector<32x128xi32>, i32 -> vector<32x128xi32>
    %roll3A_1423 = arith.constant 16 : i32
    %roll3A_1424 = tpu.dynamic_rotate %reshape3A_1406 by %roll3A_1423 dim 0 : vector<32x128xi32>, i32 -> vector<32x128xi32>
    %broadcast_in_dim3A_1425 = vector.shape_cast %eq3A_1413 : vector<32x1xi1> to vector<32x1xi1>
    %broadcast_in_dim3A_1426 = vector.broadcast %broadcast_in_dim3A_1425 : vector<32x1xi1> to vector<32x128xi1>
    %select_n3A_1427 = arith.select %broadcast_in_dim3A_1426, %roll3A_1422, %roll3A_1424 : vector<32x128xi1>, vector<32x128xi32>
    %lt3A_1428 = arith.cmpf olt, %reshape3A_1403, %select_n3A_1420 : vector<32x128xf32>
    %and3A_1429 = arith.constant 32 : i32
    %and3A_1430 = vector.broadcast %and3A_1429 : i32 to vector<32x1xi32>
    %and3A_1431 = arith.andi %iota3A_1407, %and3A_1430 : vector<32x1xi32>
    %eq3A_1432 = arith.constant 0 : i32
    %eq3A_1433 = vector.broadcast %eq3A_1432 : i32 to vector<32x1xi32>
    %eq3A_1434 = arith.cmpi eq, %and3A_1431, %eq3A_1433 : vector<32x1xi32>
    %eq3A_1435 = arith.xori %eq3A_1413, %eq3A_1434 : vector<32x1xi1>
    %eq3A_1436 = arith.constant dense<true> : vector<32x1xi1>
    %eq3A_1437 = arith.xori %eq3A_1435, %eq3A_1436 : vector<32x1xi1>
    %eq3A_1438 = vector.broadcast %eq3A_1437 : vector<32x1xi1> to vector<32x128xi1>
    %eq3A_1439 = vector.broadcast %eq3A_1438 : vector<32x128xi1> to vector<32x128xi1>
    %eq3A_1440 = arith.xori %lt3A_1428, %eq3A_1439 : vector<32x128xi1>
    %eq3A_1441 = arith.constant dense<true> : vector<32x128xi1>
    %eq3A_1442 = arith.xori %eq3A_1440, %eq3A_1441 : vector<32x128xi1>
    %select_n3A_1443 = arith.select %eq3A_1442, %reshape3A_1403, %select_n3A_1420 : vector<32x128xi1>, vector<32x128xf32>
    %select_n3A_1444 = arith.select %eq3A_1442, %reshape3A_1406, %select_n3A_1427 : vector<32x128xi1>, vector<32x128xi32>
    %and3A_1445 = arith.constant 8 : i32
    %and3A_1446 = vector.broadcast %and3A_1445 : i32 to vector<32x1xi32>
    %and3A_1447 = arith.andi %iota3A_1407, %and3A_1446 : vector<32x1xi32>
    %eq3A_1448 = arith.constant 0 : i32
    %eq3A_1449 = vector.broadcast %eq3A_1448 : i32 to vector<32x1xi32>
    %eq3A_1450 = arith.cmpi eq, %and3A_1447, %eq3A_1449 : vector<32x1xi32>
    %roll3A_1451 = arith.constant 24 : i32
    %roll3A_1452 = tpu.dynamic_rotate %select_n3A_1443 by %roll3A_1451 dim 0 : vector<32x128xf32>, i32 -> vector<32x128xf32>
    %roll3A_1453 = arith.constant 8 : i32
    %roll3A_1454 = tpu.dynamic_rotate %select_n3A_1443 by %roll3A_1453 dim 0 : vector<32x128xf32>, i32 -> vector<32x128xf32>
    %broadcast_in_dim3A_1455 = vector.shape_cast %eq3A_1450 : vector<32x1xi1> to vector<32x1xi1>
    %broadcast_in_dim3A_1456 = vector.broadcast %broadcast_in_dim3A_1455 : vector<32x1xi1> to vector<32x128xi1>
    %select_n3A_1457 = arith.select %broadcast_in_dim3A_1456, %roll3A_1452, %roll3A_1454 : vector<32x128xi1>, vector<32x128xf32>
    %roll3A_1458 = arith.constant 24 : i32
    %roll3A_1459 = tpu.dynamic_rotate %select_n3A_1444 by %roll3A_1458 dim 0 : vector<32x128xi32>, i32 -> vector<32x128xi32>
    %roll3A_1460 = arith.constant 8 : i32
    %roll3A_1461 = tpu.dynamic_rotate %select_n3A_1444 by %roll3A_1460 dim 0 : vector<32x128xi32>, i32 -> vector<32x128xi32>
    %broadcast_in_dim3A_1462 = vector.shape_cast %eq3A_1450 : vector<32x1xi1> to vector<32x1xi1>
    %broadcast_in_dim3A_1463 = vector.broadcast %broadcast_in_dim3A_1462 : vector<32x1xi1> to vector<32x128xi1>
    %select_n3A_1464 = arith.select %broadcast_in_dim3A_1463, %roll3A_1459, %roll3A_1461 : vector<32x128xi1>, vector<32x128xi32>
    %lt3A_1465 = arith.cmpf olt, %select_n3A_1443, %select_n3A_1457 : vector<32x128xf32>
    %and3A_1466 = arith.constant 32 : i32
    %and3A_1467 = vector.broadcast %and3A_1466 : i32 to vector<32x1xi32>
    %and3A_1468 = arith.andi %iota3A_1407, %and3A_1467 : vector<32x1xi32>
    %eq3A_1469 = arith.constant 0 : i32
    %eq3A_1470 = vector.broadcast %eq3A_1469 : i32 to vector<32x1xi32>
    %eq3A_1471 = arith.cmpi eq, %and3A_1468, %eq3A_1470 : vector<32x1xi32>
    %eq3A_1472 = arith.xori %eq3A_1450, %eq3A_1471 : vector<32x1xi1>
    %eq3A_1473 = arith.constant dense<true> : vector<32x1xi1>
    %eq3A_1474 = arith.xori %eq3A_1472, %eq3A_1473 : vector<32x1xi1>
    %eq3A_1475 = vector.broadcast %eq3A_1474 : vector<32x1xi1> to vector<32x128xi1>
    %eq3A_1476 = vector.broadcast %eq3A_1475 : vector<32x128xi1> to vector<32x128xi1>
    %eq3A_1477 = arith.xori %lt3A_1465, %eq3A_1476 : vector<32x128xi1>
    %eq3A_1478 = arith.constant dense<true> : vector<32x128xi1>
    %eq3A_1479 = arith.xori %eq3A_1477, %eq3A_1478 : vector<32x128xi1>
    %select_n3A_1480 = arith.select %eq3A_1479, %select_n3A_1443, %select_n3A_1457 : vector<32x128xi1>, vector<32x128xf32>
    %select_n3A_1481 = arith.select %eq3A_1479, %select_n3A_1444, %select_n3A_1464 : vector<32x128xi1>, vector<32x128xi32>
    %and3A_1482 = arith.constant 4 : i32
    %and3A_1483 = vector.broadcast %and3A_1482 : i32 to vector<32x1xi32>
    %and3A_1484 = arith.andi %iota3A_1407, %and3A_1483 : vector<32x1xi32>
    %eq3A_1485 = arith.constant 0 : i32
    %eq3A_1486 = vector.broadcast %eq3A_1485 : i32 to vector<32x1xi32>
    %eq3A_1487 = arith.cmpi eq, %and3A_1484, %eq3A_1486 : vector<32x1xi32>
    %roll3A_1488 = arith.constant 28 : i32
    %roll3A_1489 = tpu.dynamic_rotate %select_n3A_1480 by %roll3A_1488 dim 0 : vector<32x128xf32>, i32 -> vector<32x128xf32>
    %roll3A_1490 = arith.constant 4 : i32
    %roll3A_1491 = tpu.dynamic_rotate %select_n3A_1480 by %roll3A_1490 dim 0 : vector<32x128xf32>, i32 -> vector<32x128xf32>
    %broadcast_in_dim3A_1492 = vector.shape_cast %eq3A_1487 : vector<32x1xi1> to vector<32x1xi1>
    %broadcast_in_dim3A_1493 = vector.broadcast %broadcast_in_dim3A_1492 : vector<32x1xi1> to vector<32x128xi1>
    %select_n3A_1494 = arith.select %broadcast_in_dim3A_1493, %roll3A_1489, %roll3A_1491 : vector<32x128xi1>, vector<32x128xf32>
    %roll3A_1495 = arith.constant 28 : i32
    %roll3A_1496 = tpu.dynamic_rotate %select_n3A_1481 by %roll3A_1495 dim 0 : vector<32x128xi32>, i32 -> vector<32x128xi32>
    %roll3A_1497 = arith.constant 4 : i32
    %roll3A_1498 = tpu.dynamic_rotate %select_n3A_1481 by %roll3A_1497 dim 0 : vector<32x128xi32>, i32 -> vector<32x128xi32>
    %broadcast_in_dim3A_1499 = vector.shape_cast %eq3A_1487 : vector<32x1xi1> to vector<32x1xi1>
    %broadcast_in_dim3A_1500 = vector.broadcast %broadcast_in_dim3A_1499 : vector<32x1xi1> to vector<32x128xi1>
    %select_n3A_1501 = arith.select %broadcast_in_dim3A_1500, %roll3A_1496, %roll3A_1498 : vector<32x128xi1>, vector<32x128xi32>
    %lt3A_1502 = arith.cmpf olt, %select_n3A_1480, %select_n3A_1494 : vector<32x128xf32>
    %and3A_1503 = arith.constant 32 : i32
    %and3A_1504 = vector.broadcast %and3A_1503 : i32 to vector<32x1xi32>
    %and3A_1505 = arith.andi %iota3A_1407, %and3A_1504 : vector<32x1xi32>
    %eq3A_1506 = arith.constant 0 : i32
    %eq3A_1507 = vector.broadcast %eq3A_1506 : i32 to vector<32x1xi32>
    %eq3A_1508 = arith.cmpi eq, %and3A_1505, %eq3A_1507 : vector<32x1xi32>
    %eq3A_1509 = arith.xori %eq3A_1487, %eq3A_1508 : vector<32x1xi1>
    %eq3A_1510 = arith.constant dense<true> : vector<32x1xi1>
    %eq3A_1511 = arith.xori %eq3A_1509, %eq3A_1510 : vector<32x1xi1>
    %eq3A_1512 = vector.broadcast %eq3A_1511 : vector<32x1xi1> to vector<32x128xi1>
    %eq3A_1513 = vector.broadcast %eq3A_1512 : vector<32x128xi1> to vector<32x128xi1>
    %eq3A_1514 = arith.xori %lt3A_1502, %eq3A_1513 : vector<32x128xi1>
    %eq3A_1515 = arith.constant dense<true> : vector<32x128xi1>
    %eq3A_1516 = arith.xori %eq3A_1514, %eq3A_1515 : vector<32x128xi1>
    %select_n3A_1517 = arith.select %eq3A_1516, %select_n3A_1480, %select_n3A_1494 : vector<32x128xi1>, vector<32x128xf32>
    %select_n3A_1518 = arith.select %eq3A_1516, %select_n3A_1481, %select_n3A_1501 : vector<32x128xi1>, vector<32x128xi32>
    %and3A_1519 = arith.constant 2 : i32
    %and3A_1520 = vector.broadcast %and3A_1519 : i32 to vector<32x1xi32>
    %and3A_1521 = arith.andi %iota3A_1407, %and3A_1520 : vector<32x1xi32>
    %eq3A_1522 = arith.constant 0 : i32
    %eq3A_1523 = vector.broadcast %eq3A_1522 : i32 to vector<32x1xi32>
    %eq3A_1524 = arith.cmpi eq, %and3A_1521, %eq3A_1523 : vector<32x1xi32>
    %roll3A_1525 = arith.constant 30 : i32
    %roll3A_1526 = tpu.dynamic_rotate %select_n3A_1517 by %roll3A_1525 dim 0 : vector<32x128xf32>, i32 -> vector<32x128xf32>
    %roll3A_1527 = arith.constant 2 : i32
    %roll3A_1528 = tpu.dynamic_rotate %select_n3A_1517 by %roll3A_1527 dim 0 : vector<32x128xf32>, i32 -> vector<32x128xf32>
    %broadcast_in_dim3A_1529 = vector.shape_cast %eq3A_1524 : vector<32x1xi1> to vector<32x1xi1>
    %broadcast_in_dim3A_1530 = vector.broadcast %broadcast_in_dim3A_1529 : vector<32x1xi1> to vector<32x128xi1>
    %select_n3A_1531 = arith.select %broadcast_in_dim3A_1530, %roll3A_1526, %roll3A_1528 : vector<32x128xi1>, vector<32x128xf32>
    %roll3A_1532 = arith.constant 30 : i32
    %roll3A_1533 = tpu.dynamic_rotate %select_n3A_1518 by %roll3A_1532 dim 0 : vector<32x128xi32>, i32 -> vector<32x128xi32>
    %roll3A_1534 = arith.constant 2 : i32
    %roll3A_1535 = tpu.dynamic_rotate %select_n3A_1518 by %roll3A_1534 dim 0 : vector<32x128xi32>, i32 -> vector<32x128xi32>
    %broadcast_in_dim3A_1536 = vector.shape_cast %eq3A_1524 : vector<32x1xi1> to vector<32x1xi1>
    %broadcast_in_dim3A_1537 = vector.broadcast %broadcast_in_dim3A_1536 : vector<32x1xi1> to vector<32x128xi1>
    %select_n3A_1538 = arith.select %broadcast_in_dim3A_1537, %roll3A_1533, %roll3A_1535 : vector<32x128xi1>, vector<32x128xi32>
    %lt3A_1539 = arith.cmpf olt, %select_n3A_1517, %select_n3A_1531 : vector<32x128xf32>
    %and3A_1540 = arith.constant 32 : i32
    %and3A_1541 = vector.broadcast %and3A_1540 : i32 to vector<32x1xi32>
    %and3A_1542 = arith.andi %iota3A_1407, %and3A_1541 : vector<32x1xi32>
    %eq3A_1543 = arith.constant 0 : i32
    %eq3A_1544 = vector.broadcast %eq3A_1543 : i32 to vector<32x1xi32>
    %eq3A_1545 = arith.cmpi eq, %and3A_1542, %eq3A_1544 : vector<32x1xi32>
    %eq3A_1546 = arith.xori %eq3A_1524, %eq3A_1545 : vector<32x1xi1>
    %eq3A_1547 = arith.constant dense<true> : vector<32x1xi1>
    %eq3A_1548 = arith.xori %eq3A_1546, %eq3A_1547 : vector<32x1xi1>
    %eq3A_1549 = vector.broadcast %eq3A_1548 : vector<32x1xi1> to vector<32x128xi1>
    %eq3A_1550 = vector.broadcast %eq3A_1549 : vector<32x128xi1> to vector<32x128xi1>
    %eq3A_1551 = arith.xori %lt3A_1539, %eq3A_1550 : vector<32x128xi1>
    %eq3A_1552 = arith.constant dense<true> : vector<32x128xi1>
    %eq3A_1553 = arith.xori %eq3A_1551, %eq3A_1552 : vector<32x128xi1>
    %select_n3A_1554 = arith.select %eq3A_1553, %select_n3A_1517, %select_n3A_1531 : vector<32x128xi1>, vector<32x128xf32>
    %select_n3A_1555 = arith.select %eq3A_1553, %select_n3A_1518, %select_n3A_1538 : vector<32x128xi1>, vector<32x128xi32>
    %and3A_1556 = arith.constant 1 : i32
    %and3A_1557 = vector.broadcast %and3A_1556 : i32 to vector<32x1xi32>
    %and3A_1558 = arith.andi %iota3A_1407, %and3A_1557 : vector<32x1xi32>
    %eq3A_1559 = arith.constant 0 : i32
    %eq3A_1560 = vector.broadcast %eq3A_1559 : i32 to vector<32x1xi32>
    %eq3A_1561 = arith.cmpi eq, %and3A_1558, %eq3A_1560 : vector<32x1xi32>
    %roll3A_1562 = arith.constant 31 : i32
    %roll3A_1563 = tpu.dynamic_rotate %select_n3A_1554 by %roll3A_1562 dim 0 : vector<32x128xf32>, i32 -> vector<32x128xf32>
    %roll3A_1564 = arith.constant 1 : i32
    %roll3A_1565 = tpu.dynamic_rotate %select_n3A_1554 by %roll3A_1564 dim 0 : vector<32x128xf32>, i32 -> vector<32x128xf32>
    %broadcast_in_dim3A_1566 = vector.shape_cast %eq3A_1561 : vector<32x1xi1> to vector<32x1xi1>
    %broadcast_in_dim3A_1567 = vector.broadcast %broadcast_in_dim3A_1566 : vector<32x1xi1> to vector<32x128xi1>
    %select_n3A_1568 = arith.select %broadcast_in_dim3A_1567, %roll3A_1563, %roll3A_1565 : vector<32x128xi1>, vector<32x128xf32>
    %roll3A_1569 = arith.constant 31 : i32
    %roll3A_1570 = tpu.dynamic_rotate %select_n3A_1555 by %roll3A_1569 dim 0 : vector<32x128xi32>, i32 -> vector<32x128xi32>
    %roll3A_1571 = arith.constant 1 : i32
    %roll3A_1572 = tpu.dynamic_rotate %select_n3A_1555 by %roll3A_1571 dim 0 : vector<32x128xi32>, i32 -> vector<32x128xi32>
    %broadcast_in_dim3A_1573 = vector.shape_cast %eq3A_1561 : vector<32x1xi1> to vector<32x1xi1>
    %broadcast_in_dim3A_1574 = vector.broadcast %broadcast_in_dim3A_1573 : vector<32x1xi1> to vector<32x128xi1>
    %select_n3A_1575 = arith.select %broadcast_in_dim3A_1574, %roll3A_1570, %roll3A_1572 : vector<32x128xi1>, vector<32x128xi32>
    %lt3A_1576 = arith.cmpf olt, %select_n3A_1554, %select_n3A_1568 : vector<32x128xf32>
    %and3A_1577 = arith.constant 32 : i32
    %and3A_1578 = vector.broadcast %and3A_1577 : i32 to vector<32x1xi32>
    %and3A_1579 = arith.andi %iota3A_1407, %and3A_1578 : vector<32x1xi32>
    %eq3A_1580 = arith.constant 0 : i32
    %eq3A_1581 = vector.broadcast %eq3A_1580 : i32 to vector<32x1xi32>
    %eq3A_1582 = arith.cmpi eq, %and3A_1579, %eq3A_1581 : vector<32x1xi32>
    %eq3A_1583 = arith.xori %eq3A_1561, %eq3A_1582 : vector<32x1xi1>
    %eq3A_1584 = arith.constant dense<true> : vector<32x1xi1>
    %eq3A_1585 = arith.xori %eq3A_1583, %eq3A_1584 : vector<32x1xi1>
    %eq3A_1586 = vector.broadcast %eq3A_1585 : vector<32x1xi1> to vector<32x128xi1>
    %eq3A_1587 = vector.broadcast %eq3A_1586 : vector<32x128xi1> to vector<32x128xi1>
    %eq3A_1588 = arith.xori %lt3A_1576, %eq3A_1587 : vector<32x128xi1>
    %eq3A_1589 = arith.constant dense<true> : vector<32x128xi1>
    %eq3A_1590 = arith.xori %eq3A_1588, %eq3A_1589 : vector<32x128xi1>
    %select_n3A_1591 = arith.select %eq3A_1590, %select_n3A_1555, %select_n3A_1575 : vector<32x128xi1>, vector<32x128xi32>
    %mul3A_1592 = arith.constant 1024 : i32
    %mul3A_1593 = arith.muli %arg0, %mul3A_1592 : i32
    %add3A_1594 = vector.broadcast %mul3A_1593 : i32 to vector<32x128xi32>
    %add3A_1595 = arith.addi %select_n3A_1591, %add3A_1594 : vector<32x128xi32>
    %swap3A = arith.constant 0 : index
    %swap3A_1596 = arith.constant 0 : index
    %swap3A_1597 = arith.constant 0 : index
    %swap3A_1598 = vector.load %arg4[%swap3A, %swap3A_1596, %swap3A_1597] : memref<1x32x128xi32, #tpu.memory_space<vmem>>, vector<1x32x128xi32>
    %swap3A_1599 = vector.shape_cast %swap3A_1598 : vector<1x32x128xi32> to vector<32x128xi32>
    %swap3A_1600 = vector.shape_cast %add3A_1595 : vector<32x128xi32> to vector<1x32x128xi32>
    tpu.vector_store %arg4[%swap3A, %swap3A_1596, %swap3A_1597], %swap3A_1600 {strides = array<i32>} : memref<1x32x128xi32, #tpu.memory_space<vmem>>, vector<1x32x128xi32>,
    return
  }
  func.func @transform_0(%arg0: i32, %arg1: i32) -> (i32, i32, i32) {
    %c0_i32 = arith.constant 0 : i32
    %c0_i32_0 = arith.constant 0 : i32
    %c0_i32_1 = arith.constant 0 : i32
    return %arg0, %c0_i32, %c0_i32_0 : i32, i32, i32
  }
  func.func @transform_1(%arg0: i32, %arg1: i32) -> (i32, i32, i32) {
    %c0_i32 = arith.constant 0 : i32
    %c0_i32_0 = arith.constant 0 : i32
    return %arg0, %arg1, %c0_i32 : i32, i32, i32
  }
  func.func @transform_2(%arg0: i32, %arg1: i32) -> (i32, i32, i32) {
    %c0_i32 = arith.constant 0 : i32
    %c0_i32_0 = arith.constant 0 : i32
    return %arg0, %c0_i32, %arg1 : i32, i32, i32
  }
}

module attributes {stable_mosaic.version = 14 : i64} {
  func.func @_mlp_body(%arg0: i32, %arg1: memref<8x256x64xf32, #tpu.memory_space<vmem>>, %arg2: memref<1x256x64xf32, #tpu.memory_space<vmem>>, %arg3: memref<128x64xf32, #tpu.memory_space<vmem>>, %arg4: memref<128x64xf32, #tpu.memory_space<vmem>>, %arg5: memref<128x128xf32, #tpu.memory_space<vmem>>, %arg6: memref<1x128xf32, #tpu.memory_space<vmem>>, %arg7: memref<1x128xf32, #tpu.memory_space<vmem>>, %arg8: memref<1x1x8xf32, #tpu.memory_space<vmem>>, %arg9: memref<1x1x8xf32, #tpu.memory_space<vmem>>, %arg10: memref<8x8x128xf32, #tpu.memory_space<vmem>>, %arg11: memref<8x256x128xf32, #tpu.memory_space<vmem>>) attributes {dimension_semantics = [#tpu.dimension_semantics<arbitrary>], iteration_bounds = array<i64: 128>, scalar_prefetch = 0 : i64, scratch_operands = 1 : i64, tpu.core_type = #tpu.core_type<tc>, window_params = [{transform_indices = @transform_0, window_bounds = array<i64: 8, 256, 64>}, {transform_indices = @transform_1, window_bounds = array<i64: 1, 256, 64>}, {pipeline_mode = #tpu.pipeline_mode<synchronous>, transform_indices = @transform_2, window_bounds = array<i64: 128, 64>}, {pipeline_mode = #tpu.pipeline_mode<synchronous>, transform_indices = @transform_3, window_bounds = array<i64: 128, 64>}, {pipeline_mode = #tpu.pipeline_mode<synchronous>, transform_indices = @transform_4, window_bounds = array<i64: 128, 128>}, {pipeline_mode = #tpu.pipeline_mode<synchronous>, transform_indices = @transform_5, window_bounds = array<i64: 1, 128>}, {pipeline_mode = #tpu.pipeline_mode<synchronous>, transform_indices = @transform_6, window_bounds = array<i64: 1, 128>}, {transform_indices = @transform_7, window_bounds = array<i64: 1, 1, 8>}, {transform_indices = @transform_8, window_bounds = array<i64: 1, 1, 8>}, {transform_indices = @transform_9, window_bounds = array<i64: 8, 8, 128>}]} {
    %get3A = arith.constant 0 : index
    %get3A_0 = arith.constant 0 : index
    %get3A_1 = arith.constant 0 : index
    %get3A_2 = vector.load %arg2[%get3A, %get3A_0, %get3A_1] : memref<1x256x64xf32, #tpu.memory_space<vmem>>, vector<1x256x64xf32>
    %get3A_3 = vector.shape_cast %get3A_2 : vector<1x256x64xf32> to vector<256x64xf32>
    %get3A_4 = arith.constant 0 : index
    %get3A_5 = arith.constant 0 : index
    %get3A_6 = vector.load %arg3[%get3A_4, %get3A_5] : memref<128x64xf32, #tpu.memory_space<vmem>>, vector<128x64xf32>
    %dot_general3A = arith.constant dense<0.000000e+00> : vector<256x128xf32>
    %dot_general3A_7 = tpu.matmul %get3A_3, %get3A_6, %dot_general3A {dimension_numbers = #tpu.dot_dimension_numbers<[1], [1], [0], [0], [0, 0, 1, 0], [], []>, transpose_lhs_hint = false} : vector<256x64xf32>, vector<128x64xf32>, vector<256x128xf32> -> vector<256x128xf32>
    %broadcast_in_dim3A = vector.shape_cast %get3A_3 : vector<256x64xf32> to vector<1x256x64xf32>
    %get3A_8 = arith.constant 0 : index
    %get3A_9 = arith.constant 0 : index
    %get3A_10 = arith.constant 0 : index
    %get3A_11 = vector.load %arg1[%get3A_8, %get3A_9, %get3A_10] : memref<8x256x64xf32, #tpu.memory_space<vmem>>, vector<8x256x64xf32>
    %sub3A = vector.broadcast %broadcast_in_dim3A : vector<1x256x64xf32> to vector<8x256x64xf32>
    %sub3A_12 = arith.subf %sub3A, %get3A_11 : vector<8x256x64xf32>
    %reshape3A = vector.shape_cast %sub3A_12 : vector<8x256x64xf32> to vector<2048x64xf32>
    %get3A_13 = arith.constant 0 : index
    %get3A_14 = arith.constant 0 : index
    %get3A_15 = vector.load %arg4[%get3A_13, %get3A_14] : memref<128x64xf32, #tpu.memory_space<vmem>>, vector<128x64xf32>
    %dot_general3A_16 = arith.constant dense<0.000000e+00> : vector<2048x128xf32>
    %dot_general3A_17 = tpu.matmul %reshape3A, %get3A_15, %dot_general3A_16 {dimension_numbers = #tpu.dot_dimension_numbers<[1], [1], [0], [0], [0, 0, 1, 0], [], []>, transpose_lhs_hint = false} : vector<2048x64xf32>, vector<128x64xf32>, vector<2048x128xf32> -> vector<2048x128xf32>
    %reshape3A_18 = vector.shape_cast %dot_general3A_17 : vector<2048x128xf32> to vector<8x256x128xf32>
    %get3A_19 = arith.constant 0 : index
    %get3A_20 = arith.constant 0 : index
    %get3A_21 = vector.load %arg6[%get3A_19, %get3A_20] : memref<1x128xf32, #tpu.memory_space<vmem>>, vector<1x128xf32>
    %add3A = vector.broadcast %get3A_21 : vector<1x128xf32> to vector<256x128xf32>
    %add3A_22 = arith.addf %dot_general3A_7, %add3A : vector<256x128xf32>
    %broadcast_in_dim3A_23 = vector.shape_cast %add3A_22 : vector<256x128xf32> to vector<1x256x128xf32>
    %add3A_24 = vector.broadcast %broadcast_in_dim3A_23 : vector<1x256x128xf32> to vector<8x256x128xf32>
    %add3A_25 = arith.addf %add3A_24, %reshape3A_18 : vector<8x256x128xf32>
    %swap3A = arith.constant 0 : index
    %swap3A_26 = arith.constant 0 : index
    %swap3A_27 = arith.constant 0 : index
    %swap3A_28 = vector.load %arg11[%swap3A, %swap3A_26, %swap3A_27] : memref<8x256x128xf32, #tpu.memory_space<vmem>>, vector<8x256x128xf32>
    tpu.vector_store %arg11[%swap3A, %swap3A_26, %swap3A_27], %add3A_25 {strides = array<i32>} : memref<8x256x128xf32, #tpu.memory_space<vmem>>, vector<8x256x128xf32>,
    %get3A_29 = arith.constant 0 : index
    %get3A_30 = arith.constant 0 : index
    %get3A_31 = arith.constant 0 : index
    %get3A_32 = vector.load %arg8[%get3A_29, %get3A_30, %get3A_31] : memref<1x1x8xf32, #tpu.memory_space<vmem>>, vector<1x1x8xf32>
    %get3A_33 = arith.constant 0 : index
    %get3A_34 = arith.constant 0 : index
    %get3A_35 = arith.constant 0 : index
    %get3A_36 = vector.load %arg9[%get3A_33, %get3A_34, %get3A_35] : memref<1x1x8xf32, #tpu.memory_space<vmem>>, vector<1x1x8xf32>
    %get3A_37 = arith.constant 0 : index
    %get3A_38 = arith.constant 0 : index
    %get3A_39 = arith.constant 0 : index
    %get3A_40 = vector.load %arg11[%get3A_37, %get3A_38, %get3A_39] : memref<8x256x128xf32, #tpu.memory_space<vmem>>, vector<8x32x128xf32>
    %reduce_sum3A = arith.constant dense<0.000000e+00> : vector<8x32xf32>
    %reduce_sum3A_41 = vector.multi_reduction <add>, %get3A_40, %reduce_sum3A [2] : vector<8x32x128xf32> to vector<8x32xf32>
    %broadcast_in_dim3A_42 = vector.shape_cast %reduce_sum3A_41 : vector<8x32xf32> to vector<8x32x1xf32>
    %reduce_sum3A_43 = arith.constant dense<0.000000e+00> : vector<8x1xf32>
    %reduce_sum3A_44 = vector.multi_reduction <add>, %broadcast_in_dim3A_42, %reduce_sum3A_43 [1] : vector<8x32x1xf32> to vector<8x1xf32>
    %broadcast_in_dim3A_45 = vector.shape_cast %reduce_sum3A_44 : vector<8x1xf32> to vector<8x1x1xf32>
    %reduce_sum3A_46 = arith.constant dense<0.000000e+00> : vector<1x1xf32>
    %reduce_sum3A_47 = vector.multi_reduction <add>, %broadcast_in_dim3A_45, %reduce_sum3A_46 [0] : vector<8x1x1xf32> to vector<1x1xf32>
    %broadcast_in_dim3A_48 = vector.shape_cast %reduce_sum3A_47 : vector<1x1xf32> to vector<1x1x1xf32>
    %mul3A = arith.mulf %get3A_40, %get3A_40 : vector<8x32x128xf32>
    %reduce_sum3A_49 = arith.constant dense<0.000000e+00> : vector<8x32xf32>
    %reduce_sum3A_50 = vector.multi_reduction <add>, %mul3A, %reduce_sum3A_49 [2] : vector<8x32x128xf32> to vector<8x32xf32>
    %broadcast_in_dim3A_51 = vector.shape_cast %reduce_sum3A_50 : vector<8x32xf32> to vector<8x32x1xf32>
    %reduce_sum3A_52 = arith.constant dense<0.000000e+00> : vector<8x1xf32>
    %reduce_sum3A_53 = vector.multi_reduction <add>, %broadcast_in_dim3A_51, %reduce_sum3A_52 [1] : vector<8x32x1xf32> to vector<8x1xf32>
    %broadcast_in_dim3A_54 = vector.shape_cast %reduce_sum3A_53 : vector<8x1xf32> to vector<8x1x1xf32>
    %reduce_sum3A_55 = arith.constant dense<0.000000e+00> : vector<1x1xf32>
    %reduce_sum3A_56 = vector.multi_reduction <add>, %broadcast_in_dim3A_54, %reduce_sum3A_55 [0] : vector<8x1x1xf32> to vector<1x1xf32>
    %broadcast_in_dim3A_57 = vector.shape_cast %reduce_sum3A_56 : vector<1x1xf32> to vector<1x1x1xf32>
    %div3A = arith.constant 3.276800e+04 : f32
    %div3A_58 = vector.broadcast %div3A : f32 to vector<1x1x1xf32>
    %div3A_59 = arith.divf %broadcast_in_dim3A_48, %div3A_58 : vector<1x1x1xf32>
    %div3A_60 = arith.constant 3.276800e+04 : f32
    %div3A_61 = vector.broadcast %div3A_60 : f32 to vector<1x1x1xf32>
    %div3A_62 = arith.divf %broadcast_in_dim3A_57, %div3A_61 : vector<1x1x1xf32>
    %mul3A_63 = arith.mulf %div3A_59, %div3A_59 : vector<1x1x1xf32>
    %sub3A_64 = arith.subf %div3A_62, %mul3A_63 : vector<1x1x1xf32>
    %slice3A = vector.extract_strided_slice %get3A_32 {offsets = [0, 0, 0], sizes = [1, 1, 1], strides = [1, 1, 1]} : vector<1x1x8xf32> to vector<1x1x1xf32>
    %slice3A_65 = vector.extract_strided_slice %get3A_36 {offsets = [0, 0, 0], sizes = [1, 1, 1], strides = [1, 1, 1]} : vector<1x1x8xf32> to vector<1x1x1xf32>
    %add3A_66 = arith.constant 9.99999974E-6 : f32
    %add3A_67 = vector.broadcast %add3A_66 : f32 to vector<1x1x1xf32>
    %add3A_68 = arith.addf %sub3A_64, %add3A_67 : vector<1x1x1xf32>
    %rsqrt3A = math.rsqrt %add3A_68 : vector<1x1x1xf32>
    %mul3A_69 = arith.mulf %slice3A, %rsqrt3A : vector<1x1x1xf32>
    %sub3A_70 = vector.broadcast %div3A_59 : vector<1x1x1xf32> to vector<8x32x128xf32>
    %sub3A_71 = arith.subf %get3A_40, %sub3A_70 : vector<8x32x128xf32>
    %mul3A_72 = vector.broadcast %mul3A_69 : vector<1x1x1xf32> to vector<8x32x128xf32>
    %mul3A_73 = arith.mulf %sub3A_71, %mul3A_72 : vector<8x32x128xf32>
    %add3A_74 = vector.broadcast %slice3A_65 : vector<1x1x1xf32> to vector<8x32x128xf32>
    %add3A_75 = arith.addf %mul3A_73, %add3A_74 : vector<8x32x128xf32>
    %max3A = arith.constant 0.000000e+00 : f32
    %max3A_76 = vector.broadcast %max3A : f32 to vector<8x32x128xf32>
    %max3A_77 = arith.maximumf %add3A_75, %max3A_76 : vector<8x32x128xf32>
    %swap3A_78 = arith.constant 0 : index
    %swap3A_79 = arith.constant 0 : index
    %swap3A_80 = arith.constant 0 : index
    %swap3A_81 = vector.load %arg11[%swap3A_78, %swap3A_79, %swap3A_80] : memref<8x256x128xf32, #tpu.memory_space<vmem>>, vector<8x32x128xf32>
    tpu.vector_store %arg11[%swap3A_78, %swap3A_79, %swap3A_80], %max3A_77 {strides = array<i32>} : memref<8x256x128xf32, #tpu.memory_space<vmem>>, vector<8x32x128xf32>,
    %get3A_82 = arith.constant 0 : index
    %get3A_83 = arith.constant 32 : index
    %get3A_84 = arith.constant 0 : index
    %get3A_85 = vector.load %arg11[%get3A_82, %get3A_83, %get3A_84] : memref<8x256x128xf32, #tpu.memory_space<vmem>>, vector<8x32x128xf32>
    %reduce_sum3A_86 = arith.constant dense<0.000000e+00> : vector<8x32xf32>
    %reduce_sum3A_87 = vector.multi_reduction <add>, %get3A_85, %reduce_sum3A_86 [2] : vector<8x32x128xf32> to vector<8x32xf32>
    %broadcast_in_dim3A_88 = vector.shape_cast %reduce_sum3A_87 : vector<8x32xf32> to vector<8x32x1xf32>
    %reduce_sum3A_89 = arith.constant dense<0.000000e+00> : vector<8x1xf32>
    %reduce_sum3A_90 = vector.multi_reduction <add>, %broadcast_in_dim3A_88, %reduce_sum3A_89 [1] : vector<8x32x1xf32> to vector<8x1xf32>
    %broadcast_in_dim3A_91 = vector.shape_cast %reduce_sum3A_90 : vector<8x1xf32> to vector<8x1x1xf32>
    %reduce_sum3A_92 = arith.constant dense<0.000000e+00> : vector<1x1xf32>
    %reduce_sum3A_93 = vector.multi_reduction <add>, %broadcast_in_dim3A_91, %reduce_sum3A_92 [0] : vector<8x1x1xf32> to vector<1x1xf32>
    %broadcast_in_dim3A_94 = vector.shape_cast %reduce_sum3A_93 : vector<1x1xf32> to vector<1x1x1xf32>
    %mul3A_95 = arith.mulf %get3A_85, %get3A_85 : vector<8x32x128xf32>
    %reduce_sum3A_96 = arith.constant dense<0.000000e+00> : vector<8x32xf32>
    %reduce_sum3A_97 = vector.multi_reduction <add>, %mul3A_95, %reduce_sum3A_96 [2] : vector<8x32x128xf32> to vector<8x32xf32>
    %broadcast_in_dim3A_98 = vector.shape_cast %reduce_sum3A_97 : vector<8x32xf32> to vector<8x32x1xf32>
    %reduce_sum3A_99 = arith.constant dense<0.000000e+00> : vector<8x1xf32>
    %reduce_sum3A_100 = vector.multi_reduction <add>, %broadcast_in_dim3A_98, %reduce_sum3A_99 [1] : vector<8x32x1xf32> to vector<8x1xf32>
    %broadcast_in_dim3A_101 = vector.shape_cast %reduce_sum3A_100 : vector<8x1xf32> to vector<8x1x1xf32>
    %reduce_sum3A_102 = arith.constant dense<0.000000e+00> : vector<1x1xf32>
    %reduce_sum3A_103 = vector.multi_reduction <add>, %broadcast_in_dim3A_101, %reduce_sum3A_102 [0] : vector<8x1x1xf32> to vector<1x1xf32>
    %broadcast_in_dim3A_104 = vector.shape_cast %reduce_sum3A_103 : vector<1x1xf32> to vector<1x1x1xf32>
    %div3A_105 = arith.constant 3.276800e+04 : f32
    %div3A_106 = vector.broadcast %div3A_105 : f32 to vector<1x1x1xf32>
    %div3A_107 = arith.divf %broadcast_in_dim3A_94, %div3A_106 : vector<1x1x1xf32>
    %div3A_108 = arith.constant 3.276800e+04 : f32
    %div3A_109 = vector.broadcast %div3A_108 : f32 to vector<1x1x1xf32>
    %div3A_110 = arith.divf %broadcast_in_dim3A_104, %div3A_109 : vector<1x1x1xf32>
    %mul3A_111 = arith.mulf %div3A_107, %div3A_107 : vector<1x1x1xf32>
    %sub3A_112 = arith.subf %div3A_110, %mul3A_111 : vector<1x1x1xf32>
    %slice3A_113 = vector.extract_strided_slice %get3A_32 {offsets = [0, 0, 1], sizes = [1, 1, 1], strides = [1, 1, 1]} : vector<1x1x8xf32> to vector<1x1x1xf32>
    %slice3A_114 = vector.extract_strided_slice %get3A_36 {offsets = [0, 0, 1], sizes = [1, 1, 1], strides = [1, 1, 1]} : vector<1x1x8xf32> to vector<1x1x1xf32>
    %add3A_115 = arith.constant 9.99999974E-6 : f32
    %add3A_116 = vector.broadcast %add3A_115 : f32 to vector<1x1x1xf32>
    %add3A_117 = arith.addf %sub3A_112, %add3A_116 : vector<1x1x1xf32>
    %rsqrt3A_118 = math.rsqrt %add3A_117 : vector<1x1x1xf32>
    %mul3A_119 = arith.mulf %slice3A_113, %rsqrt3A_118 : vector<1x1x1xf32>
    %sub3A_120 = vector.broadcast %div3A_107 : vector<1x1x1xf32> to vector<8x32x128xf32>
    %sub3A_121 = arith.subf %get3A_85, %sub3A_120 : vector<8x32x128xf32>
    %mul3A_122 = vector.broadcast %mul3A_119 : vector<1x1x1xf32> to vector<8x32x128xf32>
    %mul3A_123 = arith.mulf %sub3A_121, %mul3A_122 : vector<8x32x128xf32>
    %add3A_124 = vector.broadcast %slice3A_114 : vector<1x1x1xf32> to vector<8x32x128xf32>
    %add3A_125 = arith.addf %mul3A_123, %add3A_124 : vector<8x32x128xf32>
    %max3A_126 = arith.constant 0.000000e+00 : f32
    %max3A_127 = vector.broadcast %max3A_126 : f32 to vector<8x32x128xf32>
    %max3A_128 = arith.maximumf %add3A_125, %max3A_127 : vector<8x32x128xf32>
    %swap3A_129 = arith.constant 0 : index
    %swap3A_130 = arith.constant 32 : index
    %swap3A_131 = arith.constant 0 : index
    %swap3A_132 = vector.load %arg11[%swap3A_129, %swap3A_130, %swap3A_131] : memref<8x256x128xf32, #tpu.memory_space<vmem>>, vector<8x32x128xf32>
    tpu.vector_store %arg11[%swap3A_129, %swap3A_130, %swap3A_131], %max3A_128 {strides = array<i32>} : memref<8x256x128xf32, #tpu.memory_space<vmem>>, vector<8x32x128xf32>,
    %get3A_133 = arith.constant 0 : index
    %get3A_134 = arith.constant 64 : index
    %get3A_135 = arith.constant 0 : index
    %get3A_136 = vector.load %arg11[%get3A_133, %get3A_134, %get3A_135] : memref<8x256x128xf32, #tpu.memory_space<vmem>>, vector<8x32x128xf32>
    %reduce_sum3A_137 = arith.constant dense<0.000000e+00> : vector<8x32xf32>
    %reduce_sum3A_138 = vector.multi_reduction <add>, %get3A_136, %reduce_sum3A_137 [2] : vector<8x32x128xf32> to vector<8x32xf32>
    %broadcast_in_dim3A_139 = vector.shape_cast %reduce_sum3A_138 : vector<8x32xf32> to vector<8x32x1xf32>
    %reduce_sum3A_140 = arith.constant dense<0.000000e+00> : vector<8x1xf32>
    %reduce_sum3A_141 = vector.multi_reduction <add>, %broadcast_in_dim3A_139, %reduce_sum3A_140 [1] : vector<8x32x1xf32> to vector<8x1xf32>
    %broadcast_in_dim3A_142 = vector.shape_cast %reduce_sum3A_141 : vector<8x1xf32> to vector<8x1x1xf32>
    %reduce_sum3A_143 = arith.constant dense<0.000000e+00> : vector<1x1xf32>
    %reduce_sum3A_144 = vector.multi_reduction <add>, %broadcast_in_dim3A_142, %reduce_sum3A_143 [0] : vector<8x1x1xf32> to vector<1x1xf32>
    %broadcast_in_dim3A_145 = vector.shape_cast %reduce_sum3A_144 : vector<1x1xf32> to vector<1x1x1xf32>
    %mul3A_146 = arith.mulf %get3A_136, %get3A_136 : vector<8x32x128xf32>
    %reduce_sum3A_147 = arith.constant dense<0.000000e+00> : vector<8x32xf32>
    %reduce_sum3A_148 = vector.multi_reduction <add>, %mul3A_146, %reduce_sum3A_147 [2] : vector<8x32x128xf32> to vector<8x32xf32>
    %broadcast_in_dim3A_149 = vector.shape_cast %reduce_sum3A_148 : vector<8x32xf32> to vector<8x32x1xf32>
    %reduce_sum3A_150 = arith.constant dense<0.000000e+00> : vector<8x1xf32>
    %reduce_sum3A_151 = vector.multi_reduction <add>, %broadcast_in_dim3A_149, %reduce_sum3A_150 [1] : vector<8x32x1xf32> to vector<8x1xf32>
    %broadcast_in_dim3A_152 = vector.shape_cast %reduce_sum3A_151 : vector<8x1xf32> to vector<8x1x1xf32>
    %reduce_sum3A_153 = arith.constant dense<0.000000e+00> : vector<1x1xf32>
    %reduce_sum3A_154 = vector.multi_reduction <add>, %broadcast_in_dim3A_152, %reduce_sum3A_153 [0] : vector<8x1x1xf32> to vector<1x1xf32>
    %broadcast_in_dim3A_155 = vector.shape_cast %reduce_sum3A_154 : vector<1x1xf32> to vector<1x1x1xf32>
    %div3A_156 = arith.constant 3.276800e+04 : f32
    %div3A_157 = vector.broadcast %div3A_156 : f32 to vector<1x1x1xf32>
    %div3A_158 = arith.divf %broadcast_in_dim3A_145, %div3A_157 : vector<1x1x1xf32>
    %div3A_159 = arith.constant 3.276800e+04 : f32
    %div3A_160 = vector.broadcast %div3A_159 : f32 to vector<1x1x1xf32>
    %div3A_161 = arith.divf %broadcast_in_dim3A_155, %div3A_160 : vector<1x1x1xf32>
    %mul3A_162 = arith.mulf %div3A_158, %div3A_158 : vector<1x1x1xf32>
    %sub3A_163 = arith.subf %div3A_161, %mul3A_162 : vector<1x1x1xf32>
    %slice3A_164 = vector.extract_strided_slice %get3A_32 {offsets = [0, 0, 2], sizes = [1, 1, 1], strides = [1, 1, 1]} : vector<1x1x8xf32> to vector<1x1x1xf32>
    %slice3A_165 = vector.extract_strided_slice %get3A_36 {offsets = [0, 0, 2], sizes = [1, 1, 1], strides = [1, 1, 1]} : vector<1x1x8xf32> to vector<1x1x1xf32>
    %add3A_166 = arith.constant 9.99999974E-6 : f32
    %add3A_167 = vector.broadcast %add3A_166 : f32 to vector<1x1x1xf32>
    %add3A_168 = arith.addf %sub3A_163, %add3A_167 : vector<1x1x1xf32>
    %rsqrt3A_169 = math.rsqrt %add3A_168 : vector<1x1x1xf32>
    %mul3A_170 = arith.mulf %slice3A_164, %rsqrt3A_169 : vector<1x1x1xf32>
    %sub3A_171 = vector.broadcast %div3A_158 : vector<1x1x1xf32> to vector<8x32x128xf32>
    %sub3A_172 = arith.subf %get3A_136, %sub3A_171 : vector<8x32x128xf32>
    %mul3A_173 = vector.broadcast %mul3A_170 : vector<1x1x1xf32> to vector<8x32x128xf32>
    %mul3A_174 = arith.mulf %sub3A_172, %mul3A_173 : vector<8x32x128xf32>
    %add3A_175 = vector.broadcast %slice3A_165 : vector<1x1x1xf32> to vector<8x32x128xf32>
    %add3A_176 = arith.addf %mul3A_174, %add3A_175 : vector<8x32x128xf32>
    %max3A_177 = arith.constant 0.000000e+00 : f32
    %max3A_178 = vector.broadcast %max3A_177 : f32 to vector<8x32x128xf32>
    %max3A_179 = arith.maximumf %add3A_176, %max3A_178 : vector<8x32x128xf32>
    %swap3A_180 = arith.constant 0 : index
    %swap3A_181 = arith.constant 64 : index
    %swap3A_182 = arith.constant 0 : index
    %swap3A_183 = vector.load %arg11[%swap3A_180, %swap3A_181, %swap3A_182] : memref<8x256x128xf32, #tpu.memory_space<vmem>>, vector<8x32x128xf32>
    tpu.vector_store %arg11[%swap3A_180, %swap3A_181, %swap3A_182], %max3A_179 {strides = array<i32>} : memref<8x256x128xf32, #tpu.memory_space<vmem>>, vector<8x32x128xf32>,
    %get3A_184 = arith.constant 0 : index
    %get3A_185 = arith.constant 96 : index
    %get3A_186 = arith.constant 0 : index
    %get3A_187 = vector.load %arg11[%get3A_184, %get3A_185, %get3A_186] : memref<8x256x128xf32, #tpu.memory_space<vmem>>, vector<8x32x128xf32>
    %reduce_sum3A_188 = arith.constant dense<0.000000e+00> : vector<8x32xf32>
    %reduce_sum3A_189 = vector.multi_reduction <add>, %get3A_187, %reduce_sum3A_188 [2] : vector<8x32x128xf32> to vector<8x32xf32>
    %broadcast_in_dim3A_190 = vector.shape_cast %reduce_sum3A_189 : vector<8x32xf32> to vector<8x32x1xf32>
    %reduce_sum3A_191 = arith.constant dense<0.000000e+00> : vector<8x1xf32>
    %reduce_sum3A_192 = vector.multi_reduction <add>, %broadcast_in_dim3A_190, %reduce_sum3A_191 [1] : vector<8x32x1xf32> to vector<8x1xf32>
    %broadcast_in_dim3A_193 = vector.shape_cast %reduce_sum3A_192 : vector<8x1xf32> to vector<8x1x1xf32>
    %reduce_sum3A_194 = arith.constant dense<0.000000e+00> : vector<1x1xf32>
    %reduce_sum3A_195 = vector.multi_reduction <add>, %broadcast_in_dim3A_193, %reduce_sum3A_194 [0] : vector<8x1x1xf32> to vector<1x1xf32>
    %broadcast_in_dim3A_196 = vector.shape_cast %reduce_sum3A_195 : vector<1x1xf32> to vector<1x1x1xf32>
    %mul3A_197 = arith.mulf %get3A_187, %get3A_187 : vector<8x32x128xf32>
    %reduce_sum3A_198 = arith.constant dense<0.000000e+00> : vector<8x32xf32>
    %reduce_sum3A_199 = vector.multi_reduction <add>, %mul3A_197, %reduce_sum3A_198 [2] : vector<8x32x128xf32> to vector<8x32xf32>
    %broadcast_in_dim3A_200 = vector.shape_cast %reduce_sum3A_199 : vector<8x32xf32> to vector<8x32x1xf32>
    %reduce_sum3A_201 = arith.constant dense<0.000000e+00> : vector<8x1xf32>
    %reduce_sum3A_202 = vector.multi_reduction <add>, %broadcast_in_dim3A_200, %reduce_sum3A_201 [1] : vector<8x32x1xf32> to vector<8x1xf32>
    %broadcast_in_dim3A_203 = vector.shape_cast %reduce_sum3A_202 : vector<8x1xf32> to vector<8x1x1xf32>
    %reduce_sum3A_204 = arith.constant dense<0.000000e+00> : vector<1x1xf32>
    %reduce_sum3A_205 = vector.multi_reduction <add>, %broadcast_in_dim3A_203, %reduce_sum3A_204 [0] : vector<8x1x1xf32> to vector<1x1xf32>
    %broadcast_in_dim3A_206 = vector.shape_cast %reduce_sum3A_205 : vector<1x1xf32> to vector<1x1x1xf32>
    %div3A_207 = arith.constant 3.276800e+04 : f32
    %div3A_208 = vector.broadcast %div3A_207 : f32 to vector<1x1x1xf32>
    %div3A_209 = arith.divf %broadcast_in_dim3A_196, %div3A_208 : vector<1x1x1xf32>
    %div3A_210 = arith.constant 3.276800e+04 : f32
    %div3A_211 = vector.broadcast %div3A_210 : f32 to vector<1x1x1xf32>
    %div3A_212 = arith.divf %broadcast_in_dim3A_206, %div3A_211 : vector<1x1x1xf32>
    %mul3A_213 = arith.mulf %div3A_209, %div3A_209 : vector<1x1x1xf32>
    %sub3A_214 = arith.subf %div3A_212, %mul3A_213 : vector<1x1x1xf32>
    %slice3A_215 = vector.extract_strided_slice %get3A_32 {offsets = [0, 0, 3], sizes = [1, 1, 1], strides = [1, 1, 1]} : vector<1x1x8xf32> to vector<1x1x1xf32>
    %slice3A_216 = vector.extract_strided_slice %get3A_36 {offsets = [0, 0, 3], sizes = [1, 1, 1], strides = [1, 1, 1]} : vector<1x1x8xf32> to vector<1x1x1xf32>
    %add3A_217 = arith.constant 9.99999974E-6 : f32
    %add3A_218 = vector.broadcast %add3A_217 : f32 to vector<1x1x1xf32>
    %add3A_219 = arith.addf %sub3A_214, %add3A_218 : vector<1x1x1xf32>
    %rsqrt3A_220 = math.rsqrt %add3A_219 : vector<1x1x1xf32>
    %mul3A_221 = arith.mulf %slice3A_215, %rsqrt3A_220 : vector<1x1x1xf32>
    %sub3A_222 = vector.broadcast %div3A_209 : vector<1x1x1xf32> to vector<8x32x128xf32>
    %sub3A_223 = arith.subf %get3A_187, %sub3A_222 : vector<8x32x128xf32>
    %mul3A_224 = vector.broadcast %mul3A_221 : vector<1x1x1xf32> to vector<8x32x128xf32>
    %mul3A_225 = arith.mulf %sub3A_223, %mul3A_224 : vector<8x32x128xf32>
    %add3A_226 = vector.broadcast %slice3A_216 : vector<1x1x1xf32> to vector<8x32x128xf32>
    %add3A_227 = arith.addf %mul3A_225, %add3A_226 : vector<8x32x128xf32>
    %max3A_228 = arith.constant 0.000000e+00 : f32
    %max3A_229 = vector.broadcast %max3A_228 : f32 to vector<8x32x128xf32>
    %max3A_230 = arith.maximumf %add3A_227, %max3A_229 : vector<8x32x128xf32>
    %swap3A_231 = arith.constant 0 : index
    %swap3A_232 = arith.constant 96 : index
    %swap3A_233 = arith.constant 0 : index
    %swap3A_234 = vector.load %arg11[%swap3A_231, %swap3A_232, %swap3A_233] : memref<8x256x128xf32, #tpu.memory_space<vmem>>, vector<8x32x128xf32>
    tpu.vector_store %arg11[%swap3A_231, %swap3A_232, %swap3A_233], %max3A_230 {strides = array<i32>} : memref<8x256x128xf32, #tpu.memory_space<vmem>>, vector<8x32x128xf32>,
    %get3A_235 = arith.constant 0 : index
    %get3A_236 = arith.constant 128 : index
    %get3A_237 = arith.constant 0 : index
    %get3A_238 = vector.load %arg11[%get3A_235, %get3A_236, %get3A_237] : memref<8x256x128xf32, #tpu.memory_space<vmem>>, vector<8x32x128xf32>
    %reduce_sum3A_239 = arith.constant dense<0.000000e+00> : vector<8x32xf32>
    %reduce_sum3A_240 = vector.multi_reduction <add>, %get3A_238, %reduce_sum3A_239 [2] : vector<8x32x128xf32> to vector<8x32xf32>
    %broadcast_in_dim3A_241 = vector.shape_cast %reduce_sum3A_240 : vector<8x32xf32> to vector<8x32x1xf32>
    %reduce_sum3A_242 = arith.constant dense<0.000000e+00> : vector<8x1xf32>
    %reduce_sum3A_243 = vector.multi_reduction <add>, %broadcast_in_dim3A_241, %reduce_sum3A_242 [1] : vector<8x32x1xf32> to vector<8x1xf32>
    %broadcast_in_dim3A_244 = vector.shape_cast %reduce_sum3A_243 : vector<8x1xf32> to vector<8x1x1xf32>
    %reduce_sum3A_245 = arith.constant dense<0.000000e+00> : vector<1x1xf32>
    %reduce_sum3A_246 = vector.multi_reduction <add>, %broadcast_in_dim3A_244, %reduce_sum3A_245 [0] : vector<8x1x1xf32> to vector<1x1xf32>
    %broadcast_in_dim3A_247 = vector.shape_cast %reduce_sum3A_246 : vector<1x1xf32> to vector<1x1x1xf32>
    %mul3A_248 = arith.mulf %get3A_238, %get3A_238 : vector<8x32x128xf32>
    %reduce_sum3A_249 = arith.constant dense<0.000000e+00> : vector<8x32xf32>
    %reduce_sum3A_250 = vector.multi_reduction <add>, %mul3A_248, %reduce_sum3A_249 [2] : vector<8x32x128xf32> to vector<8x32xf32>
    %broadcast_in_dim3A_251 = vector.shape_cast %reduce_sum3A_250 : vector<8x32xf32> to vector<8x32x1xf32>
    %reduce_sum3A_252 = arith.constant dense<0.000000e+00> : vector<8x1xf32>
    %reduce_sum3A_253 = vector.multi_reduction <add>, %broadcast_in_dim3A_251, %reduce_sum3A_252 [1] : vector<8x32x1xf32> to vector<8x1xf32>
    %broadcast_in_dim3A_254 = vector.shape_cast %reduce_sum3A_253 : vector<8x1xf32> to vector<8x1x1xf32>
    %reduce_sum3A_255 = arith.constant dense<0.000000e+00> : vector<1x1xf32>
    %reduce_sum3A_256 = vector.multi_reduction <add>, %broadcast_in_dim3A_254, %reduce_sum3A_255 [0] : vector<8x1x1xf32> to vector<1x1xf32>
    %broadcast_in_dim3A_257 = vector.shape_cast %reduce_sum3A_256 : vector<1x1xf32> to vector<1x1x1xf32>
    %div3A_258 = arith.constant 3.276800e+04 : f32
    %div3A_259 = vector.broadcast %div3A_258 : f32 to vector<1x1x1xf32>
    %div3A_260 = arith.divf %broadcast_in_dim3A_247, %div3A_259 : vector<1x1x1xf32>
    %div3A_261 = arith.constant 3.276800e+04 : f32
    %div3A_262 = vector.broadcast %div3A_261 : f32 to vector<1x1x1xf32>
    %div3A_263 = arith.divf %broadcast_in_dim3A_257, %div3A_262 : vector<1x1x1xf32>
    %mul3A_264 = arith.mulf %div3A_260, %div3A_260 : vector<1x1x1xf32>
    %sub3A_265 = arith.subf %div3A_263, %mul3A_264 : vector<1x1x1xf32>
    %slice3A_266 = vector.extract_strided_slice %get3A_32 {offsets = [0, 0, 4], sizes = [1, 1, 1], strides = [1, 1, 1]} : vector<1x1x8xf32> to vector<1x1x1xf32>
    %slice3A_267 = vector.extract_strided_slice %get3A_36 {offsets = [0, 0, 4], sizes = [1, 1, 1], strides = [1, 1, 1]} : vector<1x1x8xf32> to vector<1x1x1xf32>
    %add3A_268 = arith.constant 9.99999974E-6 : f32
    %add3A_269 = vector.broadcast %add3A_268 : f32 to vector<1x1x1xf32>
    %add3A_270 = arith.addf %sub3A_265, %add3A_269 : vector<1x1x1xf32>
    %rsqrt3A_271 = math.rsqrt %add3A_270 : vector<1x1x1xf32>
    %mul3A_272 = arith.mulf %slice3A_266, %rsqrt3A_271 : vector<1x1x1xf32>
    %sub3A_273 = vector.broadcast %div3A_260 : vector<1x1x1xf32> to vector<8x32x128xf32>
    %sub3A_274 = arith.subf %get3A_238, %sub3A_273 : vector<8x32x128xf32>
    %mul3A_275 = vector.broadcast %mul3A_272 : vector<1x1x1xf32> to vector<8x32x128xf32>
    %mul3A_276 = arith.mulf %sub3A_274, %mul3A_275 : vector<8x32x128xf32>
    %add3A_277 = vector.broadcast %slice3A_267 : vector<1x1x1xf32> to vector<8x32x128xf32>
    %add3A_278 = arith.addf %mul3A_276, %add3A_277 : vector<8x32x128xf32>
    %max3A_279 = arith.constant 0.000000e+00 : f32
    %max3A_280 = vector.broadcast %max3A_279 : f32 to vector<8x32x128xf32>
    %max3A_281 = arith.maximumf %add3A_278, %max3A_280 : vector<8x32x128xf32>
    %swap3A_282 = arith.constant 0 : index
    %swap3A_283 = arith.constant 128 : index
    %swap3A_284 = arith.constant 0 : index
    %swap3A_285 = vector.load %arg11[%swap3A_282, %swap3A_283, %swap3A_284] : memref<8x256x128xf32, #tpu.memory_space<vmem>>, vector<8x32x128xf32>
    tpu.vector_store %arg11[%swap3A_282, %swap3A_283, %swap3A_284], %max3A_281 {strides = array<i32>} : memref<8x256x128xf32, #tpu.memory_space<vmem>>, vector<8x32x128xf32>,
    %get3A_286 = arith.constant 0 : index
    %get3A_287 = arith.constant 160 : index
    %get3A_288 = arith.constant 0 : index
    %get3A_289 = vector.load %arg11[%get3A_286, %get3A_287, %get3A_288] : memref<8x256x128xf32, #tpu.memory_space<vmem>>, vector<8x32x128xf32>
    %reduce_sum3A_290 = arith.constant dense<0.000000e+00> : vector<8x32xf32>
    %reduce_sum3A_291 = vector.multi_reduction <add>, %get3A_289, %reduce_sum3A_290 [2] : vector<8x32x128xf32> to vector<8x32xf32>
    %broadcast_in_dim3A_292 = vector.shape_cast %reduce_sum3A_291 : vector<8x32xf32> to vector<8x32x1xf32>
    %reduce_sum3A_293 = arith.constant dense<0.000000e+00> : vector<8x1xf32>
    %reduce_sum3A_294 = vector.multi_reduction <add>, %broadcast_in_dim3A_292, %reduce_sum3A_293 [1] : vector<8x32x1xf32> to vector<8x1xf32>
    %broadcast_in_dim3A_295 = vector.shape_cast %reduce_sum3A_294 : vector<8x1xf32> to vector<8x1x1xf32>
    %reduce_sum3A_296 = arith.constant dense<0.000000e+00> : vector<1x1xf32>
    %reduce_sum3A_297 = vector.multi_reduction <add>, %broadcast_in_dim3A_295, %reduce_sum3A_296 [0] : vector<8x1x1xf32> to vector<1x1xf32>
    %broadcast_in_dim3A_298 = vector.shape_cast %reduce_sum3A_297 : vector<1x1xf32> to vector<1x1x1xf32>
    %mul3A_299 = arith.mulf %get3A_289, %get3A_289 : vector<8x32x128xf32>
    %reduce_sum3A_300 = arith.constant dense<0.000000e+00> : vector<8x32xf32>
    %reduce_sum3A_301 = vector.multi_reduction <add>, %mul3A_299, %reduce_sum3A_300 [2] : vector<8x32x128xf32> to vector<8x32xf32>
    %broadcast_in_dim3A_302 = vector.shape_cast %reduce_sum3A_301 : vector<8x32xf32> to vector<8x32x1xf32>
    %reduce_sum3A_303 = arith.constant dense<0.000000e+00> : vector<8x1xf32>
    %reduce_sum3A_304 = vector.multi_reduction <add>, %broadcast_in_dim3A_302, %reduce_sum3A_303 [1] : vector<8x32x1xf32> to vector<8x1xf32>
    %broadcast_in_dim3A_305 = vector.shape_cast %reduce_sum3A_304 : vector<8x1xf32> to vector<8x1x1xf32>
    %reduce_sum3A_306 = arith.constant dense<0.000000e+00> : vector<1x1xf32>
    %reduce_sum3A_307 = vector.multi_reduction <add>, %broadcast_in_dim3A_305, %reduce_sum3A_306 [0] : vector<8x1x1xf32> to vector<1x1xf32>
    %broadcast_in_dim3A_308 = vector.shape_cast %reduce_sum3A_307 : vector<1x1xf32> to vector<1x1x1xf32>
    %div3A_309 = arith.constant 3.276800e+04 : f32
    %div3A_310 = vector.broadcast %div3A_309 : f32 to vector<1x1x1xf32>
    %div3A_311 = arith.divf %broadcast_in_dim3A_298, %div3A_310 : vector<1x1x1xf32>
    %div3A_312 = arith.constant 3.276800e+04 : f32
    %div3A_313 = vector.broadcast %div3A_312 : f32 to vector<1x1x1xf32>
    %div3A_314 = arith.divf %broadcast_in_dim3A_308, %div3A_313 : vector<1x1x1xf32>
    %mul3A_315 = arith.mulf %div3A_311, %div3A_311 : vector<1x1x1xf32>
    %sub3A_316 = arith.subf %div3A_314, %mul3A_315 : vector<1x1x1xf32>
    %slice3A_317 = vector.extract_strided_slice %get3A_32 {offsets = [0, 0, 5], sizes = [1, 1, 1], strides = [1, 1, 1]} : vector<1x1x8xf32> to vector<1x1x1xf32>
    %slice3A_318 = vector.extract_strided_slice %get3A_36 {offsets = [0, 0, 5], sizes = [1, 1, 1], strides = [1, 1, 1]} : vector<1x1x8xf32> to vector<1x1x1xf32>
    %add3A_319 = arith.constant 9.99999974E-6 : f32
    %add3A_320 = vector.broadcast %add3A_319 : f32 to vector<1x1x1xf32>
    %add3A_321 = arith.addf %sub3A_316, %add3A_320 : vector<1x1x1xf32>
    %rsqrt3A_322 = math.rsqrt %add3A_321 : vector<1x1x1xf32>
    %mul3A_323 = arith.mulf %slice3A_317, %rsqrt3A_322 : vector<1x1x1xf32>
    %sub3A_324 = vector.broadcast %div3A_311 : vector<1x1x1xf32> to vector<8x32x128xf32>
    %sub3A_325 = arith.subf %get3A_289, %sub3A_324 : vector<8x32x128xf32>
    %mul3A_326 = vector.broadcast %mul3A_323 : vector<1x1x1xf32> to vector<8x32x128xf32>
    %mul3A_327 = arith.mulf %sub3A_325, %mul3A_326 : vector<8x32x128xf32>
    %add3A_328 = vector.broadcast %slice3A_318 : vector<1x1x1xf32> to vector<8x32x128xf32>
    %add3A_329 = arith.addf %mul3A_327, %add3A_328 : vector<8x32x128xf32>
    %max3A_330 = arith.constant 0.000000e+00 : f32
    %max3A_331 = vector.broadcast %max3A_330 : f32 to vector<8x32x128xf32>
    %max3A_332 = arith.maximumf %add3A_329, %max3A_331 : vector<8x32x128xf32>
    %swap3A_333 = arith.constant 0 : index
    %swap3A_334 = arith.constant 160 : index
    %swap3A_335 = arith.constant 0 : index
    %swap3A_336 = vector.load %arg11[%swap3A_333, %swap3A_334, %swap3A_335] : memref<8x256x128xf32, #tpu.memory_space<vmem>>, vector<8x32x128xf32>
    tpu.vector_store %arg11[%swap3A_333, %swap3A_334, %swap3A_335], %max3A_332 {strides = array<i32>} : memref<8x256x128xf32, #tpu.memory_space<vmem>>, vector<8x32x128xf32>,
    %get3A_337 = arith.constant 0 : index
    %get3A_338 = arith.constant 192 : index
    %get3A_339 = arith.constant 0 : index
    %get3A_340 = vector.load %arg11[%get3A_337, %get3A_338, %get3A_339] : memref<8x256x128xf32, #tpu.memory_space<vmem>>, vector<8x32x128xf32>
    %reduce_sum3A_341 = arith.constant dense<0.000000e+00> : vector<8x32xf32>
    %reduce_sum3A_342 = vector.multi_reduction <add>, %get3A_340, %reduce_sum3A_341 [2] : vector<8x32x128xf32> to vector<8x32xf32>
    %broadcast_in_dim3A_343 = vector.shape_cast %reduce_sum3A_342 : vector<8x32xf32> to vector<8x32x1xf32>
    %reduce_sum3A_344 = arith.constant dense<0.000000e+00> : vector<8x1xf32>
    %reduce_sum3A_345 = vector.multi_reduction <add>, %broadcast_in_dim3A_343, %reduce_sum3A_344 [1] : vector<8x32x1xf32> to vector<8x1xf32>
    %broadcast_in_dim3A_346 = vector.shape_cast %reduce_sum3A_345 : vector<8x1xf32> to vector<8x1x1xf32>
    %reduce_sum3A_347 = arith.constant dense<0.000000e+00> : vector<1x1xf32>
    %reduce_sum3A_348 = vector.multi_reduction <add>, %broadcast_in_dim3A_346, %reduce_sum3A_347 [0] : vector<8x1x1xf32> to vector<1x1xf32>
    %broadcast_in_dim3A_349 = vector.shape_cast %reduce_sum3A_348 : vector<1x1xf32> to vector<1x1x1xf32>
    %mul3A_350 = arith.mulf %get3A_340, %get3A_340 : vector<8x32x128xf32>
    %reduce_sum3A_351 = arith.constant dense<0.000000e+00> : vector<8x32xf32>
    %reduce_sum3A_352 = vector.multi_reduction <add>, %mul3A_350, %reduce_sum3A_351 [2] : vector<8x32x128xf32> to vector<8x32xf32>
    %broadcast_in_dim3A_353 = vector.shape_cast %reduce_sum3A_352 : vector<8x32xf32> to vector<8x32x1xf32>
    %reduce_sum3A_354 = arith.constant dense<0.000000e+00> : vector<8x1xf32>
    %reduce_sum3A_355 = vector.multi_reduction <add>, %broadcast_in_dim3A_353, %reduce_sum3A_354 [1] : vector<8x32x1xf32> to vector<8x1xf32>
    %broadcast_in_dim3A_356 = vector.shape_cast %reduce_sum3A_355 : vector<8x1xf32> to vector<8x1x1xf32>
    %reduce_sum3A_357 = arith.constant dense<0.000000e+00> : vector<1x1xf32>
    %reduce_sum3A_358 = vector.multi_reduction <add>, %broadcast_in_dim3A_356, %reduce_sum3A_357 [0] : vector<8x1x1xf32> to vector<1x1xf32>
    %broadcast_in_dim3A_359 = vector.shape_cast %reduce_sum3A_358 : vector<1x1xf32> to vector<1x1x1xf32>
    %div3A_360 = arith.constant 3.276800e+04 : f32
    %div3A_361 = vector.broadcast %div3A_360 : f32 to vector<1x1x1xf32>
    %div3A_362 = arith.divf %broadcast_in_dim3A_349, %div3A_361 : vector<1x1x1xf32>
    %div3A_363 = arith.constant 3.276800e+04 : f32
    %div3A_364 = vector.broadcast %div3A_363 : f32 to vector<1x1x1xf32>
    %div3A_365 = arith.divf %broadcast_in_dim3A_359, %div3A_364 : vector<1x1x1xf32>
    %mul3A_366 = arith.mulf %div3A_362, %div3A_362 : vector<1x1x1xf32>
    %sub3A_367 = arith.subf %div3A_365, %mul3A_366 : vector<1x1x1xf32>
    %slice3A_368 = vector.extract_strided_slice %get3A_32 {offsets = [0, 0, 6], sizes = [1, 1, 1], strides = [1, 1, 1]} : vector<1x1x8xf32> to vector<1x1x1xf32>
    %slice3A_369 = vector.extract_strided_slice %get3A_36 {offsets = [0, 0, 6], sizes = [1, 1, 1], strides = [1, 1, 1]} : vector<1x1x8xf32> to vector<1x1x1xf32>
    %add3A_370 = arith.constant 9.99999974E-6 : f32
    %add3A_371 = vector.broadcast %add3A_370 : f32 to vector<1x1x1xf32>
    %add3A_372 = arith.addf %sub3A_367, %add3A_371 : vector<1x1x1xf32>
    %rsqrt3A_373 = math.rsqrt %add3A_372 : vector<1x1x1xf32>
    %mul3A_374 = arith.mulf %slice3A_368, %rsqrt3A_373 : vector<1x1x1xf32>
    %sub3A_375 = vector.broadcast %div3A_362 : vector<1x1x1xf32> to vector<8x32x128xf32>
    %sub3A_376 = arith.subf %get3A_340, %sub3A_375 : vector<8x32x128xf32>
    %mul3A_377 = vector.broadcast %mul3A_374 : vector<1x1x1xf32> to vector<8x32x128xf32>
    %mul3A_378 = arith.mulf %sub3A_376, %mul3A_377 : vector<8x32x128xf32>
    %add3A_379 = vector.broadcast %slice3A_369 : vector<1x1x1xf32> to vector<8x32x128xf32>
    %add3A_380 = arith.addf %mul3A_378, %add3A_379 : vector<8x32x128xf32>
    %max3A_381 = arith.constant 0.000000e+00 : f32
    %max3A_382 = vector.broadcast %max3A_381 : f32 to vector<8x32x128xf32>
    %max3A_383 = arith.maximumf %add3A_380, %max3A_382 : vector<8x32x128xf32>
    %swap3A_384 = arith.constant 0 : index
    %swap3A_385 = arith.constant 192 : index
    %swap3A_386 = arith.constant 0 : index
    %swap3A_387 = vector.load %arg11[%swap3A_384, %swap3A_385, %swap3A_386] : memref<8x256x128xf32, #tpu.memory_space<vmem>>, vector<8x32x128xf32>
    tpu.vector_store %arg11[%swap3A_384, %swap3A_385, %swap3A_386], %max3A_383 {strides = array<i32>} : memref<8x256x128xf32, #tpu.memory_space<vmem>>, vector<8x32x128xf32>,
    %get3A_388 = arith.constant 0 : index
    %get3A_389 = arith.constant 224 : index
    %get3A_390 = arith.constant 0 : index
    %get3A_391 = vector.load %arg11[%get3A_388, %get3A_389, %get3A_390] : memref<8x256x128xf32, #tpu.memory_space<vmem>>, vector<8x32x128xf32>
    %reduce_sum3A_392 = arith.constant dense<0.000000e+00> : vector<8x32xf32>
    %reduce_sum3A_393 = vector.multi_reduction <add>, %get3A_391, %reduce_sum3A_392 [2] : vector<8x32x128xf32> to vector<8x32xf32>
    %broadcast_in_dim3A_394 = vector.shape_cast %reduce_sum3A_393 : vector<8x32xf32> to vector<8x32x1xf32>
    %reduce_sum3A_395 = arith.constant dense<0.000000e+00> : vector<8x1xf32>
    %reduce_sum3A_396 = vector.multi_reduction <add>, %broadcast_in_dim3A_394, %reduce_sum3A_395 [1] : vector<8x32x1xf32> to vector<8x1xf32>
    %broadcast_in_dim3A_397 = vector.shape_cast %reduce_sum3A_396 : vector<8x1xf32> to vector<8x1x1xf32>
    %reduce_sum3A_398 = arith.constant dense<0.000000e+00> : vector<1x1xf32>
    %reduce_sum3A_399 = vector.multi_reduction <add>, %broadcast_in_dim3A_397, %reduce_sum3A_398 [0] : vector<8x1x1xf32> to vector<1x1xf32>
    %broadcast_in_dim3A_400 = vector.shape_cast %reduce_sum3A_399 : vector<1x1xf32> to vector<1x1x1xf32>
    %mul3A_401 = arith.mulf %get3A_391, %get3A_391 : vector<8x32x128xf32>
    %reduce_sum3A_402 = arith.constant dense<0.000000e+00> : vector<8x32xf32>
    %reduce_sum3A_403 = vector.multi_reduction <add>, %mul3A_401, %reduce_sum3A_402 [2] : vector<8x32x128xf32> to vector<8x32xf32>
    %broadcast_in_dim3A_404 = vector.shape_cast %reduce_sum3A_403 : vector<8x32xf32> to vector<8x32x1xf32>
    %reduce_sum3A_405 = arith.constant dense<0.000000e+00> : vector<8x1xf32>
    %reduce_sum3A_406 = vector.multi_reduction <add>, %broadcast_in_dim3A_404, %reduce_sum3A_405 [1] : vector<8x32x1xf32> to vector<8x1xf32>
    %broadcast_in_dim3A_407 = vector.shape_cast %reduce_sum3A_406 : vector<8x1xf32> to vector<8x1x1xf32>
    %reduce_sum3A_408 = arith.constant dense<0.000000e+00> : vector<1x1xf32>
    %reduce_sum3A_409 = vector.multi_reduction <add>, %broadcast_in_dim3A_407, %reduce_sum3A_408 [0] : vector<8x1x1xf32> to vector<1x1xf32>
    %broadcast_in_dim3A_410 = vector.shape_cast %reduce_sum3A_409 : vector<1x1xf32> to vector<1x1x1xf32>
    %div3A_411 = arith.constant 3.276800e+04 : f32
    %div3A_412 = vector.broadcast %div3A_411 : f32 to vector<1x1x1xf32>
    %div3A_413 = arith.divf %broadcast_in_dim3A_400, %div3A_412 : vector<1x1x1xf32>
    %div3A_414 = arith.constant 3.276800e+04 : f32
    %div3A_415 = vector.broadcast %div3A_414 : f32 to vector<1x1x1xf32>
    %div3A_416 = arith.divf %broadcast_in_dim3A_410, %div3A_415 : vector<1x1x1xf32>
    %mul3A_417 = arith.mulf %div3A_413, %div3A_413 : vector<1x1x1xf32>
    %sub3A_418 = arith.subf %div3A_416, %mul3A_417 : vector<1x1x1xf32>
    %slice3A_419 = vector.extract_strided_slice %get3A_32 {offsets = [0, 0, 7], sizes = [1, 1, 1], strides = [1, 1, 1]} : vector<1x1x8xf32> to vector<1x1x1xf32>
    %slice3A_420 = vector.extract_strided_slice %get3A_36 {offsets = [0, 0, 7], sizes = [1, 1, 1], strides = [1, 1, 1]} : vector<1x1x8xf32> to vector<1x1x1xf32>
    %add3A_421 = arith.constant 9.99999974E-6 : f32
    %add3A_422 = vector.broadcast %add3A_421 : f32 to vector<1x1x1xf32>
    %add3A_423 = arith.addf %sub3A_418, %add3A_422 : vector<1x1x1xf32>
    %rsqrt3A_424 = math.rsqrt %add3A_423 : vector<1x1x1xf32>
    %mul3A_425 = arith.mulf %slice3A_419, %rsqrt3A_424 : vector<1x1x1xf32>
    %sub3A_426 = vector.broadcast %div3A_413 : vector<1x1x1xf32> to vector<8x32x128xf32>
    %sub3A_427 = arith.subf %get3A_391, %sub3A_426 : vector<8x32x128xf32>
    %mul3A_428 = vector.broadcast %mul3A_425 : vector<1x1x1xf32> to vector<8x32x128xf32>
    %mul3A_429 = arith.mulf %sub3A_427, %mul3A_428 : vector<8x32x128xf32>
    %add3A_430 = vector.broadcast %slice3A_420 : vector<1x1x1xf32> to vector<8x32x128xf32>
    %add3A_431 = arith.addf %mul3A_429, %add3A_430 : vector<8x32x128xf32>
    %max3A_432 = arith.constant 0.000000e+00 : f32
    %max3A_433 = vector.broadcast %max3A_432 : f32 to vector<8x32x128xf32>
    %max3A_434 = arith.maximumf %add3A_431, %max3A_433 : vector<8x32x128xf32>
    %swap3A_435 = arith.constant 0 : index
    %swap3A_436 = arith.constant 224 : index
    %swap3A_437 = arith.constant 0 : index
    %swap3A_438 = vector.load %arg11[%swap3A_435, %swap3A_436, %swap3A_437] : memref<8x256x128xf32, #tpu.memory_space<vmem>>, vector<8x32x128xf32>
    tpu.vector_store %arg11[%swap3A_435, %swap3A_436, %swap3A_437], %max3A_434 {strides = array<i32>} : memref<8x256x128xf32, #tpu.memory_space<vmem>>, vector<8x32x128xf32>,
    %get3A_439 = arith.constant 0 : index
    %get3A_440 = arith.constant 0 : index
    %get3A_441 = arith.constant 0 : index
    %get3A_442 = vector.load %arg11[%get3A_439, %get3A_440, %get3A_441] : memref<8x256x128xf32, #tpu.memory_space<vmem>>, vector<8x256x128xf32>
    %reshape3A_443 = vector.shape_cast %get3A_442 : vector<8x256x128xf32> to vector<2048x128xf32>
    %get3A_444 = arith.constant 0 : index
    %get3A_445 = arith.constant 0 : index
    %get3A_446 = vector.load %arg5[%get3A_444, %get3A_445] : memref<128x128xf32, #tpu.memory_space<vmem>>, vector<128x128xf32>
    %dot_general3A_447 = arith.constant dense<0.000000e+00> : vector<2048x128xf32>
    %dot_general3A_448 = tpu.matmul %reshape3A_443, %get3A_446, %dot_general3A_447 {dimension_numbers = #tpu.dot_dimension_numbers<[1], [1], [0], [0], [0, 0, 1, 0], [], []>, transpose_lhs_hint = false} : vector<2048x128xf32>, vector<128x128xf32>, vector<2048x128xf32> -> vector<2048x128xf32>
    %get3A_449 = arith.constant 0 : index
    %get3A_450 = arith.constant 0 : index
    %get3A_451 = vector.load %arg7[%get3A_449, %get3A_450] : memref<1x128xf32, #tpu.memory_space<vmem>>, vector<1x128xf32>
    %add3A_452 = vector.broadcast %get3A_451 : vector<1x128xf32> to vector<2048x128xf32>
    %add3A_453 = arith.addf %dot_general3A_448, %add3A_452 : vector<2048x128xf32>
    %reshape3A_454 = vector.shape_cast %add3A_453 : vector<2048x128xf32> to vector<8x256x128xf32>
    %swap3A_455 = arith.constant 0 : index
    %swap3A_456 = arith.constant 0 : index
    %swap3A_457 = arith.constant 0 : index
    %swap3A_458 = vector.load %arg11[%swap3A_455, %swap3A_456, %swap3A_457] : memref<8x256x128xf32, #tpu.memory_space<vmem>>, vector<8x256x128xf32>
    tpu.vector_store %arg11[%swap3A_455, %swap3A_456, %swap3A_457], %reshape3A_454 {strides = array<i32>} : memref<8x256x128xf32, #tpu.memory_space<vmem>>, vector<8x256x128xf32>,
    %get3A_459 = arith.constant 0 : index
    %get3A_460 = arith.constant 0 : index
    %get3A_461 = arith.constant 0 : index
    %get3A_462 = vector.load %arg11[%get3A_459, %get3A_460, %get3A_461] : memref<8x256x128xf32, #tpu.memory_space<vmem>>, vector<8x32x128xf32>
    %reduce_sum3A_463 = arith.constant dense<0.000000e+00> : vector<8x32xf32>
    %reduce_sum3A_464 = vector.multi_reduction <add>, %get3A_462, %reduce_sum3A_463 [2] : vector<8x32x128xf32> to vector<8x32xf32>
    %broadcast_in_dim3A_465 = vector.shape_cast %reduce_sum3A_464 : vector<8x32xf32> to vector<8x32x1xf32>
    %reduce_sum3A_466 = arith.constant dense<0.000000e+00> : vector<8x1xf32>
    %reduce_sum3A_467 = vector.multi_reduction <add>, %broadcast_in_dim3A_465, %reduce_sum3A_466 [1] : vector<8x32x1xf32> to vector<8x1xf32>
    %broadcast_in_dim3A_468 = vector.shape_cast %reduce_sum3A_467 : vector<8x1xf32> to vector<8x1x1xf32>
    %reduce_sum3A_469 = arith.constant dense<0.000000e+00> : vector<1x1xf32>
    %reduce_sum3A_470 = vector.multi_reduction <add>, %broadcast_in_dim3A_468, %reduce_sum3A_469 [0] : vector<8x1x1xf32> to vector<1x1xf32>
    %broadcast_in_dim3A_471 = vector.shape_cast %reduce_sum3A_470 : vector<1x1xf32> to vector<1x1x1xf32>
    %mul3A_472 = arith.mulf %get3A_462, %get3A_462 : vector<8x32x128xf32>
    %reduce_sum3A_473 = arith.constant dense<0.000000e+00> : vector<8x32xf32>
    %reduce_sum3A_474 = vector.multi_reduction <add>, %mul3A_472, %reduce_sum3A_473 [2] : vector<8x32x128xf32> to vector<8x32xf32>
    %broadcast_in_dim3A_475 = vector.shape_cast %reduce_sum3A_474 : vector<8x32xf32> to vector<8x32x1xf32>
    %reduce_sum3A_476 = arith.constant dense<0.000000e+00> : vector<8x1xf32>
    %reduce_sum3A_477 = vector.multi_reduction <add>, %broadcast_in_dim3A_475, %reduce_sum3A_476 [1] : vector<8x32x1xf32> to vector<8x1xf32>
    %broadcast_in_dim3A_478 = vector.shape_cast %reduce_sum3A_477 : vector<8x1xf32> to vector<8x1x1xf32>
    %reduce_sum3A_479 = arith.constant dense<0.000000e+00> : vector<1x1xf32>
    %reduce_sum3A_480 = vector.multi_reduction <add>, %broadcast_in_dim3A_478, %reduce_sum3A_479 [0] : vector<8x1x1xf32> to vector<1x1xf32>
    %broadcast_in_dim3A_481 = vector.shape_cast %reduce_sum3A_480 : vector<1x1xf32> to vector<1x1x1xf32>
    %div3A_482 = arith.constant 3.276800e+04 : f32
    %div3A_483 = vector.broadcast %div3A_482 : f32 to vector<1x1x1xf32>
    %div3A_484 = arith.divf %broadcast_in_dim3A_471, %div3A_483 : vector<1x1x1xf32>
    %div3A_485 = arith.constant 3.276800e+04 : f32
    %div3A_486 = vector.broadcast %div3A_485 : f32 to vector<1x1x1xf32>
    %div3A_487 = arith.divf %broadcast_in_dim3A_481, %div3A_486 : vector<1x1x1xf32>
    %mul3A_488 = arith.mulf %div3A_484, %div3A_484 : vector<1x1x1xf32>
    %sub3A_489 = arith.subf %div3A_487, %mul3A_488 : vector<1x1x1xf32>
    %slice3A_490 = vector.extract_strided_slice %get3A_32 {offsets = [0, 0, 0], sizes = [1, 1, 1], strides = [1, 1, 1]} : vector<1x1x8xf32> to vector<1x1x1xf32>
    %slice3A_491 = vector.extract_strided_slice %get3A_36 {offsets = [0, 0, 0], sizes = [1, 1, 1], strides = [1, 1, 1]} : vector<1x1x8xf32> to vector<1x1x1xf32>
    %add3A_492 = arith.constant 9.99999974E-6 : f32
    %add3A_493 = vector.broadcast %add3A_492 : f32 to vector<1x1x1xf32>
    %add3A_494 = arith.addf %sub3A_489, %add3A_493 : vector<1x1x1xf32>
    %rsqrt3A_495 = math.rsqrt %add3A_494 : vector<1x1x1xf32>
    %mul3A_496 = arith.mulf %slice3A_490, %rsqrt3A_495 : vector<1x1x1xf32>
    %sub3A_497 = vector.broadcast %div3A_484 : vector<1x1x1xf32> to vector<8x32x128xf32>
    %sub3A_498 = arith.subf %get3A_462, %sub3A_497 : vector<8x32x128xf32>
    %mul3A_499 = vector.broadcast %mul3A_496 : vector<1x1x1xf32> to vector<8x32x128xf32>
    %mul3A_500 = arith.mulf %sub3A_498, %mul3A_499 : vector<8x32x128xf32>
    %add3A_501 = vector.broadcast %slice3A_491 : vector<1x1x1xf32> to vector<8x32x128xf32>
    %add3A_502 = arith.addf %mul3A_500, %add3A_501 : vector<8x32x128xf32>
    %max3A_503 = arith.constant 0.000000e+00 : f32
    %max3A_504 = vector.broadcast %max3A_503 : f32 to vector<8x32x128xf32>
    %max3A_505 = arith.maximumf %add3A_502, %max3A_504 : vector<8x32x128xf32>
    %reduce_max3A = arith.constant dense<0xFF800000> : vector<8x128xf32>
    %reduce_max3A_506 = vector.multi_reduction <maximumf>, %max3A_505, %reduce_max3A [1] : vector<8x32x128xf32> to vector<8x128xf32>
    %swap3A_507 = arith.constant 0 : index
    %swap3A_508 = arith.constant 0 : index
    %swap3A_509 = arith.constant 0 : index
    %swap3A_510 = vector.load %arg10[%swap3A_507, %swap3A_508, %swap3A_509] : memref<8x8x128xf32, #tpu.memory_space<vmem>>, vector<8x1x128xf32>
    %swap3A_511 = vector.shape_cast %swap3A_510 : vector<8x1x128xf32> to vector<8x128xf32>
    %swap3A_512 = vector.shape_cast %reduce_max3A_506 : vector<8x128xf32> to vector<8x1x128xf32>
    tpu.vector_store %arg10[%swap3A_507, %swap3A_508, %swap3A_509], %swap3A_512 {strides = array<i32>} : memref<8x8x128xf32, #tpu.memory_space<vmem>>, vector<8x1x128xf32>,
    %get3A_513 = arith.constant 0 : index
    %get3A_514 = arith.constant 32 : index
    %get3A_515 = arith.constant 0 : index
    %get3A_516 = vector.load %arg11[%get3A_513, %get3A_514, %get3A_515] : memref<8x256x128xf32, #tpu.memory_space<vmem>>, vector<8x32x128xf32>
    %reduce_sum3A_517 = arith.constant dense<0.000000e+00> : vector<8x32xf32>
    %reduce_sum3A_518 = vector.multi_reduction <add>, %get3A_516, %reduce_sum3A_517 [2] : vector<8x32x128xf32> to vector<8x32xf32>
    %broadcast_in_dim3A_519 = vector.shape_cast %reduce_sum3A_518 : vector<8x32xf32> to vector<8x32x1xf32>
    %reduce_sum3A_520 = arith.constant dense<0.000000e+00> : vector<8x1xf32>
    %reduce_sum3A_521 = vector.multi_reduction <add>, %broadcast_in_dim3A_519, %reduce_sum3A_520 [1] : vector<8x32x1xf32> to vector<8x1xf32>
    %broadcast_in_dim3A_522 = vector.shape_cast %reduce_sum3A_521 : vector<8x1xf32> to vector<8x1x1xf32>
    %reduce_sum3A_523 = arith.constant dense<0.000000e+00> : vector<1x1xf32>
    %reduce_sum3A_524 = vector.multi_reduction <add>, %broadcast_in_dim3A_522, %reduce_sum3A_523 [0] : vector<8x1x1xf32> to vector<1x1xf32>
    %broadcast_in_dim3A_525 = vector.shape_cast %reduce_sum3A_524 : vector<1x1xf32> to vector<1x1x1xf32>
    %mul3A_526 = arith.mulf %get3A_516, %get3A_516 : vector<8x32x128xf32>
    %reduce_sum3A_527 = arith.constant dense<0.000000e+00> : vector<8x32xf32>
    %reduce_sum3A_528 = vector.multi_reduction <add>, %mul3A_526, %reduce_sum3A_527 [2] : vector<8x32x128xf32> to vector<8x32xf32>
    %broadcast_in_dim3A_529 = vector.shape_cast %reduce_sum3A_528 : vector<8x32xf32> to vector<8x32x1xf32>
    %reduce_sum3A_530 = arith.constant dense<0.000000e+00> : vector<8x1xf32>
    %reduce_sum3A_531 = vector.multi_reduction <add>, %broadcast_in_dim3A_529, %reduce_sum3A_530 [1] : vector<8x32x1xf32> to vector<8x1xf32>
    %broadcast_in_dim3A_532 = vector.shape_cast %reduce_sum3A_531 : vector<8x1xf32> to vector<8x1x1xf32>
    %reduce_sum3A_533 = arith.constant dense<0.000000e+00> : vector<1x1xf32>
    %reduce_sum3A_534 = vector.multi_reduction <add>, %broadcast_in_dim3A_532, %reduce_sum3A_533 [0] : vector<8x1x1xf32> to vector<1x1xf32>
    %broadcast_in_dim3A_535 = vector.shape_cast %reduce_sum3A_534 : vector<1x1xf32> to vector<1x1x1xf32>
    %div3A_536 = arith.constant 3.276800e+04 : f32
    %div3A_537 = vector.broadcast %div3A_536 : f32 to vector<1x1x1xf32>
    %div3A_538 = arith.divf %broadcast_in_dim3A_525, %div3A_537 : vector<1x1x1xf32>
    %div3A_539 = arith.constant 3.276800e+04 : f32
    %div3A_540 = vector.broadcast %div3A_539 : f32 to vector<1x1x1xf32>
    %div3A_541 = arith.divf %broadcast_in_dim3A_535, %div3A_540 : vector<1x1x1xf32>
    %mul3A_542 = arith.mulf %div3A_538, %div3A_538 : vector<1x1x1xf32>
    %sub3A_543 = arith.subf %div3A_541, %mul3A_542 : vector<1x1x1xf32>
    %slice3A_544 = vector.extract_strided_slice %get3A_32 {offsets = [0, 0, 1], sizes = [1, 1, 1], strides = [1, 1, 1]} : vector<1x1x8xf32> to vector<1x1x1xf32>
    %slice3A_545 = vector.extract_strided_slice %get3A_36 {offsets = [0, 0, 1], sizes = [1, 1, 1], strides = [1, 1, 1]} : vector<1x1x8xf32> to vector<1x1x1xf32>
    %add3A_546 = arith.constant 9.99999974E-6 : f32
    %add3A_547 = vector.broadcast %add3A_546 : f32 to vector<1x1x1xf32>
    %add3A_548 = arith.addf %sub3A_543, %add3A_547 : vector<1x1x1xf32>
    %rsqrt3A_549 = math.rsqrt %add3A_548 : vector<1x1x1xf32>
    %mul3A_550 = arith.mulf %slice3A_544, %rsqrt3A_549 : vector<1x1x1xf32>
    %sub3A_551 = vector.broadcast %div3A_538 : vector<1x1x1xf32> to vector<8x32x128xf32>
    %sub3A_552 = arith.subf %get3A_516, %sub3A_551 : vector<8x32x128xf32>
    %mul3A_553 = vector.broadcast %mul3A_550 : vector<1x1x1xf32> to vector<8x32x128xf32>
    %mul3A_554 = arith.mulf %sub3A_552, %mul3A_553 : vector<8x32x128xf32>
    %add3A_555 = vector.broadcast %slice3A_545 : vector<1x1x1xf32> to vector<8x32x128xf32>
    %add3A_556 = arith.addf %mul3A_554, %add3A_555 : vector<8x32x128xf32>
    %max3A_557 = arith.constant 0.000000e+00 : f32
    %max3A_558 = vector.broadcast %max3A_557 : f32 to vector<8x32x128xf32>
    %max3A_559 = arith.maximumf %add3A_556, %max3A_558 : vector<8x32x128xf32>
    %reduce_max3A_560 = arith.constant dense<0xFF800000> : vector<8x128xf32>
    %reduce_max3A_561 = vector.multi_reduction <maximumf>, %max3A_559, %reduce_max3A_560 [1] : vector<8x32x128xf32> to vector<8x128xf32>
    %swap3A_562 = arith.constant 0 : index
    %swap3A_563 = arith.constant 1 : index
    %swap3A_564 = arith.constant 0 : index
    %swap3A_565 = vector.load %arg10[%swap3A_562, %swap3A_563, %swap3A_564] : memref<8x8x128xf32, #tpu.memory_space<vmem>>, vector<8x1x128xf32>
    %swap3A_566 = vector.shape_cast %swap3A_565 : vector<8x1x128xf32> to vector<8x128xf32>
    %swap3A_567 = vector.shape_cast %reduce_max3A_561 : vector<8x128xf32> to vector<8x1x128xf32>
    tpu.vector_store %arg10[%swap3A_562, %swap3A_563, %swap3A_564], %swap3A_567 {strides = array<i32>} : memref<8x8x128xf32, #tpu.memory_space<vmem>>, vector<8x1x128xf32>,
    %get3A_568 = arith.constant 0 : index
    %get3A_569 = arith.constant 64 : index
    %get3A_570 = arith.constant 0 : index
    %get3A_571 = vector.load %arg11[%get3A_568, %get3A_569, %get3A_570] : memref<8x256x128xf32, #tpu.memory_space<vmem>>, vector<8x32x128xf32>
    %reduce_sum3A_572 = arith.constant dense<0.000000e+00> : vector<8x32xf32>
    %reduce_sum3A_573 = vector.multi_reduction <add>, %get3A_571, %reduce_sum3A_572 [2] : vector<8x32x128xf32> to vector<8x32xf32>
    %broadcast_in_dim3A_574 = vector.shape_cast %reduce_sum3A_573 : vector<8x32xf32> to vector<8x32x1xf32>
    %reduce_sum3A_575 = arith.constant dense<0.000000e+00> : vector<8x1xf32>
    %reduce_sum3A_576 = vector.multi_reduction <add>, %broadcast_in_dim3A_574, %reduce_sum3A_575 [1] : vector<8x32x1xf32> to vector<8x1xf32>
    %broadcast_in_dim3A_577 = vector.shape_cast %reduce_sum3A_576 : vector<8x1xf32> to vector<8x1x1xf32>
    %reduce_sum3A_578 = arith.constant dense<0.000000e+00> : vector<1x1xf32>
    %reduce_sum3A_579 = vector.multi_reduction <add>, %broadcast_in_dim3A_577, %reduce_sum3A_578 [0] : vector<8x1x1xf32> to vector<1x1xf32>
    %broadcast_in_dim3A_580 = vector.shape_cast %reduce_sum3A_579 : vector<1x1xf32> to vector<1x1x1xf32>
    %mul3A_581 = arith.mulf %get3A_571, %get3A_571 : vector<8x32x128xf32>
    %reduce_sum3A_582 = arith.constant dense<0.000000e+00> : vector<8x32xf32>
    %reduce_sum3A_583 = vector.multi_reduction <add>, %mul3A_581, %reduce_sum3A_582 [2] : vector<8x32x128xf32> to vector<8x32xf32>
    %broadcast_in_dim3A_584 = vector.shape_cast %reduce_sum3A_583 : vector<8x32xf32> to vector<8x32x1xf32>
    %reduce_sum3A_585 = arith.constant dense<0.000000e+00> : vector<8x1xf32>
    %reduce_sum3A_586 = vector.multi_reduction <add>, %broadcast_in_dim3A_584, %reduce_sum3A_585 [1] : vector<8x32x1xf32> to vector<8x1xf32>
    %broadcast_in_dim3A_587 = vector.shape_cast %reduce_sum3A_586 : vector<8x1xf32> to vector<8x1x1xf32>
    %reduce_sum3A_588 = arith.constant dense<0.000000e+00> : vector<1x1xf32>
    %reduce_sum3A_589 = vector.multi_reduction <add>, %broadcast_in_dim3A_587, %reduce_sum3A_588 [0] : vector<8x1x1xf32> to vector<1x1xf32>
    %broadcast_in_dim3A_590 = vector.shape_cast %reduce_sum3A_589 : vector<1x1xf32> to vector<1x1x1xf32>
    %div3A_591 = arith.constant 3.276800e+04 : f32
    %div3A_592 = vector.broadcast %div3A_591 : f32 to vector<1x1x1xf32>
    %div3A_593 = arith.divf %broadcast_in_dim3A_580, %div3A_592 : vector<1x1x1xf32>
    %div3A_594 = arith.constant 3.276800e+04 : f32
    %div3A_595 = vector.broadcast %div3A_594 : f32 to vector<1x1x1xf32>
    %div3A_596 = arith.divf %broadcast_in_dim3A_590, %div3A_595 : vector<1x1x1xf32>
    %mul3A_597 = arith.mulf %div3A_593, %div3A_593 : vector<1x1x1xf32>
    %sub3A_598 = arith.subf %div3A_596, %mul3A_597 : vector<1x1x1xf32>
    %slice3A_599 = vector.extract_strided_slice %get3A_32 {offsets = [0, 0, 2], sizes = [1, 1, 1], strides = [1, 1, 1]} : vector<1x1x8xf32> to vector<1x1x1xf32>
    %slice3A_600 = vector.extract_strided_slice %get3A_36 {offsets = [0, 0, 2], sizes = [1, 1, 1], strides = [1, 1, 1]} : vector<1x1x8xf32> to vector<1x1x1xf32>
    %add3A_601 = arith.constant 9.99999974E-6 : f32
    %add3A_602 = vector.broadcast %add3A_601 : f32 to vector<1x1x1xf32>
    %add3A_603 = arith.addf %sub3A_598, %add3A_602 : vector<1x1x1xf32>
    %rsqrt3A_604 = math.rsqrt %add3A_603 : vector<1x1x1xf32>
    %mul3A_605 = arith.mulf %slice3A_599, %rsqrt3A_604 : vector<1x1x1xf32>
    %sub3A_606 = vector.broadcast %div3A_593 : vector<1x1x1xf32> to vector<8x32x128xf32>
    %sub3A_607 = arith.subf %get3A_571, %sub3A_606 : vector<8x32x128xf32>
    %mul3A_608 = vector.broadcast %mul3A_605 : vector<1x1x1xf32> to vector<8x32x128xf32>
    %mul3A_609 = arith.mulf %sub3A_607, %mul3A_608 : vector<8x32x128xf32>
    %add3A_610 = vector.broadcast %slice3A_600 : vector<1x1x1xf32> to vector<8x32x128xf32>
    %add3A_611 = arith.addf %mul3A_609, %add3A_610 : vector<8x32x128xf32>
    %max3A_612 = arith.constant 0.000000e+00 : f32
    %max3A_613 = vector.broadcast %max3A_612 : f32 to vector<8x32x128xf32>
    %max3A_614 = arith.maximumf %add3A_611, %max3A_613 : vector<8x32x128xf32>
    %reduce_max3A_615 = arith.constant dense<0xFF800000> : vector<8x128xf32>
    %reduce_max3A_616 = vector.multi_reduction <maximumf>, %max3A_614, %reduce_max3A_615 [1] : vector<8x32x128xf32> to vector<8x128xf32>
    %swap3A_617 = arith.constant 0 : index
    %swap3A_618 = arith.constant 2 : index
    %swap3A_619 = arith.constant 0 : index
    %swap3A_620 = vector.load %arg10[%swap3A_617, %swap3A_618, %swap3A_619] : memref<8x8x128xf32, #tpu.memory_space<vmem>>, vector<8x1x128xf32>
    %swap3A_621 = vector.shape_cast %swap3A_620 : vector<8x1x128xf32> to vector<8x128xf32>
    %swap3A_622 = vector.shape_cast %reduce_max3A_616 : vector<8x128xf32> to vector<8x1x128xf32>
    tpu.vector_store %arg10[%swap3A_617, %swap3A_618, %swap3A_619], %swap3A_622 {strides = array<i32>} : memref<8x8x128xf32, #tpu.memory_space<vmem>>, vector<8x1x128xf32>,
    %get3A_623 = arith.constant 0 : index
    %get3A_624 = arith.constant 96 : index
    %get3A_625 = arith.constant 0 : index
    %get3A_626 = vector.load %arg11[%get3A_623, %get3A_624, %get3A_625] : memref<8x256x128xf32, #tpu.memory_space<vmem>>, vector<8x32x128xf32>
    %reduce_sum3A_627 = arith.constant dense<0.000000e+00> : vector<8x32xf32>
    %reduce_sum3A_628 = vector.multi_reduction <add>, %get3A_626, %reduce_sum3A_627 [2] : vector<8x32x128xf32> to vector<8x32xf32>
    %broadcast_in_dim3A_629 = vector.shape_cast %reduce_sum3A_628 : vector<8x32xf32> to vector<8x32x1xf32>
    %reduce_sum3A_630 = arith.constant dense<0.000000e+00> : vector<8x1xf32>
    %reduce_sum3A_631 = vector.multi_reduction <add>, %broadcast_in_dim3A_629, %reduce_sum3A_630 [1] : vector<8x32x1xf32> to vector<8x1xf32>
    %broadcast_in_dim3A_632 = vector.shape_cast %reduce_sum3A_631 : vector<8x1xf32> to vector<8x1x1xf32>
    %reduce_sum3A_633 = arith.constant dense<0.000000e+00> : vector<1x1xf32>
    %reduce_sum3A_634 = vector.multi_reduction <add>, %broadcast_in_dim3A_632, %reduce_sum3A_633 [0] : vector<8x1x1xf32> to vector<1x1xf32>
    %broadcast_in_dim3A_635 = vector.shape_cast %reduce_sum3A_634 : vector<1x1xf32> to vector<1x1x1xf32>
    %mul3A_636 = arith.mulf %get3A_626, %get3A_626 : vector<8x32x128xf32>
    %reduce_sum3A_637 = arith.constant dense<0.000000e+00> : vector<8x32xf32>
    %reduce_sum3A_638 = vector.multi_reduction <add>, %mul3A_636, %reduce_sum3A_637 [2] : vector<8x32x128xf32> to vector<8x32xf32>
    %broadcast_in_dim3A_639 = vector.shape_cast %reduce_sum3A_638 : vector<8x32xf32> to vector<8x32x1xf32>
    %reduce_sum3A_640 = arith.constant dense<0.000000e+00> : vector<8x1xf32>
    %reduce_sum3A_641 = vector.multi_reduction <add>, %broadcast_in_dim3A_639, %reduce_sum3A_640 [1] : vector<8x32x1xf32> to vector<8x1xf32>
    %broadcast_in_dim3A_642 = vector.shape_cast %reduce_sum3A_641 : vector<8x1xf32> to vector<8x1x1xf32>
    %reduce_sum3A_643 = arith.constant dense<0.000000e+00> : vector<1x1xf32>
    %reduce_sum3A_644 = vector.multi_reduction <add>, %broadcast_in_dim3A_642, %reduce_sum3A_643 [0] : vector<8x1x1xf32> to vector<1x1xf32>
    %broadcast_in_dim3A_645 = vector.shape_cast %reduce_sum3A_644 : vector<1x1xf32> to vector<1x1x1xf32>
    %div3A_646 = arith.constant 3.276800e+04 : f32
    %div3A_647 = vector.broadcast %div3A_646 : f32 to vector<1x1x1xf32>
    %div3A_648 = arith.divf %broadcast_in_dim3A_635, %div3A_647 : vector<1x1x1xf32>
    %div3A_649 = arith.constant 3.276800e+04 : f32
    %div3A_650 = vector.broadcast %div3A_649 : f32 to vector<1x1x1xf32>
    %div3A_651 = arith.divf %broadcast_in_dim3A_645, %div3A_650 : vector<1x1x1xf32>
    %mul3A_652 = arith.mulf %div3A_648, %div3A_648 : vector<1x1x1xf32>
    %sub3A_653 = arith.subf %div3A_651, %mul3A_652 : vector<1x1x1xf32>
    %slice3A_654 = vector.extract_strided_slice %get3A_32 {offsets = [0, 0, 3], sizes = [1, 1, 1], strides = [1, 1, 1]} : vector<1x1x8xf32> to vector<1x1x1xf32>
    %slice3A_655 = vector.extract_strided_slice %get3A_36 {offsets = [0, 0, 3], sizes = [1, 1, 1], strides = [1, 1, 1]} : vector<1x1x8xf32> to vector<1x1x1xf32>
    %add3A_656 = arith.constant 9.99999974E-6 : f32
    %add3A_657 = vector.broadcast %add3A_656 : f32 to vector<1x1x1xf32>
    %add3A_658 = arith.addf %sub3A_653, %add3A_657 : vector<1x1x1xf32>
    %rsqrt3A_659 = math.rsqrt %add3A_658 : vector<1x1x1xf32>
    %mul3A_660 = arith.mulf %slice3A_654, %rsqrt3A_659 : vector<1x1x1xf32>
    %sub3A_661 = vector.broadcast %div3A_648 : vector<1x1x1xf32> to vector<8x32x128xf32>
    %sub3A_662 = arith.subf %get3A_626, %sub3A_661 : vector<8x32x128xf32>
    %mul3A_663 = vector.broadcast %mul3A_660 : vector<1x1x1xf32> to vector<8x32x128xf32>
    %mul3A_664 = arith.mulf %sub3A_662, %mul3A_663 : vector<8x32x128xf32>
    %add3A_665 = vector.broadcast %slice3A_655 : vector<1x1x1xf32> to vector<8x32x128xf32>
    %add3A_666 = arith.addf %mul3A_664, %add3A_665 : vector<8x32x128xf32>
    %max3A_667 = arith.constant 0.000000e+00 : f32
    %max3A_668 = vector.broadcast %max3A_667 : f32 to vector<8x32x128xf32>
    %max3A_669 = arith.maximumf %add3A_666, %max3A_668 : vector<8x32x128xf32>
    %reduce_max3A_670 = arith.constant dense<0xFF800000> : vector<8x128xf32>
    %reduce_max3A_671 = vector.multi_reduction <maximumf>, %max3A_669, %reduce_max3A_670 [1] : vector<8x32x128xf32> to vector<8x128xf32>
    %swap3A_672 = arith.constant 0 : index
    %swap3A_673 = arith.constant 3 : index
    %swap3A_674 = arith.constant 0 : index
    %swap3A_675 = vector.load %arg10[%swap3A_672, %swap3A_673, %swap3A_674] : memref<8x8x128xf32, #tpu.memory_space<vmem>>, vector<8x1x128xf32>
    %swap3A_676 = vector.shape_cast %swap3A_675 : vector<8x1x128xf32> to vector<8x128xf32>
    %swap3A_677 = vector.shape_cast %reduce_max3A_671 : vector<8x128xf32> to vector<8x1x128xf32>
    tpu.vector_store %arg10[%swap3A_672, %swap3A_673, %swap3A_674], %swap3A_677 {strides = array<i32>} : memref<8x8x128xf32, #tpu.memory_space<vmem>>, vector<8x1x128xf32>,
    %get3A_678 = arith.constant 0 : index
    %get3A_679 = arith.constant 128 : index
    %get3A_680 = arith.constant 0 : index
    %get3A_681 = vector.load %arg11[%get3A_678, %get3A_679, %get3A_680] : memref<8x256x128xf32, #tpu.memory_space<vmem>>, vector<8x32x128xf32>
    %reduce_sum3A_682 = arith.constant dense<0.000000e+00> : vector<8x32xf32>
    %reduce_sum3A_683 = vector.multi_reduction <add>, %get3A_681, %reduce_sum3A_682 [2] : vector<8x32x128xf32> to vector<8x32xf32>
    %broadcast_in_dim3A_684 = vector.shape_cast %reduce_sum3A_683 : vector<8x32xf32> to vector<8x32x1xf32>
    %reduce_sum3A_685 = arith.constant dense<0.000000e+00> : vector<8x1xf32>
    %reduce_sum3A_686 = vector.multi_reduction <add>, %broadcast_in_dim3A_684, %reduce_sum3A_685 [1] : vector<8x32x1xf32> to vector<8x1xf32>
    %broadcast_in_dim3A_687 = vector.shape_cast %reduce_sum3A_686 : vector<8x1xf32> to vector<8x1x1xf32>
    %reduce_sum3A_688 = arith.constant dense<0.000000e+00> : vector<1x1xf32>
    %reduce_sum3A_689 = vector.multi_reduction <add>, %broadcast_in_dim3A_687, %reduce_sum3A_688 [0] : vector<8x1x1xf32> to vector<1x1xf32>
    %broadcast_in_dim3A_690 = vector.shape_cast %reduce_sum3A_689 : vector<1x1xf32> to vector<1x1x1xf32>
    %mul3A_691 = arith.mulf %get3A_681, %get3A_681 : vector<8x32x128xf32>
    %reduce_sum3A_692 = arith.constant dense<0.000000e+00> : vector<8x32xf32>
    %reduce_sum3A_693 = vector.multi_reduction <add>, %mul3A_691, %reduce_sum3A_692 [2] : vector<8x32x128xf32> to vector<8x32xf32>
    %broadcast_in_dim3A_694 = vector.shape_cast %reduce_sum3A_693 : vector<8x32xf32> to vector<8x32x1xf32>
    %reduce_sum3A_695 = arith.constant dense<0.000000e+00> : vector<8x1xf32>
    %reduce_sum3A_696 = vector.multi_reduction <add>, %broadcast_in_dim3A_694, %reduce_sum3A_695 [1] : vector<8x32x1xf32> to vector<8x1xf32>
    %broadcast_in_dim3A_697 = vector.shape_cast %reduce_sum3A_696 : vector<8x1xf32> to vector<8x1x1xf32>
    %reduce_sum3A_698 = arith.constant dense<0.000000e+00> : vector<1x1xf32>
    %reduce_sum3A_699 = vector.multi_reduction <add>, %broadcast_in_dim3A_697, %reduce_sum3A_698 [0] : vector<8x1x1xf32> to vector<1x1xf32>
    %broadcast_in_dim3A_700 = vector.shape_cast %reduce_sum3A_699 : vector<1x1xf32> to vector<1x1x1xf32>
    %div3A_701 = arith.constant 3.276800e+04 : f32
    %div3A_702 = vector.broadcast %div3A_701 : f32 to vector<1x1x1xf32>
    %div3A_703 = arith.divf %broadcast_in_dim3A_690, %div3A_702 : vector<1x1x1xf32>
    %div3A_704 = arith.constant 3.276800e+04 : f32
    %div3A_705 = vector.broadcast %div3A_704 : f32 to vector<1x1x1xf32>
    %div3A_706 = arith.divf %broadcast_in_dim3A_700, %div3A_705 : vector<1x1x1xf32>
    %mul3A_707 = arith.mulf %div3A_703, %div3A_703 : vector<1x1x1xf32>
    %sub3A_708 = arith.subf %div3A_706, %mul3A_707 : vector<1x1x1xf32>
    %slice3A_709 = vector.extract_strided_slice %get3A_32 {offsets = [0, 0, 4], sizes = [1, 1, 1], strides = [1, 1, 1]} : vector<1x1x8xf32> to vector<1x1x1xf32>
    %slice3A_710 = vector.extract_strided_slice %get3A_36 {offsets = [0, 0, 4], sizes = [1, 1, 1], strides = [1, 1, 1]} : vector<1x1x8xf32> to vector<1x1x1xf32>
    %add3A_711 = arith.constant 9.99999974E-6 : f32
    %add3A_712 = vector.broadcast %add3A_711 : f32 to vector<1x1x1xf32>
    %add3A_713 = arith.addf %sub3A_708, %add3A_712 : vector<1x1x1xf32>
    %rsqrt3A_714 = math.rsqrt %add3A_713 : vector<1x1x1xf32>
    %mul3A_715 = arith.mulf %slice3A_709, %rsqrt3A_714 : vector<1x1x1xf32>
    %sub3A_716 = vector.broadcast %div3A_703 : vector<1x1x1xf32> to vector<8x32x128xf32>
    %sub3A_717 = arith.subf %get3A_681, %sub3A_716 : vector<8x32x128xf32>
    %mul3A_718 = vector.broadcast %mul3A_715 : vector<1x1x1xf32> to vector<8x32x128xf32>
    %mul3A_719 = arith.mulf %sub3A_717, %mul3A_718 : vector<8x32x128xf32>
    %add3A_720 = vector.broadcast %slice3A_710 : vector<1x1x1xf32> to vector<8x32x128xf32>
    %add3A_721 = arith.addf %mul3A_719, %add3A_720 : vector<8x32x128xf32>
    %max3A_722 = arith.constant 0.000000e+00 : f32
    %max3A_723 = vector.broadcast %max3A_722 : f32 to vector<8x32x128xf32>
    %max3A_724 = arith.maximumf %add3A_721, %max3A_723 : vector<8x32x128xf32>
    %reduce_max3A_725 = arith.constant dense<0xFF800000> : vector<8x128xf32>
    %reduce_max3A_726 = vector.multi_reduction <maximumf>, %max3A_724, %reduce_max3A_725 [1] : vector<8x32x128xf32> to vector<8x128xf32>
    %swap3A_727 = arith.constant 0 : index
    %swap3A_728 = arith.constant 4 : index
    %swap3A_729 = arith.constant 0 : index
    %swap3A_730 = vector.load %arg10[%swap3A_727, %swap3A_728, %swap3A_729] : memref<8x8x128xf32, #tpu.memory_space<vmem>>, vector<8x1x128xf32>
    %swap3A_731 = vector.shape_cast %swap3A_730 : vector<8x1x128xf32> to vector<8x128xf32>
    %swap3A_732 = vector.shape_cast %reduce_max3A_726 : vector<8x128xf32> to vector<8x1x128xf32>
    tpu.vector_store %arg10[%swap3A_727, %swap3A_728, %swap3A_729], %swap3A_732 {strides = array<i32>} : memref<8x8x128xf32, #tpu.memory_space<vmem>>, vector<8x1x128xf32>,
    %get3A_733 = arith.constant 0 : index
    %get3A_734 = arith.constant 160 : index
    %get3A_735 = arith.constant 0 : index
    %get3A_736 = vector.load %arg11[%get3A_733, %get3A_734, %get3A_735] : memref<8x256x128xf32, #tpu.memory_space<vmem>>, vector<8x32x128xf32>
    %reduce_sum3A_737 = arith.constant dense<0.000000e+00> : vector<8x32xf32>
    %reduce_sum3A_738 = vector.multi_reduction <add>, %get3A_736, %reduce_sum3A_737 [2] : vector<8x32x128xf32> to vector<8x32xf32>
    %broadcast_in_dim3A_739 = vector.shape_cast %reduce_sum3A_738 : vector<8x32xf32> to vector<8x32x1xf32>
    %reduce_sum3A_740 = arith.constant dense<0.000000e+00> : vector<8x1xf32>
    %reduce_sum3A_741 = vector.multi_reduction <add>, %broadcast_in_dim3A_739, %reduce_sum3A_740 [1] : vector<8x32x1xf32> to vector<8x1xf32>
    %broadcast_in_dim3A_742 = vector.shape_cast %reduce_sum3A_741 : vector<8x1xf32> to vector<8x1x1xf32>
    %reduce_sum3A_743 = arith.constant dense<0.000000e+00> : vector<1x1xf32>
    %reduce_sum3A_744 = vector.multi_reduction <add>, %broadcast_in_dim3A_742, %reduce_sum3A_743 [0] : vector<8x1x1xf32> to vector<1x1xf32>
    %broadcast_in_dim3A_745 = vector.shape_cast %reduce_sum3A_744 : vector<1x1xf32> to vector<1x1x1xf32>
    %mul3A_746 = arith.mulf %get3A_736, %get3A_736 : vector<8x32x128xf32>
    %reduce_sum3A_747 = arith.constant dense<0.000000e+00> : vector<8x32xf32>
    %reduce_sum3A_748 = vector.multi_reduction <add>, %mul3A_746, %reduce_sum3A_747 [2] : vector<8x32x128xf32> to vector<8x32xf32>
    %broadcast_in_dim3A_749 = vector.shape_cast %reduce_sum3A_748 : vector<8x32xf32> to vector<8x32x1xf32>
    %reduce_sum3A_750 = arith.constant dense<0.000000e+00> : vector<8x1xf32>
    %reduce_sum3A_751 = vector.multi_reduction <add>, %broadcast_in_dim3A_749, %reduce_sum3A_750 [1] : vector<8x32x1xf32> to vector<8x1xf32>
    %broadcast_in_dim3A_752 = vector.shape_cast %reduce_sum3A_751 : vector<8x1xf32> to vector<8x1x1xf32>
    %reduce_sum3A_753 = arith.constant dense<0.000000e+00> : vector<1x1xf32>
    %reduce_sum3A_754 = vector.multi_reduction <add>, %broadcast_in_dim3A_752, %reduce_sum3A_753 [0] : vector<8x1x1xf32> to vector<1x1xf32>
    %broadcast_in_dim3A_755 = vector.shape_cast %reduce_sum3A_754 : vector<1x1xf32> to vector<1x1x1xf32>
    %div3A_756 = arith.constant 3.276800e+04 : f32
    %div3A_757 = vector.broadcast %div3A_756 : f32 to vector<1x1x1xf32>
    %div3A_758 = arith.divf %broadcast_in_dim3A_745, %div3A_757 : vector<1x1x1xf32>
    %div3A_759 = arith.constant 3.276800e+04 : f32
    %div3A_760 = vector.broadcast %div3A_759 : f32 to vector<1x1x1xf32>
    %div3A_761 = arith.divf %broadcast_in_dim3A_755, %div3A_760 : vector<1x1x1xf32>
    %mul3A_762 = arith.mulf %div3A_758, %div3A_758 : vector<1x1x1xf32>
    %sub3A_763 = arith.subf %div3A_761, %mul3A_762 : vector<1x1x1xf32>
    %slice3A_764 = vector.extract_strided_slice %get3A_32 {offsets = [0, 0, 5], sizes = [1, 1, 1], strides = [1, 1, 1]} : vector<1x1x8xf32> to vector<1x1x1xf32>
    %slice3A_765 = vector.extract_strided_slice %get3A_36 {offsets = [0, 0, 5], sizes = [1, 1, 1], strides = [1, 1, 1]} : vector<1x1x8xf32> to vector<1x1x1xf32>
    %add3A_766 = arith.constant 9.99999974E-6 : f32
    %add3A_767 = vector.broadcast %add3A_766 : f32 to vector<1x1x1xf32>
    %add3A_768 = arith.addf %sub3A_763, %add3A_767 : vector<1x1x1xf32>
    %rsqrt3A_769 = math.rsqrt %add3A_768 : vector<1x1x1xf32>
    %mul3A_770 = arith.mulf %slice3A_764, %rsqrt3A_769 : vector<1x1x1xf32>
    %sub3A_771 = vector.broadcast %div3A_758 : vector<1x1x1xf32> to vector<8x32x128xf32>
    %sub3A_772 = arith.subf %get3A_736, %sub3A_771 : vector<8x32x128xf32>
    %mul3A_773 = vector.broadcast %mul3A_770 : vector<1x1x1xf32> to vector<8x32x128xf32>
    %mul3A_774 = arith.mulf %sub3A_772, %mul3A_773 : vector<8x32x128xf32>
    %add3A_775 = vector.broadcast %slice3A_765 : vector<1x1x1xf32> to vector<8x32x128xf32>
    %add3A_776 = arith.addf %mul3A_774, %add3A_775 : vector<8x32x128xf32>
    %max3A_777 = arith.constant 0.000000e+00 : f32
    %max3A_778 = vector.broadcast %max3A_777 : f32 to vector<8x32x128xf32>
    %max3A_779 = arith.maximumf %add3A_776, %max3A_778 : vector<8x32x128xf32>
    %reduce_max3A_780 = arith.constant dense<0xFF800000> : vector<8x128xf32>
    %reduce_max3A_781 = vector.multi_reduction <maximumf>, %max3A_779, %reduce_max3A_780 [1] : vector<8x32x128xf32> to vector<8x128xf32>
    %swap3A_782 = arith.constant 0 : index
    %swap3A_783 = arith.constant 5 : index
    %swap3A_784 = arith.constant 0 : index
    %swap3A_785 = vector.load %arg10[%swap3A_782, %swap3A_783, %swap3A_784] : memref<8x8x128xf32, #tpu.memory_space<vmem>>, vector<8x1x128xf32>
    %swap3A_786 = vector.shape_cast %swap3A_785 : vector<8x1x128xf32> to vector<8x128xf32>
    %swap3A_787 = vector.shape_cast %reduce_max3A_781 : vector<8x128xf32> to vector<8x1x128xf32>
    tpu.vector_store %arg10[%swap3A_782, %swap3A_783, %swap3A_784], %swap3A_787 {strides = array<i32>} : memref<8x8x128xf32, #tpu.memory_space<vmem>>, vector<8x1x128xf32>,
    %get3A_788 = arith.constant 0 : index
    %get3A_789 = arith.constant 192 : index
    %get3A_790 = arith.constant 0 : index
    %get3A_791 = vector.load %arg11[%get3A_788, %get3A_789, %get3A_790] : memref<8x256x128xf32, #tpu.memory_space<vmem>>, vector<8x32x128xf32>
    %reduce_sum3A_792 = arith.constant dense<0.000000e+00> : vector<8x32xf32>
    %reduce_sum3A_793 = vector.multi_reduction <add>, %get3A_791, %reduce_sum3A_792 [2] : vector<8x32x128xf32> to vector<8x32xf32>
    %broadcast_in_dim3A_794 = vector.shape_cast %reduce_sum3A_793 : vector<8x32xf32> to vector<8x32x1xf32>
    %reduce_sum3A_795 = arith.constant dense<0.000000e+00> : vector<8x1xf32>
    %reduce_sum3A_796 = vector.multi_reduction <add>, %broadcast_in_dim3A_794, %reduce_sum3A_795 [1] : vector<8x32x1xf32> to vector<8x1xf32>
    %broadcast_in_dim3A_797 = vector.shape_cast %reduce_sum3A_796 : vector<8x1xf32> to vector<8x1x1xf32>
    %reduce_sum3A_798 = arith.constant dense<0.000000e+00> : vector<1x1xf32>
    %reduce_sum3A_799 = vector.multi_reduction <add>, %broadcast_in_dim3A_797, %reduce_sum3A_798 [0] : vector<8x1x1xf32> to vector<1x1xf32>
    %broadcast_in_dim3A_800 = vector.shape_cast %reduce_sum3A_799 : vector<1x1xf32> to vector<1x1x1xf32>
    %mul3A_801 = arith.mulf %get3A_791, %get3A_791 : vector<8x32x128xf32>
    %reduce_sum3A_802 = arith.constant dense<0.000000e+00> : vector<8x32xf32>
    %reduce_sum3A_803 = vector.multi_reduction <add>, %mul3A_801, %reduce_sum3A_802 [2] : vector<8x32x128xf32> to vector<8x32xf32>
    %broadcast_in_dim3A_804 = vector.shape_cast %reduce_sum3A_803 : vector<8x32xf32> to vector<8x32x1xf32>
    %reduce_sum3A_805 = arith.constant dense<0.000000e+00> : vector<8x1xf32>
    %reduce_sum3A_806 = vector.multi_reduction <add>, %broadcast_in_dim3A_804, %reduce_sum3A_805 [1] : vector<8x32x1xf32> to vector<8x1xf32>
    %broadcast_in_dim3A_807 = vector.shape_cast %reduce_sum3A_806 : vector<8x1xf32> to vector<8x1x1xf32>
    %reduce_sum3A_808 = arith.constant dense<0.000000e+00> : vector<1x1xf32>
    %reduce_sum3A_809 = vector.multi_reduction <add>, %broadcast_in_dim3A_807, %reduce_sum3A_808 [0] : vector<8x1x1xf32> to vector<1x1xf32>
    %broadcast_in_dim3A_810 = vector.shape_cast %reduce_sum3A_809 : vector<1x1xf32> to vector<1x1x1xf32>
    %div3A_811 = arith.constant 3.276800e+04 : f32
    %div3A_812 = vector.broadcast %div3A_811 : f32 to vector<1x1x1xf32>
    %div3A_813 = arith.divf %broadcast_in_dim3A_800, %div3A_812 : vector<1x1x1xf32>
    %div3A_814 = arith.constant 3.276800e+04 : f32
    %div3A_815 = vector.broadcast %div3A_814 : f32 to vector<1x1x1xf32>
    %div3A_816 = arith.divf %broadcast_in_dim3A_810, %div3A_815 : vector<1x1x1xf32>
    %mul3A_817 = arith.mulf %div3A_813, %div3A_813 : vector<1x1x1xf32>
    %sub3A_818 = arith.subf %div3A_816, %mul3A_817 : vector<1x1x1xf32>
    %slice3A_819 = vector.extract_strided_slice %get3A_32 {offsets = [0, 0, 6], sizes = [1, 1, 1], strides = [1, 1, 1]} : vector<1x1x8xf32> to vector<1x1x1xf32>
    %slice3A_820 = vector.extract_strided_slice %get3A_36 {offsets = [0, 0, 6], sizes = [1, 1, 1], strides = [1, 1, 1]} : vector<1x1x8xf32> to vector<1x1x1xf32>
    %add3A_821 = arith.constant 9.99999974E-6 : f32
    %add3A_822 = vector.broadcast %add3A_821 : f32 to vector<1x1x1xf32>
    %add3A_823 = arith.addf %sub3A_818, %add3A_822 : vector<1x1x1xf32>
    %rsqrt3A_824 = math.rsqrt %add3A_823 : vector<1x1x1xf32>
    %mul3A_825 = arith.mulf %slice3A_819, %rsqrt3A_824 : vector<1x1x1xf32>
    %sub3A_826 = vector.broadcast %div3A_813 : vector<1x1x1xf32> to vector<8x32x128xf32>
    %sub3A_827 = arith.subf %get3A_791, %sub3A_826 : vector<8x32x128xf32>
    %mul3A_828 = vector.broadcast %mul3A_825 : vector<1x1x1xf32> to vector<8x32x128xf32>
    %mul3A_829 = arith.mulf %sub3A_827, %mul3A_828 : vector<8x32x128xf32>
    %add3A_830 = vector.broadcast %slice3A_820 : vector<1x1x1xf32> to vector<8x32x128xf32>
    %add3A_831 = arith.addf %mul3A_829, %add3A_830 : vector<8x32x128xf32>
    %max3A_832 = arith.constant 0.000000e+00 : f32
    %max3A_833 = vector.broadcast %max3A_832 : f32 to vector<8x32x128xf32>
    %max3A_834 = arith.maximumf %add3A_831, %max3A_833 : vector<8x32x128xf32>
    %reduce_max3A_835 = arith.constant dense<0xFF800000> : vector<8x128xf32>
    %reduce_max3A_836 = vector.multi_reduction <maximumf>, %max3A_834, %reduce_max3A_835 [1] : vector<8x32x128xf32> to vector<8x128xf32>
    %swap3A_837 = arith.constant 0 : index
    %swap3A_838 = arith.constant 6 : index
    %swap3A_839 = arith.constant 0 : index
    %swap3A_840 = vector.load %arg10[%swap3A_837, %swap3A_838, %swap3A_839] : memref<8x8x128xf32, #tpu.memory_space<vmem>>, vector<8x1x128xf32>
    %swap3A_841 = vector.shape_cast %swap3A_840 : vector<8x1x128xf32> to vector<8x128xf32>
    %swap3A_842 = vector.shape_cast %reduce_max3A_836 : vector<8x128xf32> to vector<8x1x128xf32>
    tpu.vector_store %arg10[%swap3A_837, %swap3A_838, %swap3A_839], %swap3A_842 {strides = array<i32>} : memref<8x8x128xf32, #tpu.memory_space<vmem>>, vector<8x1x128xf32>,
    %get3A_843 = arith.constant 0 : index
    %get3A_844 = arith.constant 224 : index
    %get3A_845 = arith.constant 0 : index
    %get3A_846 = vector.load %arg11[%get3A_843, %get3A_844, %get3A_845] : memref<8x256x128xf32, #tpu.memory_space<vmem>>, vector<8x32x128xf32>
    %reduce_sum3A_847 = arith.constant dense<0.000000e+00> : vector<8x32xf32>
    %reduce_sum3A_848 = vector.multi_reduction <add>, %get3A_846, %reduce_sum3A_847 [2] : vector<8x32x128xf32> to vector<8x32xf32>
    %broadcast_in_dim3A_849 = vector.shape_cast %reduce_sum3A_848 : vector<8x32xf32> to vector<8x32x1xf32>
    %reduce_sum3A_850 = arith.constant dense<0.000000e+00> : vector<8x1xf32>
    %reduce_sum3A_851 = vector.multi_reduction <add>, %broadcast_in_dim3A_849, %reduce_sum3A_850 [1] : vector<8x32x1xf32> to vector<8x1xf32>
    %broadcast_in_dim3A_852 = vector.shape_cast %reduce_sum3A_851 : vector<8x1xf32> to vector<8x1x1xf32>
    %reduce_sum3A_853 = arith.constant dense<0.000000e+00> : vector<1x1xf32>
    %reduce_sum3A_854 = vector.multi_reduction <add>, %broadcast_in_dim3A_852, %reduce_sum3A_853 [0] : vector<8x1x1xf32> to vector<1x1xf32>
    %broadcast_in_dim3A_855 = vector.shape_cast %reduce_sum3A_854 : vector<1x1xf32> to vector<1x1x1xf32>
    %mul3A_856 = arith.mulf %get3A_846, %get3A_846 : vector<8x32x128xf32>
    %reduce_sum3A_857 = arith.constant dense<0.000000e+00> : vector<8x32xf32>
    %reduce_sum3A_858 = vector.multi_reduction <add>, %mul3A_856, %reduce_sum3A_857 [2] : vector<8x32x128xf32> to vector<8x32xf32>
    %broadcast_in_dim3A_859 = vector.shape_cast %reduce_sum3A_858 : vector<8x32xf32> to vector<8x32x1xf32>
    %reduce_sum3A_860 = arith.constant dense<0.000000e+00> : vector<8x1xf32>
    %reduce_sum3A_861 = vector.multi_reduction <add>, %broadcast_in_dim3A_859, %reduce_sum3A_860 [1] : vector<8x32x1xf32> to vector<8x1xf32>
    %broadcast_in_dim3A_862 = vector.shape_cast %reduce_sum3A_861 : vector<8x1xf32> to vector<8x1x1xf32>
    %reduce_sum3A_863 = arith.constant dense<0.000000e+00> : vector<1x1xf32>
    %reduce_sum3A_864 = vector.multi_reduction <add>, %broadcast_in_dim3A_862, %reduce_sum3A_863 [0] : vector<8x1x1xf32> to vector<1x1xf32>
    %broadcast_in_dim3A_865 = vector.shape_cast %reduce_sum3A_864 : vector<1x1xf32> to vector<1x1x1xf32>
    %div3A_866 = arith.constant 3.276800e+04 : f32
    %div3A_867 = vector.broadcast %div3A_866 : f32 to vector<1x1x1xf32>
    %div3A_868 = arith.divf %broadcast_in_dim3A_855, %div3A_867 : vector<1x1x1xf32>
    %div3A_869 = arith.constant 3.276800e+04 : f32
    %div3A_870 = vector.broadcast %div3A_869 : f32 to vector<1x1x1xf32>
    %div3A_871 = arith.divf %broadcast_in_dim3A_865, %div3A_870 : vector<1x1x1xf32>
    %mul3A_872 = arith.mulf %div3A_868, %div3A_868 : vector<1x1x1xf32>
    %sub3A_873 = arith.subf %div3A_871, %mul3A_872 : vector<1x1x1xf32>
    %slice3A_874 = vector.extract_strided_slice %get3A_32 {offsets = [0, 0, 7], sizes = [1, 1, 1], strides = [1, 1, 1]} : vector<1x1x8xf32> to vector<1x1x1xf32>
    %slice3A_875 = vector.extract_strided_slice %get3A_36 {offsets = [0, 0, 7], sizes = [1, 1, 1], strides = [1, 1, 1]} : vector<1x1x8xf32> to vector<1x1x1xf32>
    %add3A_876 = arith.constant 9.99999974E-6 : f32
    %add3A_877 = vector.broadcast %add3A_876 : f32 to vector<1x1x1xf32>
    %add3A_878 = arith.addf %sub3A_873, %add3A_877 : vector<1x1x1xf32>
    %rsqrt3A_879 = math.rsqrt %add3A_878 : vector<1x1x1xf32>
    %mul3A_880 = arith.mulf %slice3A_874, %rsqrt3A_879 : vector<1x1x1xf32>
    %sub3A_881 = vector.broadcast %div3A_868 : vector<1x1x1xf32> to vector<8x32x128xf32>
    %sub3A_882 = arith.subf %get3A_846, %sub3A_881 : vector<8x32x128xf32>
    %mul3A_883 = vector.broadcast %mul3A_880 : vector<1x1x1xf32> to vector<8x32x128xf32>
    %mul3A_884 = arith.mulf %sub3A_882, %mul3A_883 : vector<8x32x128xf32>
    %add3A_885 = vector.broadcast %slice3A_875 : vector<1x1x1xf32> to vector<8x32x128xf32>
    %add3A_886 = arith.addf %mul3A_884, %add3A_885 : vector<8x32x128xf32>
    %max3A_887 = arith.constant 0.000000e+00 : f32
    %max3A_888 = vector.broadcast %max3A_887 : f32 to vector<8x32x128xf32>
    %max3A_889 = arith.maximumf %add3A_886, %max3A_888 : vector<8x32x128xf32>
    %reduce_max3A_890 = arith.constant dense<0xFF800000> : vector<8x128xf32>
    %reduce_max3A_891 = vector.multi_reduction <maximumf>, %max3A_889, %reduce_max3A_890 [1] : vector<8x32x128xf32> to vector<8x128xf32>
    %swap3A_892 = arith.constant 0 : index
    %swap3A_893 = arith.constant 7 : index
    %swap3A_894 = arith.constant 0 : index
    %swap3A_895 = vector.load %arg10[%swap3A_892, %swap3A_893, %swap3A_894] : memref<8x8x128xf32, #tpu.memory_space<vmem>>, vector<8x1x128xf32>
    %swap3A_896 = vector.shape_cast %swap3A_895 : vector<8x1x128xf32> to vector<8x128xf32>
    %swap3A_897 = vector.shape_cast %reduce_max3A_891 : vector<8x128xf32> to vector<8x1x128xf32>
    tpu.vector_store %arg10[%swap3A_892, %swap3A_893, %swap3A_894], %swap3A_897 {strides = array<i32>} : memref<8x8x128xf32, #tpu.memory_space<vmem>>, vector<8x1x128xf32>,
    return
  }
  func.func @transform_0(%arg0: i32) -> (i32, i32, i32) {
    %c0_i32 = arith.constant 0 : i32
    %c0_i32_0 = arith.constant 0 : i32
    %c0_i32_1 = arith.constant 0 : i32
    return %c0_i32, %arg0, %c0_i32_0 : i32, i32, i32
  }
  func.func @transform_1(%arg0: i32) -> (i32, i32, i32) {
    %jit3A = arith.constant 32 : i32
    %eq3A = arith.constant 0 : i32
    %eq3A_0 = arith.cmpi eq, %jit3A, %eq3A : i32
    %jit3A_1 = arith.constant 1 : i32
    %select_n3A = arith.select %eq3A_0, %jit3A_1, %jit3A : i32
    %rem3A = arith.remsi %arg0, %select_n3A : i32
    %ne3A = arith.constant 0 : i32
    %ne3A_2 = arith.cmpi ne, %rem3A, %ne3A : i32
    %lt3A = arith.constant 0 : i32
    %lt3A_3 = arith.cmpi slt, %rem3A, %lt3A : i32
    %lt3A_4 = arith.constant 0 : i32
    %lt3A_5 = arith.cmpi slt, %select_n3A, %lt3A_4 : i32
    %ne3A_6 = arith.xori %lt3A_3, %lt3A_5 : i1
    %and3A = arith.andi %ne3A_6, %ne3A_2 : i1
    %add3A = arith.addi %rem3A, %select_n3A : i32
    %select_n3A_7 = arith.select %and3A, %add3A, %rem3A : i32
    %c0_i32 = arith.constant 0 : i32
    %c0_i32_8 = arith.constant 0 : i32
    %c0_i32_9 = arith.constant 0 : i32
    return %select_n3A_7, %c0_i32, %c0_i32_8 : i32, i32, i32
  }
  func.func @transform_2(%arg0: i32) -> (i32, i32) {
    %c0_i32 = arith.constant 0 : i32
    %c0_i32_0 = arith.constant 0 : i32
    %c0_i32_1 = arith.constant 0 : i32
    return %c0_i32, %c0_i32_0 : i32, i32
  }
  func.func @transform_3(%arg0: i32) -> (i32, i32) {
    %c0_i32 = arith.constant 0 : i32
    %c0_i32_0 = arith.constant 0 : i32
    %c0_i32_1 = arith.constant 0 : i32
    return %c0_i32, %c0_i32_0 : i32, i32
  }
  func.func @transform_4(%arg0: i32) -> (i32, i32) {
    %c0_i32 = arith.constant 0 : i32
    %c0_i32_0 = arith.constant 0 : i32
    %c0_i32_1 = arith.constant 0 : i32
    return %c0_i32, %c0_i32_0 : i32, i32
  }
  func.func @transform_5(%arg0: i32) -> (i32, i32) {
    %c0_i32 = arith.constant 0 : i32
    %c0_i32_0 = arith.constant 0 : i32
    %c0_i32_1 = arith.constant 0 : i32
    return %c0_i32, %c0_i32_0 : i32, i32
  }
  func.func @transform_6(%arg0: i32) -> (i32, i32) {
    %c0_i32 = arith.constant 0 : i32
    %c0_i32_0 = arith.constant 0 : i32
    %c0_i32_1 = arith.constant 0 : i32
    return %c0_i32, %c0_i32_0 : i32, i32
  }
  func.func @transform_7(%arg0: i32) -> (i32, i32, i32) {
    %c0_i32 = arith.constant 0 : i32
    %c0_i32_0 = arith.constant 0 : i32
    %c0_i32_1 = arith.constant 0 : i32
    return %arg0, %c0_i32, %c0_i32_0 : i32, i32, i32
  }
  func.func @transform_8(%arg0: i32) -> (i32, i32, i32) {
    %c0_i32 = arith.constant 0 : i32
    %c0_i32_0 = arith.constant 0 : i32
    %c0_i32_1 = arith.constant 0 : i32
    return %arg0, %c0_i32, %c0_i32_0 : i32, i32, i32
  }
  func.func @transform_9(%arg0: i32) -> (i32, i32, i32) {
    %c0_i32 = arith.constant 0 : i32
    %c0_i32_0 = arith.constant 0 : i32
    %c0_i32_1 = arith.constant 0 : i32
    return %c0_i32, %arg0, %c0_i32_0 : i32, i32, i32
  }
}

</mosaic_0001>

<sc_bundles>
// kernel: kernel.5.cloned.1.call-start
scs
__scs_entry_jumppad:
0x0: {  	(pc) =	sbr.rel $0x88, $3  }
0x1: {  	(tag) =	ssettag $0x0;
	lr =	simm.s32 $0x1  }
0x2: {  	[smem:$0x3F9A] =	sst lr;
	_ =	strace $0xD0000000  }
0x3: {  	_ = 	snop  }
0x4: {  	_ = 	snop  }
0x5: {  	_ = 	snop  }
0x6: {  	_ = 	snop  }
0x7: {  	_ = 	snop  }
__scs_overlays_trampoline_lowered:
0x8: {  	[smem:$0x3FA9] =	sst s0  }
0x9: {  	[smem:$0x3FAA] =	sst s1  }
0xa: {  	[smem:$0x3FAB] =	sst s2  }
0xb: {  	[smem:$0x3FAC] =	sst s3  }
0xc: {  	[smem:$0x3FAD] =	sst s4  }
0xd: {  	[smem:$0x3FAE] =	sst s5  }
0xe: {  	[smem:$0x3FAF] =	sst s6  }
0xf: {  	[smem:$0x3FB0] =	sst s7  }
0x10: {  	[smem:$0x3FB1] =	sst s8  }
0x11: {  	[smem:$0x3FB2] =	sst s9;
	s0 =	simm.s32 @!p0 $0x0  }
0x12: {  	s1 =	sld [smem:$0x3F98];
	s0 =	simm.s32 @p0 $0x1  }
0x13: {  	[smem:$0x3FB3] =	sst s0;
	s0 =	simm.s32 @!p1 $0x0  }
0x14: {  	s2 =	sld [smem:$0x3F97];
	s0 =	simm.s32 @p1 $0x1  }
0x15: {  	[smem:$0x3FB4] =	sst s0;
	s0 =	simm.s32 @!p2 $0x0  }
0x16: {  	s3 =	sld [smem:$0x3FDB];
	s0 =	simm.s32 @p2 $0x1  }
0x17: {  	s4 =	simm.s32 $0x1BF5;
	[smem:$0x3FB6] =	sst s0  }
0x18: {  	s0 =	sld [smem:$0x3F99];
	_ =	swait.ge [sflag:s4], $0x0  }
0x19: {  	s7 =	sld [smem:$0x3F9A]  }
0x1a: {  	s8 =	sadd.s32 $0xFFFFE003, lr  }
0x1b: {  	s9 =	sadd.s32 $0xFFFFFEF7, lr;
	s5 =	simm.s32 $0xFFFFFFFF;
	p2 =	slt.u32 s8, $0xFFFFF086  }
0x1c: {  	p1 =	slt.u32 s9, $0xF7A;
	s5 =	simm.s32 @!p2 $0x0  }
0x1d: {  	s5 =	simm.s32 @p1 $0x1;
	p0 =	seq.s32 s7, s2  }
0x1e: {  	s7 =	smul.u32 @!p0 $0xF7A, s2;
	p2 =	seq.s32 @!p0 s5, $0x0  }
0x1f: {  	s9 =	smul.u32 $0xF7A, s1;
	s8 =	simm.s32 @!p0 $0x1BF5;
	p2 =	por !p2, p0  }
0x20: {  	[sflag:s8] =	ssyncset.s32 @!p0 $0xFFFFF086;
	s6 =	sadd.s32 @!p0 s3, s7;
	s7 =	simm.s32 @!p0 $0x108  }
0x21: {  	s3 =	sadd.s32 s3, s9;
	s6 =	sadd.s32 @!p0 $0x88, s6;
	s7 =	simm.s32 @p2 $0x1082  }
0x22: {  	[simem:s7], [sflag:s8] =	dma.local @!p0 [hbm:s6], $0xF7A  }
0x23: {  	s9 =	sor.u32 $0xD0000000, s2;
	s6 =	simm.s32 $0x108;
	_ =	swait.ge @!p0 [sflag:s8], $0x0  }
0x24: {  	s3 =	sadd.s32 $0x88, s3;
	s6 =	simm.s32 @!p1 $0x1082;
	[sflag:s4] =	ssyncset.s32 $0xFFFFF086  }
0x25: {  	[simem:s6], [sflag:s4] =	dma.local [hbm:s3], $0xF7A  }
0x26: {  	[smem:$0x3F9A] =	sst s1;
	(tag) =	ssettag s2;
	_ =	strace s9  }
0x27: {  	s1 =	sld [smem:$0x3FAA]  }
0x28: {  	s2 =	sld [smem:$0x3FAB]  }
0x29: {  	s4 =	sld [smem:$0x3FAD]  }
0x2a: {  	p0 =	seq.s32 s5, $0x0;
	s5 =	sld [smem:$0x3FAE]  }
0x2b: {  	s6 =	sld [smem:$0x3FAF]  }
0x2c: {  	s7 =	sld [smem:$0x3FB0]  }
0x2d: {  	s3 =	simm.s32 $0x108;
	s8 =	sld [smem:$0x3FB1]  }
0x2e: {  	s3 =	simm.s32 @!p0 $0x1082;
	s9 =	sld [smem:$0x3FB2]  }
0x2f: {  	lr =	sadd.s32 s0, s3;
	s0 =	sld [smem:$0x3FA9]  }
0x30: {  	s3 =	sld [smem:$0x3FAC]  }
0x31: {  	[smem:$0x3FB5] =	sst s10  }
0x32: {  	s10 =	sld [smem:$0x3FB3];
	_ =	sdelay $0x3  }
0x33: {  	p0 =	seq.s32 s10, $0x1;
	s10 =	sld [smem:$0x3FB5];
	_ =	sdelay $0x3  }
0x34: {  	[smem:$0x3FB5] =	sst s10  }
0x35: {  	s10 =	sld [smem:$0x3FB4];
	_ =	sdelay $0x3  }
0x36: {  	p1 =	seq.s32 s10, $0x1;
	s10 =	sld [smem:$0x3FB5];
	_ =	sdelay $0x3  }
0x37: {  	[smem:$0x3FB5] =	sst s10  }
0x38: {  	s10 =	sld [smem:$0x3FB6]  }
0x39: {  	_ = 	snop;
	(pc) =	sbr.ind lr, $3  }
0x3a: {  	_ = 	snop  }
0x3b: {  	_ = 	snop  }
0x3c: {  	p2 =	seq.s32 s10, $0x1;
	s10 =	sld [smem:$0x3FB5]  }
0x3d: {  	_ =	shalt  }
0x3e: {  	_ =	shalt  }
0x3f: {  	_ =	shalt  }
0x40: {  	_ =	shalt  }
0x41: {  	_ =	shalt  }
0x42: {  	_ =	shalt  }
0x43: {  	_ =	shalt  }
0x44: {  	_ =	shalt  }
0x45: {  	_ =	shalt  }
0x46: {  	_ =	shalt  }
0x47: {  	_ =	shalt  }
0x48: {  	_ =	shalt  }
0x49: {  	_ =	shalt  }
0x4a: {  	_ =	shalt  }
0x4b: {  	_ =	shalt  }
0x4c: {  	_ =	shalt  }
0x4d: {  	_ =	shalt  }
0x4e: {  	_ =	shalt  }
0x4f: {  	_ =	shalt  }
0x50: {  	_ =	shalt  }
0x51: {  	_ =	shalt  }
0x52: {  	_ =	shalt  }
0x53: {  	_ =	shalt  }
0x54: {  	_ =	shalt  }
0x55: {  	_ =	shalt  }
0x56: {  	_ =	shalt  }
0x57: {  	_ =	shalt  }
0x58: {  	_ =	shalt  }
0x59: {  	_ =	shalt  }
0x5a: {  	_ =	shalt  }
0x5b: {  	_ =	shalt  }
0x5c: {  	_ =	shalt  }
0x5d: {  	_ =	shalt  }
0x5e: {  	_ =	shalt  }
0x5f: {  	_ =	shalt  }
0x60: {  	_ =	shalt  }
0x61: {  	_ =	shalt  }
0x62: {  	_ =	shalt  }
0x63: {  	_ =	shalt  }
0x64: {  	_ =	shalt  }
0x65: {  	_ =	shalt  }
0x66: {  	_ =	shalt  }
0x67: {  	_ =	shalt  }
0x68: {  	_ =	shalt  }
0x69: {  	_ =	shalt  }
0x6a: {  	_ =	shalt  }
0x6b: {  	_ =	shalt  }
0x6c: {  	_ =	shalt  }
0x6d: {  	_ =	shalt  }
0x6e: {  	_ =	shalt  }
0x6f: {  	_ =	shalt  }
0x70: {  	_ =	shalt  }
0x71: {  	_ =	shalt  }
0x72: {  	_ =	shalt  }
0x73: {  	_ =	shalt  }
0x74: {  	_ =	shalt  }
0x75: {  	_ =	shalt  }
0x76: {  	_ =	shalt  }
0x77: {  	_ =	shalt  }
0x78: {  	_ =	shalt  }
0x79: {  	_ =	shalt  }
0x7a: {  	_ =	shalt  }
0x7b: {  	_ =	shalt  }
0x7c: {  	_ =	shalt  }
0x7d: {  	_ =	shalt  }
0x7e: {  	_ =	shalt  }
0x7f: {  	_ =	shalt  }
0x80: {  	_ =	shalt  }
0x81: {  	_ =	shalt  }
0x82: {  	_ =	shalt  }
0x83: {  	_ =	shalt  }
0x84: {  	_ =	shalt  }
0x85: {  	_ =	shalt  }
0x86: {  	_ =	shalt  }
0x87: {  	_ =	shalt  }
.Lfunc_end0:
.L_simem_size_0:
called_computation_lowered:
.L_overlay_start_0:
0x88: {  	s2 =	sld [smem:$0x3FD9]  }
0x89: {  	s3 =	sld [smem:$0x3FFE];
	_ =	sdelay $0x1  }
0x8a: {  	s1 =	srdreg.scid  }
0x8b: {  	s0 =	sand.u32 $0x1, s1  }
0x8c: {  	s17 =	sshll.u32 s0, $0xA;
	s2 =	sadd.s32 s3, s2  }
0x8d: {  	s2 =	sadd.s32 s2, s17  }
0x8e: {  	[smem:$0x3FC1] =	sst s2  }
0x8f: {  	_ = 	snop  }
0x90: {  	s2 =	sld [smem:$0x3FD0];
	(tm) =	ssettm $0x1  }
0x91: {  	s18 =	sld [smem:$0x3FFB];
	_ =	sdelay $0x3  }
0x92: {  	_ =	strace s18  }
0x93: {  	s3 =	sld [smem:$0x3FFC];
	_ =	sdelay $0x3  }
0x94: {  	_ =	strace s3  }
0x95: {  	s3 =	sld [smem:$0x3FFD];
	_ =	sdelay $0x3  }
0x96: {  	_ =	strace s3  }
0x97: {  	_ =	strace $0x8FFFFFFF  }
0x98: {  	s19 =	sld [smem:$0x3FDB];
	_ =	sdelay $0x1  }
0x99: {  	s4 =	simm.s32 $_scs_section_size  }
0x9a: {  	s5 =	simm.s32 $_size__tile_overlayer_lowered;
	s6 =	simm.s32 $_tile_overlayer_lowered  }
0x9b: {  	s22 =	simm.s32 $0x1BFF;
	s21 =	sshll.u32 s6, $0x1;
	s3 =	sadd.s32 s4, s19  }
0x9c: {  	s7 =	simm.s32 $0x0;
	s20 =	sshll.u32 s5, $0x1;
	s5 =	sadd.s32 s21, s3  }
0x9d: {  	[timem:s7], [sflag:s22] =	dma.local [hbm:s5], s20  }
0x9e: {  	_ =	swait.ge [sflag:s22], s20  }
0x9f: {  	s4 =	ssub.s32 $0x0, s20;
	[sflag:s22] =	ssyncset.done $0x0  }
0xa0: {  	[sflag:s22] =	ssyncadd.s32 s4;
	_ =	sdelay $0x1  }
0xa1: {  	s23 =	simm.s32 $0x1B8B  }
0xa2: {  	_ =	swait.ge [sflag:s23], $0x1  }
0xa3: {  	[sflag:s23] =	ssyncset.done $0x0  }
0xa4: {  	s25 =	simm.s32 $0x1B8E;
	s24 =	sld [smem:$0x3FFE];
	[sflag:s23] =	ssyncadd.s32 $0xFFFFFFFF  }
0xa5: {  	s26 =	simm.s32 $execute0_lowered;
	[smem:$0x3FD2] =	sst s25  }
0xa6: {  	s5 =	sshll.u32 s26, $0x1;
	_ =	strace $0x80000046;
	[dreg:$0x1] =	wrdreg $0xFFFFFFFF  }
0xa7: {  	s28 =	simm.s32 $_size_execute0_lowered;
	s3 =	sadd.s32 s3, s5;
	[dreg:$0x0] =	wrdreg $0x0  }
0xa8: {  	s5 =	sshll.u32 s28, $0x1;
	[dreg:$0x2] =	wrdreg s3  }
0xa9: {  	[dreg:$0x3] =	wrdreg s5  }
0xaa: {  	[dreg:$0x4] =	wrdreg $0xC0  }
0xab: {  	_ =	task [dreg:s7], $0x5FFFF  }
0xac: {  	[dreg:$0x1] =	wrdreg $0xFFFFFFFF  }
0xad: {  	[dreg:$0x0] =	wrdreg $0x60  }
0xae: {  	[dreg:$0x2] =	wrdreg s2  }
0xaf: {  	[dreg:$0x3] =	wrdreg s24  }
0xb0: {  	[dreg:$0x4] =	wrdreg $0x9  }
0xb1: {  	_ =	task.clear_ibuf [dreg:s7], $0x5FFFF;
	_ =	strace $0x90000046  }
0xb2: {  	s29 =	simm.s32 $0x9;
	_ =	strace $0x80000048  }
0xb3: {  	_ =	swait.ge [sflag:s29], $0x1  }
0xb4: {  	[sflag:s29] =	ssyncadd.s32 $0xFFFFFFFF  }
0xb5: {  	_ =	strace $0x90000048  }
0xb6: {  	_ =	sfence  }
0xb7: {  	s30 =	sld [smem:$0x0];
	_ =	sdelay $0x2  }
0xb8: {  	s31 =	sshll.u32 s1, $0xD;
	s1 =	sshrl.u32 s1, $0x2  }
0xb9: {  	s3 =	sand.u32 $0x4000, s31;
	s1 =	sadd.s32 s1, s30  }
0xba: {  	s0 =	sor.u32 s3, s0;
	s1 =	sshll.u32 s1, $0x11  }
0xbb: {  	s0 =	sor.u32 s1, s0  }
0xbc: {  	s0 =	sadd.s32 $0x8F2B, s0  }
0xbd: {  	[sflag:s0] =	ssyncadd.remote.s32 $0x1  }
0xbe: {  	_ =	sfence.sel $0xFFFF  }
0xbf: {  	[dreg:$0x0] =	wrdreg $0xFFFFFFFF;
	(pc) =	sbr.abs _section_cstart, $3  }
0xc0: {  	[dreg:$0x1] =	wrdreg $0xFFFFFFFF  }
0xc1: {  	_ =	task.clear_ibuf [dreg:s7], $0x2FFFF;
	_ =	strace $0x9FFFFFFF  }
0xc2: {  	(tm) =	ssettm $0x7FFFFFFF  }
0xc3: {  	_ =	shalt  }
tec
execute0_lowered:
.L_overlay_start_1:
0x0: {  	(tag) =	ssettag $0x1  }
0x1: {  	s1 =	rddreg [dreg:$0x0]  }
0x2: {  	s4 =	rddreg [dreg:$0x1]  }
0x3: {  	s0 =	rddreg [dreg:$0x2];
	s5 =	srdreg.scid  }
0x4: {  	s3 =	simm.s32 $0x0;
	s2 =	stileid.u32;
	s10 =	simm.s32 $0x0  }
0x5: {  	s5 =	sand.u32 $0x1, s5;
	[smem:$0x7FF] =	sst s3;
	s6 =	sshll.u32 s2, $0xE  }
0x6: {  	s8 =	sshll.u32 s2, $0x11;
	s7 =	sshll.u32 s5, $0xD;
	_ =	strace $0x80000047  }
0x7: {  	s31 =	ssub.s32 $0x2, s5;
	s8 =	sadd.s32 s8, s4;
	s5 =	sshll.u32 s5, $0x10  }
0x8: {  	s6 =	sor.u32 s7, s6;
	s9 =	sshrl.u32 s31, $0x1;
	s5 =	sadd.s32 s5, s8  }
0x9: {  	s8 =	simm.s32 $0x80;
	s6 =	sshrl.u32 s6, $0x3;
	s7 =	ssub.s32 s31, s9  }
0xa: {  	s5 =	sadd.s32 $0x9200, s5;
	s9 =	simm.s32 $0x1;
	s6 =	sadd.s32 s6, s4  }
0xb: {  	s4 =	smax.u32 s7, $0x1;
	s7 =	simm.s32 $0x2;
	s6 =	sadd.s32 $0x1200, s6  }
.LBB2_1:
0xc: {  	s11 =	sadd.s32 $0x0, s6  }
0xd: {  	[tilespmem:s3], [sflag:$0x2] =	stream.linear.gather [hbm4b:s11+s3], $0x80, $0x38;
	[tilespmem:$0x2080] =	vst v63  }
0xe: {  	_ =	swait.ge [sflag:s7], $0x80  }
0xf: {  	[sflag:s7] =	ssyncset.done $0x0  }
0x10: {  	[sflag:s7] =	ssyncadd.s32 $0xFFFFFF80  }
0x11: {  	[tilespmem:s8], [sflag:$0x1] =	stream.indirect.gather [hbm4b:s1+s8], $0x40, s3, s8, $0xb8;
	[tilespmem:$0x2080] =	vst v63  }
0x12: {  	_ =	swait.ge [sflag:s9], $0x2000  }
0x13: {  	[sflag:s9] =	ssyncset.done $0x0  }
0x14: {  	[sflag:s9] =	ssyncadd.s32 $0xFFFFE000  }
0x15: {  	[hbm4b:s5+s3] =	stream.linear.scatter [tilespmem:s8], [sflag:$0x2], $0x2000, $0x38;
	[tilespmem:$0x2080] =	vst v63  }
0x16: {  	s12 =	simm.s32 $0x10;
	_ =	swait.ge [sflag:s7], $0x2000  }
0x17: {  	s13 =	simm.s32 $0x20;
	s11 =	sadd.s32 $0x400, s5;
	[sflag:s7] =	ssyncset.done $0x0  }
.LBB2_2:
0x18: {  	s14 =	sadd.s32 s12, s6  }
0x19: {  	[sflag:s7] =	ssyncadd.s32 $0xFFFFE000;
	s12 =	smov.u32 s13;
	s15 =	sadd.s32 $0x10, s13  }
0x1a: {  	[tilespmem:s3], [sflag:$0x2] =	stream.linear.gather [hbm4b:s14+s3], $0x80, $0x38;
	[tilespmem:$0x2080] =	vst v63  }
0x1b: {  	p0 =	sne.s32 s13, $0x3F0;
	_ =	swait.ge [sflag:s7], $0x80  }
0x1c: {  	[sflag:s7] =	ssyncset.done $0x0  }
0x1d: {  	[sflag:s7] =	ssyncadd.s32 $0xFFFFFF80  }
0x1e: {  	[tilespmem:s8], [sflag:$0x1] =	stream.indirect.gather [hbm4b:s1+s8], $0x40, s3, s8, $0xb8;
	[tilespmem:$0x2080] =	vst v63  }
0x1f: {  	_ =	swait.ge [sflag:s9], $0x2000  }
.Ltmp0:
0x20: {  	[sflag:s9] =	ssyncset.done $0x0;
	(pc) =	sbr.rel @p0 .LBB2_2-.Ltmp0, $4  }
0x21: {  	[sflag:s9] =	ssyncadd.s32 $0xFFFFE000  }
0x22: {  	[hbm4b:s11+s3] =	stream.linear.scatter [tilespmem:s8], [sflag:$0x2], $0x2000, $0x38;
	[tilespmem:$0x2080] =	vst v63  }
0x23: {  	_ =	swait.ge [sflag:s7], $0x2000  }
0x24: {  	s13 =	smov.u32 s15;
	s11 =	sadd.s32 $0x400, s11;
	[sflag:s7] =	ssyncset.done $0x0  }
0x25: {  	s12 =	sadd.s32 s12, s6;
	[sflag:s7] =	ssyncadd.s32 $0xFFFFE000  }
0x26: {  	[tilespmem:s3], [sflag:$0x2] =	stream.linear.gather [hbm4b:s12+s3], $0x80, $0x38;
	[tilespmem:$0x2080] =	vst v63  }
0x27: {  	_ =	swait.ge [sflag:s7], $0x80  }
0x28: {  	[sflag:s7] =	ssyncset.done $0x0  }
0x29: {  	[sflag:s7] =	ssyncadd.s32 $0xFFFFFF80  }
0x2a: {  	[tilespmem:s8], [sflag:$0x1] =	stream.indirect.gather [hbm4b:s1+s8], $0x40, s3, s8, $0xb8;
	[tilespmem:$0x2080] =	vst v63  }
0x2b: {  	s10 =	sadd.s32 $0x1, s10;
	_ =	swait.ge [sflag:s9], $0x2000  }
0x2c: {  	p0 =	sne.s32 s10, s4;
	[sflag:s9] =	ssyncset.done $0x0  }
.Ltmp1:
0x2d: {  	[sflag:s9] =	ssyncadd.s32 $0xFFFFE000;
	(pc) =	sbr.rel @p0 .LBB2_1-.Ltmp1, $4  }
0x2e: {  	[hbm4b:s11+s3] =	stream.linear.scatter [tilespmem:s8], [sflag:$0x2], $0x2000, $0x38;
	[tilespmem:$0x2080] =	vst v63  }
0x2f: {  	_ =	swait.ge [sflag:s7], $0x2000  }
0x30: {  	[sflag:s7] =	ssyncset.done $0x0  }
0x31: {  	[sflag:s7] =	ssyncadd.s32 $0xFFFFE000  }
0x32: {  	_ =	sfence.sel $0x180000  }
0x33: {  	[bflag:$0x0] =	sbarrier.arrive $0xFFFF  }
0x34: {  	p0 =	sne.s32 s2, $0x0;
	_ =	strace $0x90000047  }
0x35: {  	s0 =	sadd.s32 @!p0 $0x100000, s0;
	[bflag:$0x2] =	sbarrier.arrive $0xFFFF  }
0x36: {  	[sflag:s0] =	ssyncadd.tile.s32 @!p0 $0x1;
	_ =	shalt  }
.Lfunc_end2:
_tile_overlayer_lowered:
.L_overlay_start_2:
0x37: {  	(tag) =	ssettag $0x2  }
0x38: {  	s0 =	rddreg [dreg:$0x0];
	s2 =	stileid.u32  }
0x39: {  	s1 =	rddreg [dreg:$0x1];
	p0 =	sne.s32 s2, $0x0  }
0x3a: {  	s3 =	rddreg [dreg:$0x2];
	[bflag:$0x3] =	sbarrier.arrive $0xFFFF;
	s2 =	simm.s32 @!p0 $0x1C02  }
0x3b: {  	[timem:s3], [sflag:s2] =	dma.local @!p0 [hbm:s0], s1  }
0x3c: {  	s0 =	simm.s32 @!p0 $0x2  }
0x3d: {  	_ =	swait.ge @!p0 [sflag:s0], s1  }
0x3e: {  	s1 =	ssub.s32 @!p0 $0x0, s1;
	[sflag:s0] =	ssyncset.done @!p0 $0x0  }
0x3f: {  	[sflag:s0] =	ssyncadd.s32 @!p0 s1  }
0x40: {  	[bflag:$0x3] =	sbarrier.arrive $0xFFFF  }
0x41: {  	_ =	shalt  }

</sc_bundles>
